<compile_context>
chip_gen: v7x
topology: tpu7x:2x2x1
jax: 0.10.2.dev20260603
libtpu: 0.0.44.dev20260713+nightly
codegen_flags: <defaults>
</compile_context>

<pallas_src>
import functools

import jax
import jax.numpy as jnp
from jax import lax
from jax.experimental import pallas as pl
from jax.experimental.pallas import tpu as pltpu
from jax.experimental.pallas import tpu_sc as plsc

N = 10000
D = 128
E = 320000
E_TOT = E + N
NC = 2
NS = 16
NW = NC * NS
CHUNK = 128
CPW = 81
EPW = CPW * CHUNK
E_PAD = NW * EPW
N_PAD = 10240
STRIPE = N_PAD // NS

_mesh = plsc.VectorSubcoreMesh(core_axis_name="c", subcore_axis_name="s")



def _tc_pre_body(x_ref, w_ref, as_ref, ad_ref, h_ref, a2_ref, cm_ref):
    h = jnp.dot(x_ref[...], w_ref[...], preferred_element_type=jnp.float32)
    h_ref[...] = h
    a_src = jnp.sum(h * as_ref[...], axis=1)
    a_dst = jnp.sum(h * ad_ref[...], axis=1)
    a2_ref[...] = jnp.stack([a_src, a_dst])
    cm_ref[...] = jnp.maximum(jnp.max(a_src) + jnp.max(a_dst), 0.0).reshape(1, 1)


def _tc_pre(x, w, att_src, att_dst):
    return pl.pallas_call(
        _tc_pre_body,
        out_shape=(
            jax.ShapeDtypeStruct((N, D), jnp.float32),
            jax.ShapeDtypeStruct((2, N), jnp.float32),
            jax.ShapeDtypeStruct((1, 1), jnp.float32),
        ),
    )(x, w, att_src.reshape(1, D), att_dst.reshape(1, D))


def _tc_mid_body(p_ref, den_ref, b_ref, w_ref, as_ref, ad_ref,
                 h_ref, a2_ref, cm_ref):
    d = den_ref[0, :N] + den_ref[1, :N] + 1e-16
    xin = (p_ref[0] + p_ref[1]) * (1.0 / d)[:, None] + b_ref[...]
    xin = jnp.where(xin >= 0, xin, 0.01 * xin)
    h = jnp.dot(xin, w_ref[...], preferred_element_type=jnp.float32)
    h_ref[...] = h
    a_src = jnp.sum(h * as_ref[...], axis=1)
    a_dst = jnp.sum(h * ad_ref[...], axis=1)
    a2_ref[...] = jnp.stack([a_src, a_dst])
    cm_ref[...] = jnp.maximum(jnp.max(a_src) + jnp.max(a_dst), 0.0).reshape(1, 1)


def _tc_mid(parts, den, b, w, att_src, att_dst):
    return pl.pallas_call(
        _tc_mid_body,
        out_shape=(
            jax.ShapeDtypeStruct((N, D), jnp.float32),
            jax.ShapeDtypeStruct((2, N), jnp.float32),
            jax.ShapeDtypeStruct((1, 1), jnp.float32),
        ),
    )(parts, den, b.reshape(1, D), w,
      att_src.reshape(1, D), att_dst.reshape(1, D))


def _tc_post_body(p_ref, den_ref, b_ref, out_ref):
    d = den_ref[0, :N] + den_ref[1, :N] + 1e-16
    s = (p_ref[0] + p_ref[1]) * (1.0 / d)[:, None] + b_ref[...]
    m = jnp.max(s, axis=0, keepdims=True)
    e = jnp.exp(s - m)
    out_ref[...] = e / jnp.sum(e, axis=0, keepdims=True)


def _tc_post(parts, den, b):
    return pl.pallas_call(
        _tc_post_body,
        out_shape=jax.ShapeDtypeStruct((N, D), jnp.float32),
    )(parts, den, b.reshape(1, D))



@functools.partial(
    pl.kernel,
    out_type=(
        jax.ShapeDtypeStruct((NW, CPW, CHUNK), jnp.float32),
        jax.ShapeDtypeStruct((NC, N_PAD), jnp.float32),
    ),
    mesh=_mesh,
    compiler_params=pltpu.CompilerParams(needs_layout_passes=False),
    scratch_types=[
        pltpu.VMEM((N,), jnp.float32),
        pltpu.VMEM((N,), jnp.float32),
        pltpu.VMEM((CPW, CHUNK), jnp.int32),
        pltpu.VMEM((CPW, CHUNK), jnp.int32),
        pltpu.VMEM((CPW, CHUNK), jnp.float32),
        pltpu.VMEM((STRIPE,), jnp.float32),
        pltpu.VMEM((16,), jnp.float32),
        pltpu.VMEM_SHARED((N_PAD,), jnp.float32),
    ],
)
def _sc_alpha(asrc_hbm, adst_hbm, srcp_hbm, dstp_hbm, c16_hbm,
              ex_hbm, den_hbm,
              asrc_v, adst_v, src_v, dst_v, ex_v, zero_v, c_v, den_s):
    c = lax.axis_index("c")
    s = lax.axis_index("s")
    wid = s * NC + c

    pltpu.sync_copy(asrc_hbm, asrc_v)
    pltpu.sync_copy(adst_hbm, adst_v)
    pltpu.sync_copy(srcp_hbm.at[wid], src_v)
    pltpu.sync_copy(dstp_hbm.at[wid], dst_v)
    pltpu.sync_copy(c16_hbm, c_v)

    def zero_body(i, carry):
        zero_v[pl.ds(i * 16, 16)] = jnp.zeros((16,), jnp.float32)
        return carry
    lax.fori_loop(0, STRIPE // 16, zero_body, 0)
    pltpu.sync_copy(zero_v, den_s.at[pl.ds(s * STRIPE, STRIPE)])

    cvec = c_v[...]
    base = wid * EPW
    lane = lax.iota(jnp.int32, 16)

    def alpha_body(j, carry):
        for k in range(CHUNK // 16):
            si = src_v[j, pl.ds(k * 16, 16)]
            di = dst_v[j, pl.ds(k * 16, 16)]
            a_s = plsc.load_gather(asrc_v, [si])
            a_d = plsc.load_gather(adst_v, [di])
            alpha = a_s + a_d
            alpha = jnp.where(alpha >= 0, alpha, 0.2 * alpha)
            ex = jnp.exp(alpha - cvec)
            eid = base + j * CHUNK + k * 16 + lane
            ex = jnp.where(eid < E_TOT, ex, 0.0)
            ex_v[j, pl.ds(k * 16, 16)] = ex
        return carry
    lax.fori_loop(0, CPW, alpha_body, 0)

    plsc.subcore_barrier()

    def scat_body(j, carry):
        pltpu.sync_copy(ex_v.at[j], den_s.at[dst_v.at[j]], add=True)
        return carry
    lax.fori_loop(0, CPW, scat_body, 0)

    plsc.subcore_barrier()

    pltpu.sync_copy(ex_v, ex_hbm.at[wid])

    @pl.when(s == 0)
    def _():
        pltpu.sync_copy(den_s, den_hbm.at[c])


@functools.partial(
    pl.kernel,
    out_type=jax.ShapeDtypeStruct((NC, N, D), jnp.float32),
    mesh=_mesh,
    compiler_params=pltpu.CompilerParams(needs_layout_passes=False),
    scratch_types=[
        pltpu.VMEM((CPW, CHUNK), jnp.int32),
        pltpu.VMEM((CPW, CHUNK), jnp.int32),
        pltpu.VMEM((CPW, CHUNK), jnp.float32),
        pltpu.VMEM((CHUNK, D), jnp.float32),
        pltpu.VMEM_SHARED((N, D), jnp.float32),
        pltpu.SemaphoreType.DMA,
    ],
)
def _sc_agg(h_hbm, srcp_hbm, dstp_hbm, ex_hbm,
            out_hbm,
            src_v, dst_v, coef_v, msg_v, acc_s, sem):
    c = lax.axis_index("c")
    s = lax.axis_index("s")
    wid = s * NC + c

    pltpu.sync_copy(srcp_hbm.at[wid], src_v)
    pltpu.sync_copy(dstp_hbm.at[wid], dst_v)
    pltpu.sync_copy(ex_hbm.at[wid], coef_v)

    def zrow(i, carry):
        for k in range(D // 16):
            msg_v[i, pl.ds(k * 16, 16)] = jnp.zeros((16,), jnp.float32)
        return carry
    lax.fori_loop(0, CHUNK, zrow, 0)
    astripe = N // NS
    for i in range(astripe // CHUNK):
        pltpu.sync_copy(msg_v,
                        acc_s.at[pl.ds(s * astripe + i * CHUNK, CHUNK)])
    rem = astripe % CHUNK
    pltpu.sync_copy(msg_v.at[pl.ds(0, rem)],
                    acc_s.at[pl.ds(s * astripe + astripe - rem, rem)])

    plsc.subcore_barrier()

    def chunk_body(j, carry):
        pltpu.async_copy(h_hbm.at[src_v.at[j]], msg_v, sem).wait()

        def scale_row(r, carry2):
            cf = plsc.load_gather(coef_v, [jnp.full((16,), j, jnp.int32),
                                           jnp.full((16,), r, jnp.int32)])
            for k in range(D // 16):
                msg_v[r, pl.ds(k * 16, 16)] = msg_v[r, pl.ds(k * 16, 16)] * cf
            return carry2
        lax.fori_loop(0, CHUNK, scale_row, 0)

        pltpu.sync_copy(msg_v, acc_s.at[dst_v.at[j]], add=True)
        return carry
    lax.fori_loop(0, CPW, chunk_body, 0)

    plsc.subcore_barrier()

    @pl.when(s == 0)
    def _():
        pltpu.sync_copy(acc_s, out_hbm.at[c])



def _prep_edges(edge_index):
    loop = jnp.arange(N, dtype=edge_index.dtype)
    src = jnp.concatenate([edge_index[0], loop])
    dst = jnp.concatenate([edge_index[1], loop])
    src = jnp.pad(src, (0, E_PAD - E_TOT)).reshape(NW, CPW, CHUNK)
    dst = jnp.pad(dst, (0, E_PAD - E_TOT)).reshape(NW, CPW, CHUNK)
    return src, dst


def _gat_layer(h, a2, cm, srcp, dstp):
    c16 = jnp.full((16,), cm[0, 0], jnp.float32)
    ex, den = _sc_alpha(a2[0], a2[1], srcp, dstp, c16)
    return _sc_agg(h, srcp, dstp, ex), den


def kernel(x, edge_index, W1, att_src1, att_dst1, b1,
           W2, att_src2, att_dst2, b2):
    srcp, dstp = _prep_edges(edge_index)
    h1, a2_1, cm1 = _tc_pre(x, W1, att_src1, att_dst1)
    parts1, den1 = _gat_layer(h1, a2_1, cm1, srcp, dstp)
    h2, a2_2, cm2 = _tc_mid(parts1, den1, b1, W2, att_src2, att_dst2)
    parts2, den2 = _gat_layer(h2, a2_2, cm2, srcp, dstp)
    return _tc_post(parts2, den2, b2)

# --- scband reference (transcript-rebuilt; emitter-appended) ---
"""Pipeline reference for scband-gatnetwork-26104811225644 (READ-ONLY COPY).

The authoritative reference and input builder live on the scoring server;
editing this copy changes nothing except your own understanding.
"""

import jax, jax.numpy as jnp
import numpy as np

N = 10000
E = 320000
D_IN = 128
H1 = 128
H2 = 128


def _glorot(key, shape):
    fan_in, fan_out = shape[0], shape[-1]
    limit = float(np.sqrt(6.0 / (fan_in + fan_out)))
    return jax.random.uniform(key, shape, dtype=jnp.float32, minval=-limit, maxval=limit)


def setup_inputs(seed: int = 0) -> dict:
    key = jax.random.key(seed)
    ks = jax.random.split(key, 12)
    x = jax.random.normal(ks[0], (N, D_IN), dtype=jnp.float32)
    edge_index = jax.random.randint(ks[1], (2, E), 0, N, dtype=jnp.int32)
    W1 = _glorot(ks[2], (D_IN, H1))
    att_src1 = _glorot(ks[3], (1, H1))[0]
    att_dst1 = _glorot(ks[4], (1, H1))[0]
    b1 = jnp.zeros((H1,), dtype=jnp.float32)
    W2 = _glorot(ks[5], (H1, H2))
    att_src2 = _glorot(ks[6], (1, H2))[0]
    att_dst2 = _glorot(ks[7], (1, H2))[0]
    b2 = jnp.zeros((H2,), dtype=jnp.float32)
    return {"x": x, "edge_index": edge_index, "W1": W1, "att_src1": att_src1,
            "att_dst1": att_dst1, "b1": b1, "W2": W2, "att_src2": att_src2,
            "att_dst2": att_dst2, "b2": b2}


def _gat_conv(x, edge_index, W, att_src, att_dst, bias):
    # Faithful PyG GATConv (heads=1, concat=True, add_self_loops=True, negative_slope=0.2)
    n = x.shape[0]
    loop = jnp.arange(n, dtype=edge_index.dtype)
    src = jnp.concatenate([edge_index[0], loop])
    dst = jnp.concatenate([edge_index[1], loop])
    h = x @ W                              # [N, C]
    a_src = jnp.sum(h * att_src, axis=-1)  # [N]
    a_dst = jnp.sum(h * att_dst, axis=-1)  # [N]
    alpha = a_src[src] + a_dst[dst]        # gather, [E+N]
    alpha = jax.nn.leaky_relu(alpha, 0.2)
    amax = jax.ops.segment_max(alpha, dst, num_segments=n)
    ex = jnp.exp(alpha - amax[dst])
    denom = jax.ops.segment_sum(ex, dst, num_segments=n)
    coef = ex / (denom[dst] + 1e-16)
    msg = h[src] * coef[:, None]           # gather + scale
    out = jax.ops.segment_sum(msg, dst, num_segments=n)  # scatter-add
    return out + bias


def reference(x, edge_index, W1, att_src1, att_dst1, b1, W2, att_src2, att_dst2, b2):
    h = _gat_conv(x, edge_index, W1, att_src1, att_dst1, b1)
    h = jax.nn.leaky_relu(h, 0.01)   # F.leaky_relu default slope
    # F.dropout treated as identity (eval-mode) for a deterministic reference
    h = _gat_conv(h, edge_index, W2, att_src2, att_dst2, b2)
    return jax.nn.softmax(h, axis=0)

if __name__ == "__main__":
    import jax
    _d = setup_inputs()
    print(jax.jit(kernel)(*tuple(_d.values())))

</pallas_src>

<mosaic_0001>
#map = affine_map<(d0, d1) -> (0)>
#map1 = affine_map<(d0, d1) -> (0, 0, 0)>
#map2 = affine_map<(d0, d1) -> (0, 0)>
module attributes {stable_mosaic.version = 14 : i64} {
  func.func @_sc_alpha(%arg0: i32, %arg1: i32, %arg2: memref<10000xf32, #tpu.memory_space<hbm>>, %arg3: memref<10000xf32, #tpu.memory_space<hbm>>, %arg4: memref<32x81x128xi32, #tpu.memory_space<hbm>>, %arg5: memref<32x81x128xi32, #tpu.memory_space<hbm>>, %arg6: memref<16xf32, #tpu.memory_space<hbm>>, %arg7: memref<32x81x128xf32, #tpu.memory_space<hbm>>, %arg8: memref<2x10240xf32, #tpu.memory_space<hbm>>, %arg9: memref<10000xf32, #tpu.memory_space<vmem>>, %arg10: memref<10000xf32, #tpu.memory_space<vmem>>, %arg11: memref<81x128xi32, #tpu.memory_space<vmem>>, %arg12: memref<81x128xi32, #tpu.memory_space<vmem>>, %arg13: memref<81x128xf32, #tpu.memory_space<vmem>>, %arg14: memref<640xf32, #tpu.memory_space<vmem>>, %arg15: memref<16xf32, #tpu.memory_space<vmem>>, %arg16: memref<10240xf32, #tpu.memory_space<vmem_shared>>) attributes {dimension_semantics = [#tpu.dimension_semantics<core_parallel>, #tpu.dimension_semantics<subcore_parallel>], iteration_bounds = array<i64: 2, 16>, scalar_prefetch = 0 : i64, scratch_operands = 8 : i64, tpu.core_type = #tpu.core_type<sc_vector_subcore>, window_params = [{transform_indices = #map}, {transform_indices = #map}, {transform_indices = #map1}, {transform_indices = #map1}, {transform_indices = #map}, {transform_indices = #map1}, {transform_indices = #map2}]} {
    %mul3A = arith.constant 2 : i32
    %mul3A_0 = arith.muli %arg1, %mul3A : i32
    %add3A = arith.addi %mul3A_0, %arg0 : i32
    "tpu.region"() ({
      %run_scoped3A = tpu.sem_alloc : memref<!tpu.dma_semaphore, #tpu.memory_space<semaphore_mem>>
      tpu.enqueue_dma source(%arg2 : memref<10000xf32, #tpu.memory_space<hbm>>) target(%arg9 : memref<10000xf32, #tpu.memory_space<vmem>>) target_semaphore(%run_scoped3A : memref<!tpu.dma_semaphore, #tpu.memory_space<semaphore_mem>>)
      tpu.wait_dma2 semaphore(%run_scoped3A : memref<!tpu.dma_semaphore, #tpu.memory_space<semaphore_mem>>) src(%arg2 : memref<10000xf32, #tpu.memory_space<hbm>>) dst(%arg9 : memref<10000xf32, #tpu.memory_space<vmem>>)
      tpu.yield
    }) : () -> ()
    "tpu.region"() ({
      %run_scoped3A = tpu.sem_alloc : memref<!tpu.dma_semaphore, #tpu.memory_space<semaphore_mem>>
      tpu.enqueue_dma source(%arg3 : memref<10000xf32, #tpu.memory_space<hbm>>) target(%arg10 : memref<10000xf32, #tpu.memory_space<vmem>>) target_semaphore(%run_scoped3A : memref<!tpu.dma_semaphore, #tpu.memory_space<semaphore_mem>>)
      tpu.wait_dma2 semaphore(%run_scoped3A : memref<!tpu.dma_semaphore, #tpu.memory_space<semaphore_mem>>) src(%arg3 : memref<10000xf32, #tpu.memory_space<hbm>>) dst(%arg10 : memref<10000xf32, #tpu.memory_space<vmem>>)
      tpu.yield
    }) : () -> ()
    "tpu.region"() ({
      %run_scoped3A = tpu.sem_alloc : memref<!tpu.dma_semaphore, #tpu.memory_space<semaphore_mem>>
      %dma_start3A = arith.constant 0 : i32
      %dma_start3A_26 = arith.constant 0 : i32
      %dma_start3A_27 = tpu.memref_slice %arg4[%add3A, %dma_start3A, %dma_start3A_26] : memref<32x81x128xi32, #tpu.memory_space<hbm>> -> memref<1x81x128xi32, #tpu.memory_space<hbm>>
      %dma_start3A_28 = tpu.memref_squeeze %dma_start3A_27 : memref<1x81x128xi32, #tpu.memory_space<hbm>> -> memref<81x128xi32, #tpu.memory_space<hbm>>
      %dma_start3A_29 = arith.constant 0 : i32
      %dma_start3A_30 = arith.constant 0 : i32
      %dma_start3A_31 = tpu.memref_slice %arg4[%add3A, %dma_start3A_29, %dma_start3A_30] : memref<32x81x128xi32, #tpu.memory_space<hbm>> -> memref<1x81x128xi32, #tpu.memory_space<hbm>>
      %dma_start3A_32 = tpu.memref_squeeze %dma_start3A_31 : memref<1x81x128xi32, #tpu.memory_space<hbm>> -> memref<81x128xi32, #tpu.memory_space<hbm>>
      tpu.enqueue_dma source(%dma_start3A_32 : memref<81x128xi32, #tpu.memory_space<hbm>>) target(%arg11 : memref<81x128xi32, #tpu.memory_space<vmem>>) target_semaphore(%run_scoped3A : memref<!tpu.dma_semaphore, #tpu.memory_space<semaphore_mem>>)
      %dma_wait3A = arith.constant 0 : i32
      %dma_wait3A_33 = arith.constant 0 : i32
      %dma_wait3A_34 = tpu.memref_slice %arg4[%add3A, %dma_wait3A, %dma_wait3A_33] : memref<32x81x128xi32, #tpu.memory_space<hbm>> -> memref<1x81x128xi32, #tpu.memory_space<hbm>>
      %dma_wait3A_35 = tpu.memref_squeeze %dma_wait3A_34 : memref<1x81x128xi32, #tpu.memory_space<hbm>> -> memref<81x128xi32, #tpu.memory_space<hbm>>
      %dma_wait3A_36 = arith.constant 0 : i32
      %dma_wait3A_37 = arith.constant 0 : i32
      %dma_wait3A_38 = tpu.memref_slice %arg4[%add3A, %dma_wait3A_36, %dma_wait3A_37] : memref<32x81x128xi32, #tpu.memory_space<hbm>> -> memref<1x81x128xi32, #tpu.memory_space<hbm>>
      %dma_wait3A_39 = tpu.memref_squeeze %dma_wait3A_38 : memref<1x81x128xi32, #tpu.memory_space<hbm>> -> memref<81x128xi32, #tpu.memory_space<hbm>>
      tpu.wait_dma2 semaphore(%run_scoped3A : memref<!tpu.dma_semaphore, #tpu.memory_space<semaphore_mem>>) src(%dma_wait3A_39 : memref<81x128xi32, #tpu.memory_space<hbm>>) dst(%arg11 : memref<81x128xi32, #tpu.memory_space<vmem>>)
      tpu.yield
    }) : () -> ()
    "tpu.region"() ({
      %run_scoped3A = tpu.sem_alloc : memref<!tpu.dma_semaphore, #tpu.memory_space<semaphore_mem>>
      %dma_start3A = arith.constant 0 : i32
      %dma_start3A_26 = arith.constant 0 : i32
      %dma_start3A_27 = tpu.memref_slice %arg5[%add3A, %dma_start3A, %dma_start3A_26] : memref<32x81x128xi32, #tpu.memory_space<hbm>> -> memref<1x81x128xi32, #tpu.memory_space<hbm>>
      %dma_start3A_28 = tpu.memref_squeeze %dma_start3A_27 : memref<1x81x128xi32, #tpu.memory_space<hbm>> -> memref<81x128xi32, #tpu.memory_space<hbm>>
      %dma_start3A_29 = arith.constant 0 : i32
      %dma_start3A_30 = arith.constant 0 : i32
      %dma_start3A_31 = tpu.memref_slice %arg5[%add3A, %dma_start3A_29, %dma_start3A_30] : memref<32x81x128xi32, #tpu.memory_space<hbm>> -> memref<1x81x128xi32, #tpu.memory_space<hbm>>
      %dma_start3A_32 = tpu.memref_squeeze %dma_start3A_31 : memref<1x81x128xi32, #tpu.memory_space<hbm>> -> memref<81x128xi32, #tpu.memory_space<hbm>>
      tpu.enqueue_dma source(%dma_start3A_32 : memref<81x128xi32, #tpu.memory_space<hbm>>) target(%arg12 : memref<81x128xi32, #tpu.memory_space<vmem>>) target_semaphore(%run_scoped3A : memref<!tpu.dma_semaphore, #tpu.memory_space<semaphore_mem>>)
      %dma_wait3A = arith.constant 0 : i32
      %dma_wait3A_33 = arith.constant 0 : i32
      %dma_wait3A_34 = tpu.memref_slice %arg5[%add3A, %dma_wait3A, %dma_wait3A_33] : memref<32x81x128xi32, #tpu.memory_space<hbm>> -> memref<1x81x128xi32, #tpu.memory_space<hbm>>
      %dma_wait3A_35 = tpu.memref_squeeze %dma_wait3A_34 : memref<1x81x128xi32, #tpu.memory_space<hbm>> -> memref<81x128xi32, #tpu.memory_space<hbm>>
      %dma_wait3A_36 = arith.constant 0 : i32
      %dma_wait3A_37 = arith.constant 0 : i32
      %dma_wait3A_38 = tpu.memref_slice %arg5[%add3A, %dma_wait3A_36, %dma_wait3A_37] : memref<32x81x128xi32, #tpu.memory_space<hbm>> -> memref<1x81x128xi32, #tpu.memory_space<hbm>>
      %dma_wait3A_39 = tpu.memref_squeeze %dma_wait3A_38 : memref<1x81x128xi32, #tpu.memory_space<hbm>> -> memref<81x128xi32, #tpu.memory_space<hbm>>
      tpu.wait_dma2 semaphore(%run_scoped3A : memref<!tpu.dma_semaphore, #tpu.memory_space<semaphore_mem>>) src(%dma_wait3A_39 : memref<81x128xi32, #tpu.memory_space<hbm>>) dst(%arg12 : memref<81x128xi32, #tpu.memory_space<vmem>>)
      tpu.yield
    }) : () -> ()
    "tpu.region"() ({
      %run_scoped3A = tpu.sem_alloc : memref<!tpu.dma_semaphore, #tpu.memory_space<semaphore_mem>>
      tpu.enqueue_dma source(%arg6 : memref<16xf32, #tpu.memory_space<hbm>>) target(%arg15 : memref<16xf32, #tpu.memory_space<vmem>>) target_semaphore(%run_scoped3A : memref<!tpu.dma_semaphore, #tpu.memory_space<semaphore_mem>>)
      tpu.wait_dma2 semaphore(%run_scoped3A : memref<!tpu.dma_semaphore, #tpu.memory_space<semaphore_mem>>) src(%arg6 : memref<16xf32, #tpu.memory_space<hbm>>) dst(%arg15 : memref<16xf32, #tpu.memory_space<vmem>>)
      tpu.yield
    }) : () -> ()
    %scan3A = arith.constant 0 : i32
    %scan3A_1 = arith.constant 0 : i32
    %scan3A_2 = arith.constant 40 : i32
    %scan3A_3 = arith.addi %scan3A_1, %scan3A_2 : i32
    %scan3A_4 = arith.constant 1 : i32
    scf.for %scan3A_26 = %scan3A_1 to %scan3A_3 step %scan3A_4  : i32 {
      %broadcast_in_dim3A = arith.constant 0.000000e+00 : f32
      %broadcast_in_dim3A_27 = vector.broadcast %broadcast_in_dim3A : f32 to vector<16xf32>
      %mul3A_28 = arith.constant 16 : i32
      %mul3A_29 = arith.muli %scan3A_26, %mul3A_28 : i32
      %swap3A = arith.index_cast %mul3A_29 : i32 to index
      %swap3A_30 = tpu.vector_load %arg14[%swap3A] {strides = array<i32>} : memref<640xf32, #tpu.memory_space<vmem>>, vector<16xf32>,
      tpu.vector_store %arg14[%swap3A], %broadcast_in_dim3A_27 {strides = array<i32>} : memref<640xf32, #tpu.memory_space<vmem>>, vector<16xf32>,
    }
    %scan3A_5 = arith.constant 40 : i32
    %mul3A_6 = arith.constant 640 : i32
    %mul3A_7 = arith.muli %arg1, %mul3A_6 : i32
    "tpu.region"() ({
      %run_scoped3A = tpu.sem_alloc : memref<!tpu.dma_semaphore, #tpu.memory_space<semaphore_mem>>
      %dma_start3A = tpu.memref_slice %arg16[%mul3A_7] : memref<10240xf32, #tpu.memory_space<vmem_shared>> -> memref<640xf32, #tpu.memory_space<vmem_shared>>
      %dma_start3A_26 = tpu.memref_slice %arg16[%mul3A_7] : memref<10240xf32, #tpu.memory_space<vmem_shared>> -> memref<640xf32, #tpu.memory_space<vmem_shared>>
      tpu.enqueue_dma source(%arg14 : memref<640xf32, #tpu.memory_space<vmem>>) target(%dma_start3A_26 : memref<640xf32, #tpu.memory_space<vmem_shared>>) target_semaphore(%run_scoped3A : memref<!tpu.dma_semaphore, #tpu.memory_space<semaphore_mem>>)
      %dma_wait3A = tpu.memref_slice %arg16[%mul3A_7] : memref<10240xf32, #tpu.memory_space<vmem_shared>> -> memref<640xf32, #tpu.memory_space<vmem_shared>>
      %dma_wait3A_27 = tpu.memref_slice %arg16[%mul3A_7] : memref<10240xf32, #tpu.memory_space<vmem_shared>> -> memref<640xf32, #tpu.memory_space<vmem_shared>>
      tpu.wait_dma2 semaphore(%run_scoped3A : memref<!tpu.dma_semaphore, #tpu.memory_space<semaphore_mem>>) src(%arg14 : memref<640xf32, #tpu.memory_space<vmem>>) dst(%dma_wait3A_27 : memref<640xf32, #tpu.memory_space<vmem_shared>>)
      tpu.yield
    }) : () -> ()
    %get3A = arith.constant 0 : index
    %get3A_8 = tpu.vector_load %arg15[%get3A] {strides = array<i32>} : memref<16xf32, #tpu.memory_space<vmem>>, vector<16xf32>,
    %mul3A_9 = arith.constant 10368 : i32
    %mul3A_10 = arith.muli %add3A, %mul3A_9 : i32
    %iota3A = tpu.iota {dimensions = array<i32: 0>} : vector<16xi32>
    %scan3A_11 = arith.constant 0 : i32
    %scan3A_12 = arith.constant 0 : i32
    %scan3A_13 = arith.constant 81 : i32
    %scan3A_14 = arith.addi %scan3A_12, %scan3A_13 : i32
    %scan3A_15 = arith.constant 1 : i32
    scf.for %scan3A_26 = %scan3A_12 to %scan3A_14 step %scan3A_15  : i32 {
      %get3A_27 = arith.index_cast %scan3A_26 : i32 to index
      %get3A_28 = arith.constant 0 : index
      %get3A_29 = tpu.vector_load %arg11[%get3A_27, %get3A_28] {strides = array<i32>} : memref<81x128xi32, #tpu.memory_space<vmem>>, vector<16xi32>,
      %get3A_30 = arith.index_cast %scan3A_26 : i32 to index
      %get3A_31 = arith.constant 0 : index
      %get3A_32 = tpu.vector_load %arg12[%get3A_30, %get3A_31] {strides = array<i32>} : memref<81x128xi32, #tpu.memory_space<vmem>>, vector<16xi32>,
      %gather3A = tpu.vector_load_idx %arg9[%get3A_29] : memref<10000xf32, #tpu.memory_space<vmem>>[vector<16xi32>], vector<16xf32>,
      %gather3A_33 = tpu.vector_load_idx %arg10[%get3A_32] : memref<10000xf32, #tpu.memory_space<vmem>>[vector<16xi32>], vector<16xf32>,
      %add3A_34 = arith.addf %gather3A, %gather3A_33 : vector<16xf32>
      %ge3A = arith.constant 0.000000e+00 : f32
      %ge3A_35 = vector.broadcast %ge3A : f32 to vector<16xf32>
      %ge3A_36 = arith.cmpf oge, %add3A_34, %ge3A_35 : vector<16xf32>
      %mul3A_37 = arith.constant 2.000000e-01 : f32
      %mul3A_38 = vector.broadcast %mul3A_37 : f32 to vector<16xf32>
      %mul3A_39 = arith.mulf %mul3A_38, %add3A_34 : vector<16xf32>
      %select_n3A = arith.select %ge3A_36, %add3A_34, %mul3A_39 : vector<16xi1>, vector<16xf32>
      %sub3A = arith.subf %select_n3A, %get3A_8 : vector<16xf32>
      %exp3A = math.exp %sub3A : vector<16xf32>
      %mul3A_40 = arith.constant 128 : i32
      %mul3A_41 = arith.muli %scan3A_26, %mul3A_40 : i32
      %add3A_42 = arith.addi %mul3A_10, %mul3A_41 : i32
      %add3A_43 = arith.constant 0 : i32
      %add3A_44 = arith.addi %add3A_42, %add3A_43 : i32
      %add3A_45 = vector.broadcast %add3A_44 : i32 to vector<16xi32>
      %add3A_46 = arith.addi %add3A_45, %iota3A : vector<16xi32>
      %lt3A = arith.constant 330000 : i32
      %lt3A_47 = vector.broadcast %lt3A : i32 to vector<16xi32>
      %lt3A_48 = arith.cmpi slt, %add3A_46, %lt3A_47 : vector<16xi32>
      %jit3A = arith.constant 0.000000e+00 : f32
      %broadcast_in_dim3A = vector.broadcast %jit3A : f32 to vector<16xf32>
      %select_n3A_49 = arith.select %lt3A_48, %exp3A, %broadcast_in_dim3A : vector<16xi1>, vector<16xf32>
      %swap3A = arith.index_cast %scan3A_26 : i32 to index
      %swap3A_50 = arith.constant 0 : index
      %swap3A_51 = tpu.vector_load %arg13[%swap3A, %swap3A_50] {strides = array<i32>} : memref<81x128xf32, #tpu.memory_space<vmem>>, vector<16xf32>,
      tpu.vector_store %arg13[%swap3A, %swap3A_50], %select_n3A_49 {strides = array<i32>} : memref<81x128xf32, #tpu.memory_space<vmem>>, vector<16xf32>,
      %get3A_52 = arith.index_cast %scan3A_26 : i32 to index
      %get3A_53 = arith.constant 16 : index
      %get3A_54 = tpu.vector_load %arg11[%get3A_52, %get3A_53] {strides = array<i32>} : memref<81x128xi32, #tpu.memory_space<vmem>>, vector<16xi32>,
      %get3A_55 = arith.index_cast %scan3A_26 : i32 to index
      %get3A_56 = arith.constant 16 : index
      %get3A_57 = tpu.vector_load %arg12[%get3A_55, %get3A_56] {strides = array<i32>} : memref<81x128xi32, #tpu.memory_space<vmem>>, vector<16xi32>,
      %gather3A_58 = tpu.vector_load_idx %arg9[%get3A_54] : memref<10000xf32, #tpu.memory_space<vmem>>[vector<16xi32>], vector<16xf32>,
      %gather3A_59 = tpu.vector_load_idx %arg10[%get3A_57] : memref<10000xf32, #tpu.memory_space<vmem>>[vector<16xi32>], vector<16xf32>,
      %add3A_60 = arith.addf %gather3A_58, %gather3A_59 : vector<16xf32>
      %ge3A_61 = arith.constant 0.000000e+00 : f32
      %ge3A_62 = vector.broadcast %ge3A_61 : f32 to vector<16xf32>
      %ge3A_63 = arith.cmpf oge, %add3A_60, %ge3A_62 : vector<16xf32>
      %mul3A_64 = arith.constant 2.000000e-01 : f32
      %mul3A_65 = vector.broadcast %mul3A_64 : f32 to vector<16xf32>
      %mul3A_66 = arith.mulf %mul3A_65, %add3A_60 : vector<16xf32>
      %select_n3A_67 = arith.select %ge3A_63, %add3A_60, %mul3A_66 : vector<16xi1>, vector<16xf32>
      %sub3A_68 = arith.subf %select_n3A_67, %get3A_8 : vector<16xf32>
      %exp3A_69 = math.exp %sub3A_68 : vector<16xf32>
      %mul3A_70 = arith.constant 128 : i32
      %mul3A_71 = arith.muli %scan3A_26, %mul3A_70 : i32
      %add3A_72 = arith.addi %mul3A_10, %mul3A_71 : i32
      %add3A_73 = arith.constant 16 : i32
      %add3A_74 = arith.addi %add3A_72, %add3A_73 : i32
      %add3A_75 = vector.broadcast %add3A_74 : i32 to vector<16xi32>
      %add3A_76 = arith.addi %add3A_75, %iota3A : vector<16xi32>
      %lt3A_77 = arith.constant 330000 : i32
      %lt3A_78 = vector.broadcast %lt3A_77 : i32 to vector<16xi32>
      %lt3A_79 = arith.cmpi slt, %add3A_76, %lt3A_78 : vector<16xi32>
      %jit3A_80 = arith.constant 0.000000e+00 : f32
      %broadcast_in_dim3A_81 = vector.broadcast %jit3A_80 : f32 to vector<16xf32>
      %select_n3A_82 = arith.select %lt3A_79, %exp3A_69, %broadcast_in_dim3A_81 : vector<16xi1>, vector<16xf32>
      %swap3A_83 = arith.index_cast %scan3A_26 : i32 to index
      %swap3A_84 = arith.constant 16 : index
      %swap3A_85 = tpu.vector_load %arg13[%swap3A_83, %swap3A_84] {strides = array<i32>} : memref<81x128xf32, #tpu.memory_space<vmem>>, vector<16xf32>,
      tpu.vector_store %arg13[%swap3A_83, %swap3A_84], %select_n3A_82 {strides = array<i32>} : memref<81x128xf32, #tpu.memory_space<vmem>>, vector<16xf32>,
      %get3A_86 = arith.index_cast %scan3A_26 : i32 to index
      %get3A_87 = arith.constant 32 : index
      %get3A_88 = tpu.vector_load %arg11[%get3A_86, %get3A_87] {strides = array<i32>} : memref<81x128xi32, #tpu.memory_space<vmem>>, vector<16xi32>,
      %get3A_89 = arith.index_cast %scan3A_26 : i32 to index
      %get3A_90 = arith.constant 32 : index
      %get3A_91 = tpu.vector_load %arg12[%get3A_89, %get3A_90] {strides = array<i32>} : memref<81x128xi32, #tpu.memory_space<vmem>>, vector<16xi32>,
      %gather3A_92 = tpu.vector_load_idx %arg9[%get3A_88] : memref<10000xf32, #tpu.memory_space<vmem>>[vector<16xi32>], vector<16xf32>,
      %gather3A_93 = tpu.vector_load_idx %arg10[%get3A_91] : memref<10000xf32, #tpu.memory_space<vmem>>[vector<16xi32>], vector<16xf32>,
      %add3A_94 = arith.addf %gather3A_92, %gather3A_93 : vector<16xf32>
      %ge3A_95 = arith.constant 0.000000e+00 : f32
      %ge3A_96 = vector.broadcast %ge3A_95 : f32 to vector<16xf32>
      %ge3A_97 = arith.cmpf oge, %add3A_94, %ge3A_96 : vector<16xf32>
      %mul3A_98 = arith.constant 2.000000e-01 : f32
      %mul3A_99 = vector.broadcast %mul3A_98 : f32 to vector<16xf32>
      %mul3A_100 = arith.mulf %mul3A_99, %add3A_94 : vector<16xf32>
      %select_n3A_101 = arith.select %ge3A_97, %add3A_94, %mul3A_100 : vector<16xi1>, vector<16xf32>
      %sub3A_102 = arith.subf %select_n3A_101, %get3A_8 : vector<16xf32>
      %exp3A_103 = math.exp %sub3A_102 : vector<16xf32>
      %mul3A_104 = arith.constant 128 : i32
      %mul3A_105 = arith.muli %scan3A_26, %mul3A_104 : i32
      %add3A_106 = arith.addi %mul3A_10, %mul3A_105 : i32
      %add3A_107 = arith.constant 32 : i32
      %add3A_108 = arith.addi %add3A_106, %add3A_107 : i32
      %add3A_109 = vector.broadcast %add3A_108 : i32 to vector<16xi32>
      %add3A_110 = arith.addi %add3A_109, %iota3A : vector<16xi32>
      %lt3A_111 = arith.constant 330000 : i32
      %lt3A_112 = vector.broadcast %lt3A_111 : i32 to vector<16xi32>
      %lt3A_113 = arith.cmpi slt, %add3A_110, %lt3A_112 : vector<16xi32>
      %jit3A_114 = arith.constant 0.000000e+00 : f32
      %broadcast_in_dim3A_115 = vector.broadcast %jit3A_114 : f32 to vector<16xf32>
      %select_n3A_116 = arith.select %lt3A_113, %exp3A_103, %broadcast_in_dim3A_115 : vector<16xi1>, vector<16xf32>
      %swap3A_117 = arith.index_cast %scan3A_26 : i32 to index
      %swap3A_118 = arith.constant 32 : index
      %swap3A_119 = tpu.vector_load %arg13[%swap3A_117, %swap3A_118] {strides = array<i32>} : memref<81x128xf32, #tpu.memory_space<vmem>>, vector<16xf32>,
      tpu.vector_store %arg13[%swap3A_117, %swap3A_118], %select_n3A_116 {strides = array<i32>} : memref<81x128xf32, #tpu.memory_space<vmem>>, vector<16xf32>,
      %get3A_120 = arith.index_cast %scan3A_26 : i32 to index
      %get3A_121 = arith.constant 48 : index
      %get3A_122 = tpu.vector_load %arg11[%get3A_120, %get3A_121] {strides = array<i32>} : memref<81x128xi32, #tpu.memory_space<vmem>>, vector<16xi32>,
      %get3A_123 = arith.index_cast %scan3A_26 : i32 to index
      %get3A_124 = arith.constant 48 : index
      %get3A_125 = tpu.vector_load %arg12[%get3A_123, %get3A_124] {strides = array<i32>} : memref<81x128xi32, #tpu.memory_space<vmem>>, vector<16xi32>,
      %gather3A_126 = tpu.vector_load_idx %arg9[%get3A_122] : memref<10000xf32, #tpu.memory_space<vmem>>[vector<16xi32>], vector<16xf32>,
      %gather3A_127 = tpu.vector_load_idx %arg10[%get3A_125] : memref<10000xf32, #tpu.memory_space<vmem>>[vector<16xi32>], vector<16xf32>,
      %add3A_128 = arith.addf %gather3A_126, %gather3A_127 : vector<16xf32>
      %ge3A_129 = arith.constant 0.000000e+00 : f32
      %ge3A_130 = vector.broadcast %ge3A_129 : f32 to vector<16xf32>
      %ge3A_131 = arith.cmpf oge, %add3A_128, %ge3A_130 : vector<16xf32>
      %mul3A_132 = arith.constant 2.000000e-01 : f32
      %mul3A_133 = vector.broadcast %mul3A_132 : f32 to vector<16xf32>
      %mul3A_134 = arith.mulf %mul3A_133, %add3A_128 : vector<16xf32>
      %select_n3A_135 = arith.select %ge3A_131, %add3A_128, %mul3A_134 : vector<16xi1>, vector<16xf32>
      %sub3A_136 = arith.subf %select_n3A_135, %get3A_8 : vector<16xf32>
      %exp3A_137 = math.exp %sub3A_136 : vector<16xf32>
      %mul3A_138 = arith.constant 128 : i32
      %mul3A_139 = arith.muli %scan3A_26, %mul3A_138 : i32
      %add3A_140 = arith.addi %mul3A_10, %mul3A_139 : i32
      %add3A_141 = arith.constant 48 : i32
      %add3A_142 = arith.addi %add3A_140, %add3A_141 : i32
      %add3A_143 = vector.broadcast %add3A_142 : i32 to vector<16xi32>
      %add3A_144 = arith.addi %add3A_143, %iota3A : vector<16xi32>
      %lt3A_145 = arith.constant 330000 : i32
      %lt3A_146 = vector.broadcast %lt3A_145 : i32 to vector<16xi32>
      %lt3A_147 = arith.cmpi slt, %add3A_144, %lt3A_146 : vector<16xi32>
      %jit3A_148 = arith.constant 0.000000e+00 : f32
      %broadcast_in_dim3A_149 = vector.broadcast %jit3A_148 : f32 to vector<16xf32>
      %select_n3A_150 = arith.select %lt3A_147, %exp3A_137, %broadcast_in_dim3A_149 : vector<16xi1>, vector<16xf32>
      %swap3A_151 = arith.index_cast %scan3A_26 : i32 to index
      %swap3A_152 = arith.constant 48 : index
      %swap3A_153 = tpu.vector_load %arg13[%swap3A_151, %swap3A_152] {strides = array<i32>} : memref<81x128xf32, #tpu.memory_space<vmem>>, vector<16xf32>,
      tpu.vector_store %arg13[%swap3A_151, %swap3A_152], %select_n3A_150 {strides = array<i32>} : memref<81x128xf32, #tpu.memory_space<vmem>>, vector<16xf32>,
      %get3A_154 = arith.index_cast %scan3A_26 : i32 to index
      %get3A_155 = arith.constant 64 : index
      %get3A_156 = tpu.vector_load %arg11[%get3A_154, %get3A_155] {strides = array<i32>} : memref<81x128xi32, #tpu.memory_space<vmem>>, vector<16xi32>,
      %get3A_157 = arith.index_cast %scan3A_26 : i32 to index
      %get3A_158 = arith.constant 64 : index
      %get3A_159 = tpu.vector_load %arg12[%get3A_157, %get3A_158] {strides = array<i32>} : memref<81x128xi32, #tpu.memory_space<vmem>>, vector<16xi32>,
      %gather3A_160 = tpu.vector_load_idx %arg9[%get3A_156] : memref<10000xf32, #tpu.memory_space<vmem>>[vector<16xi32>], vector<16xf32>,
      %gather3A_161 = tpu.vector_load_idx %arg10[%get3A_159] : memref<10000xf32, #tpu.memory_space<vmem>>[vector<16xi32>], vector<16xf32>,
      %add3A_162 = arith.addf %gather3A_160, %gather3A_161 : vector<16xf32>
      %ge3A_163 = arith.constant 0.000000e+00 : f32
      %ge3A_164 = vector.broadcast %ge3A_163 : f32 to vector<16xf32>
      %ge3A_165 = arith.cmpf oge, %add3A_162, %ge3A_164 : vector<16xf32>
      %mul3A_166 = arith.constant 2.000000e-01 : f32
      %mul3A_167 = vector.broadcast %mul3A_166 : f32 to vector<16xf32>
      %mul3A_168 = arith.mulf %mul3A_167, %add3A_162 : vector<16xf32>
      %select_n3A_169 = arith.select %ge3A_165, %add3A_162, %mul3A_168 : vector<16xi1>, vector<16xf32>
      %sub3A_170 = arith.subf %select_n3A_169, %get3A_8 : vector<16xf32>
      %exp3A_171 = math.exp %sub3A_170 : vector<16xf32>
      %mul3A_172 = arith.constant 128 : i32
      %mul3A_173 = arith.muli %scan3A_26, %mul3A_172 : i32
      %add3A_174 = arith.addi %mul3A_10, %mul3A_173 : i32
      %add3A_175 = arith.constant 64 : i32
      %add3A_176 = arith.addi %add3A_174, %add3A_175 : i32
      %add3A_177 = vector.broadcast %add3A_176 : i32 to vector<16xi32>
      %add3A_178 = arith.addi %add3A_177, %iota3A : vector<16xi32>
      %lt3A_179 = arith.constant 330000 : i32
      %lt3A_180 = vector.broadcast %lt3A_179 : i32 to vector<16xi32>
      %lt3A_181 = arith.cmpi slt, %add3A_178, %lt3A_180 : vector<16xi32>
      %jit3A_182 = arith.constant 0.000000e+00 : f32
      %broadcast_in_dim3A_183 = vector.broadcast %jit3A_182 : f32 to vector<16xf32>
      %select_n3A_184 = arith.select %lt3A_181, %exp3A_171, %broadcast_in_dim3A_183 : vector<16xi1>, vector<16xf32>
      %swap3A_185 = arith.index_cast %scan3A_26 : i32 to index
      %swap3A_186 = arith.constant 64 : index
      %swap3A_187 = tpu.vector_load %arg13[%swap3A_185, %swap3A_186] {strides = array<i32>} : memref<81x128xf32, #tpu.memory_space<vmem>>, vector<16xf32>,
      tpu.vector_store %arg13[%swap3A_185, %swap3A_186], %select_n3A_184 {strides = array<i32>} : memref<81x128xf32, #tpu.memory_space<vmem>>, vector<16xf32>,
      %get3A_188 = arith.index_cast %scan3A_26 : i32 to index
      %get3A_189 = arith.constant 80 : index
      %get3A_190 = tpu.vector_load %arg11[%get3A_188, %get3A_189] {strides = array<i32>} : memref<81x128xi32, #tpu.memory_space<vmem>>, vector<16xi32>,
      %get3A_191 = arith.index_cast %scan3A_26 : i32 to index
      %get3A_192 = arith.constant 80 : index
      %get3A_193 = tpu.vector_load %arg12[%get3A_191, %get3A_192] {strides = array<i32>} : memref<81x128xi32, #tpu.memory_space<vmem>>, vector<16xi32>,
      %gather3A_194 = tpu.vector_load_idx %arg9[%get3A_190] : memref<10000xf32, #tpu.memory_space<vmem>>[vector<16xi32>], vector<16xf32>,
      %gather3A_195 = tpu.vector_load_idx %arg10[%get3A_193] : memref<10000xf32, #tpu.memory_space<vmem>>[vector<16xi32>], vector<16xf32>,
      %add3A_196 = arith.addf %gather3A_194, %gather3A_195 : vector<16xf32>
      %ge3A_197 = arith.constant 0.000000e+00 : f32
      %ge3A_198 = vector.broadcast %ge3A_197 : f32 to vector<16xf32>
      %ge3A_199 = arith.cmpf oge, %add3A_196, %ge3A_198 : vector<16xf32>
      %mul3A_200 = arith.constant 2.000000e-01 : f32
      %mul3A_201 = vector.broadcast %mul3A_200 : f32 to vector<16xf32>
      %mul3A_202 = arith.mulf %mul3A_201, %add3A_196 : vector<16xf32>
      %select_n3A_203 = arith.select %ge3A_199, %add3A_196, %mul3A_202 : vector<16xi1>, vector<16xf32>
      %sub3A_204 = arith.subf %select_n3A_203, %get3A_8 : vector<16xf32>
      %exp3A_205 = math.exp %sub3A_204 : vector<16xf32>
      %mul3A_206 = arith.constant 128 : i32
      %mul3A_207 = arith.muli %scan3A_26, %mul3A_206 : i32
      %add3A_208 = arith.addi %mul3A_10, %mul3A_207 : i32
      %add3A_209 = arith.constant 80 : i32
      %add3A_210 = arith.addi %add3A_208, %add3A_209 : i32
      %add3A_211 = vector.broadcast %add3A_210 : i32 to vector<16xi32>
      %add3A_212 = arith.addi %add3A_211, %iota3A : vector<16xi32>
      %lt3A_213 = arith.constant 330000 : i32
      %lt3A_214 = vector.broadcast %lt3A_213 : i32 to vector<16xi32>
      %lt3A_215 = arith.cmpi slt, %add3A_212, %lt3A_214 : vector<16xi32>
      %jit3A_216 = arith.constant 0.000000e+00 : f32
      %broadcast_in_dim3A_217 = vector.broadcast %jit3A_216 : f32 to vector<16xf32>
      %select_n3A_218 = arith.select %lt3A_215, %exp3A_205, %broadcast_in_dim3A_217 : vector<16xi1>, vector<16xf32>
      %swap3A_219 = arith.index_cast %scan3A_26 : i32 to index
      %swap3A_220 = arith.constant 80 : index
      %swap3A_221 = tpu.vector_load %arg13[%swap3A_219, %swap3A_220] {strides = array<i32>} : memref<81x128xf32, #tpu.memory_space<vmem>>, vector<16xf32>,
      tpu.vector_store %arg13[%swap3A_219, %swap3A_220], %select_n3A_218 {strides = array<i32>} : memref<81x128xf32, #tpu.memory_space<vmem>>, vector<16xf32>,
      %get3A_222 = arith.index_cast %scan3A_26 : i32 to index
      %get3A_223 = arith.constant 96 : index
      %get3A_224 = tpu.vector_load %arg11[%get3A_222, %get3A_223] {strides = array<i32>} : memref<81x128xi32, #tpu.memory_space<vmem>>, vector<16xi32>,
      %get3A_225 = arith.index_cast %scan3A_26 : i32 to index
      %get3A_226 = arith.constant 96 : index
      %get3A_227 = tpu.vector_load %arg12[%get3A_225, %get3A_226] {strides = array<i32>} : memref<81x128xi32, #tpu.memory_space<vmem>>, vector<16xi32>,
      %gather3A_228 = tpu.vector_load_idx %arg9[%get3A_224] : memref<10000xf32, #tpu.memory_space<vmem>>[vector<16xi32>], vector<16xf32>,
      %gather3A_229 = tpu.vector_load_idx %arg10[%get3A_227] : memref<10000xf32, #tpu.memory_space<vmem>>[vector<16xi32>], vector<16xf32>,
      %add3A_230 = arith.addf %gather3A_228, %gather3A_229 : vector<16xf32>
      %ge3A_231 = arith.constant 0.000000e+00 : f32
      %ge3A_232 = vector.broadcast %ge3A_231 : f32 to vector<16xf32>
      %ge3A_233 = arith.cmpf oge, %add3A_230, %ge3A_232 : vector<16xf32>
      %mul3A_234 = arith.constant 2.000000e-01 : f32
      %mul3A_235 = vector.broadcast %mul3A_234 : f32 to vector<16xf32>
      %mul3A_236 = arith.mulf %mul3A_235, %add3A_230 : vector<16xf32>
      %select_n3A_237 = arith.select %ge3A_233, %add3A_230, %mul3A_236 : vector<16xi1>, vector<16xf32>
      %sub3A_238 = arith.subf %select_n3A_237, %get3A_8 : vector<16xf32>
      %exp3A_239 = math.exp %sub3A_238 : vector<16xf32>
      %mul3A_240 = arith.constant 128 : i32
      %mul3A_241 = arith.muli %scan3A_26, %mul3A_240 : i32
      %add3A_242 = arith.addi %mul3A_10, %mul3A_241 : i32
      %add3A_243 = arith.constant 96 : i32
      %add3A_244 = arith.addi %add3A_242, %add3A_243 : i32
      %add3A_245 = vector.broadcast %add3A_244 : i32 to vector<16xi32>
      %add3A_246 = arith.addi %add3A_245, %iota3A : vector<16xi32>
      %lt3A_247 = arith.constant 330000 : i32
      %lt3A_248 = vector.broadcast %lt3A_247 : i32 to vector<16xi32>
      %lt3A_249 = arith.cmpi slt, %add3A_246, %lt3A_248 : vector<16xi32>
      %jit3A_250 = arith.constant 0.000000e+00 : f32
      %broadcast_in_dim3A_251 = vector.broadcast %jit3A_250 : f32 to vector<16xf32>
      %select_n3A_252 = arith.select %lt3A_249, %exp3A_239, %broadcast_in_dim3A_251 : vector<16xi1>, vector<16xf32>
      %swap3A_253 = arith.index_cast %scan3A_26 : i32 to index
      %swap3A_254 = arith.constant 96 : index
      %swap3A_255 = tpu.vector_load %arg13[%swap3A_253, %swap3A_254] {strides = array<i32>} : memref<81x128xf32, #tpu.memory_space<vmem>>, vector<16xf32>,
      tpu.vector_store %arg13[%swap3A_253, %swap3A_254], %select_n3A_252 {strides = array<i32>} : memref<81x128xf32, #tpu.memory_space<vmem>>, vector<16xf32>,
      %get3A_256 = arith.index_cast %scan3A_26 : i32 to index
      %get3A_257 = arith.constant 112 : index
      %get3A_258 = tpu.vector_load %arg11[%get3A_256, %get3A_257] {strides = array<i32>} : memref<81x128xi32, #tpu.memory_space<vmem>>, vector<16xi32>,
      %get3A_259 = arith.index_cast %scan3A_26 : i32 to index
      %get3A_260 = arith.constant 112 : index
      %get3A_261 = tpu.vector_load %arg12[%get3A_259, %get3A_260] {strides = array<i32>} : memref<81x128xi32, #tpu.memory_space<vmem>>, vector<16xi32>,
      %gather3A_262 = tpu.vector_load_idx %arg9[%get3A_258] : memref<10000xf32, #tpu.memory_space<vmem>>[vector<16xi32>], vector<16xf32>,
      %gather3A_263 = tpu.vector_load_idx %arg10[%get3A_261] : memref<10000xf32, #tpu.memory_space<vmem>>[vector<16xi32>], vector<16xf32>,
      %add3A_264 = arith.addf %gather3A_262, %gather3A_263 : vector<16xf32>
      %ge3A_265 = arith.constant 0.000000e+00 : f32
      %ge3A_266 = vector.broadcast %ge3A_265 : f32 to vector<16xf32>
      %ge3A_267 = arith.cmpf oge, %add3A_264, %ge3A_266 : vector<16xf32>
      %mul3A_268 = arith.constant 2.000000e-01 : f32
      %mul3A_269 = vector.broadcast %mul3A_268 : f32 to vector<16xf32>
      %mul3A_270 = arith.mulf %mul3A_269, %add3A_264 : vector<16xf32>
      %select_n3A_271 = arith.select %ge3A_267, %add3A_264, %mul3A_270 : vector<16xi1>, vector<16xf32>
      %sub3A_272 = arith.subf %select_n3A_271, %get3A_8 : vector<16xf32>
      %exp3A_273 = math.exp %sub3A_272 : vector<16xf32>
      %mul3A_274 = arith.constant 128 : i32
      %mul3A_275 = arith.muli %scan3A_26, %mul3A_274 : i32
      %add3A_276 = arith.addi %mul3A_10, %mul3A_275 : i32
      %add3A_277 = arith.constant 112 : i32
      %add3A_278 = arith.addi %add3A_276, %add3A_277 : i32
      %add3A_279 = vector.broadcast %add3A_278 : i32 to vector<16xi32>
      %add3A_280 = arith.addi %add3A_279, %iota3A : vector<16xi32>
      %lt3A_281 = arith.constant 330000 : i32
      %lt3A_282 = vector.broadcast %lt3A_281 : i32 to vector<16xi32>
      %lt3A_283 = arith.cmpi slt, %add3A_280, %lt3A_282 : vector<16xi32>
      %jit3A_284 = arith.constant 0.000000e+00 : f32
      %broadcast_in_dim3A_285 = vector.broadcast %jit3A_284 : f32 to vector<16xf32>
      %select_n3A_286 = arith.select %lt3A_283, %exp3A_273, %broadcast_in_dim3A_285 : vector<16xi1>, vector<16xf32>
      %swap3A_287 = arith.index_cast %scan3A_26 : i32 to index
      %swap3A_288 = arith.constant 112 : index
      %swap3A_289 = tpu.vector_load %arg13[%swap3A_287, %swap3A_288] {strides = array<i32>} : memref<81x128xf32, #tpu.memory_space<vmem>>, vector<16xf32>,
      tpu.vector_store %arg13[%swap3A_287, %swap3A_288], %select_n3A_286 {strides = array<i32>} : memref<81x128xf32, #tpu.memory_space<vmem>>, vector<16xf32>,
    }
    %scan3A_16 = arith.constant 81 : i32
    %barrier3A = arith.constant 0 : index
    tpu.barrier barrier_id(%barrier3A)
    %scan3A_17 = arith.constant 0 : i32
    %scan3A_18 = arith.constant 0 : i32
    %scan3A_19 = arith.constant 81 : i32
    %scan3A_20 = arith.addi %scan3A_18, %scan3A_19 : i32
    %scan3A_21 = arith.constant 1 : i32
    scf.for %scan3A_26 = %scan3A_18 to %scan3A_20 step %scan3A_21  : i32 {
      "tpu.region"() ({
        %run_scoped3A = tpu.sem_alloc : memref<!tpu.dma_semaphore, #tpu.memory_space<semaphore_mem>>
        %dma_start3A = arith.constant 0 : i32
        %dma_start3A_27 = tpu.memref_slice %arg13[%scan3A_26, %dma_start3A] : memref<81x128xf32, #tpu.memory_space<vmem>> -> memref<1x128xf32, #tpu.memory_space<vmem>>
        %dma_start3A_28 = tpu.memref_squeeze %dma_start3A_27 : memref<1x128xf32, #tpu.memory_space<vmem>> -> memref<128xf32, #tpu.memory_space<vmem>>
        %dma_start3A_29 = arith.constant 0 : i32
        %dma_start3A_30 = tpu.memref_slice %arg12[%scan3A_26, %dma_start3A_29] : memref<81x128xi32, #tpu.memory_space<vmem>> -> memref<1x128xi32, #tpu.memory_space<vmem>>
        %dma_start3A_31 = tpu.memref_squeeze %dma_start3A_30 : memref<1x128xi32, #tpu.memory_space<vmem>> -> memref<128xi32, #tpu.memory_space<vmem>>
        %dma_start3A_32 = arith.constant 0 : i32
        %dma_start3A_33 = tpu.memref_slice %arg16[%dma_start3A_32] : memref<10240xf32, #tpu.memory_space<vmem_shared>> -> memref<10240xf32, #tpu.memory_space<vmem_shared>>
        tpu.enqueue_indirect_dma source(%dma_start3A_28 : memref<128xf32, #tpu.memory_space<vmem>>) target(%dma_start3A_33 : memref<10240xf32, #tpu.memory_space<vmem_shared>>) offsets(%dma_start3A_31 : memref<128xi32, #tpu.memory_space<vmem>>) semaphore(%run_scoped3A : memref<!tpu.dma_semaphore, #tpu.memory_space<semaphore_mem>>) {add = true}
        %dma_wait3A = arith.constant 0 : i32
        %dma_wait3A_34 = tpu.memref_slice %arg13[%scan3A_26, %dma_wait3A] : memref<81x128xf32, #tpu.memory_space<vmem>> -> memref<1x128xf32, #tpu.memory_space<vmem>>
        %dma_wait3A_35 = tpu.memref_squeeze %dma_wait3A_34 : memref<1x128xf32, #tpu.memory_space<vmem>> -> memref<128xf32, #tpu.memory_space<vmem>>
        %dma_wait3A_36 = arith.constant 0 : i32
        %dma_wait3A_37 = tpu.memref_slice %arg12[%scan3A_26, %dma_wait3A_36] : memref<81x128xi32, #tpu.memory_space<vmem>> -> memref<1x128xi32, #tpu.memory_space<vmem>>
        %dma_wait3A_38 = tpu.memref_squeeze %dma_wait3A_37 : memref<1x128xi32, #tpu.memory_space<vmem>> -> memref<128xi32, #tpu.memory_space<vmem>>
        %dma_wait3A_39 = arith.constant 0 : i32
        %dma_wait3A_40 = tpu.memref_slice %arg16[%dma_wait3A_39] : memref<10240xf32, #tpu.memory_space<vmem_shared>> -> memref<10240xf32, #tpu.memory_space<vmem_shared>>
        tpu.wait_indirect_dma semaphore(%run_scoped3A : memref<!tpu.dma_semaphore, #tpu.memory_space<semaphore_mem>>) src(%dma_wait3A_35 : memref<128xf32, #tpu.memory_space<vmem>>) dst(%dma_wait3A_40 : memref<10240xf32, #tpu.memory_space<vmem_shared>>)
        tpu.yield
      }) : () -> ()
    }
    %scan3A_22 = arith.constant 81 : i32
    %barrier3A_23 = arith.constant 0 : index
    tpu.barrier barrier_id(%barrier3A_23)
    "tpu.region"() ({
      %run_scoped3A = tpu.sem_alloc : memref<!tpu.dma_semaphore, #tpu.memory_space<semaphore_mem>>
      %dma_start3A = arith.constant 0 : i32
      %dma_start3A_26 = arith.constant 0 : i32
      %dma_start3A_27 = tpu.memref_slice %arg7[%add3A, %dma_start3A, %dma_start3A_26] : memref<32x81x128xf32, #tpu.memory_space<hbm>> -> memref<1x81x128xf32, #tpu.memory_space<hbm>>
      %dma_start3A_28 = tpu.memref_squeeze %dma_start3A_27 : memref<1x81x128xf32, #tpu.memory_space<hbm>> -> memref<81x128xf32, #tpu.memory_space<hbm>>
      %dma_start3A_29 = arith.constant 0 : i32
      %dma_start3A_30 = arith.constant 0 : i32
      %dma_start3A_31 = tpu.memref_slice %arg7[%add3A, %dma_start3A_29, %dma_start3A_30] : memref<32x81x128xf32, #tpu.memory_space<hbm>> -> memref<1x81x128xf32, #tpu.memory_space<hbm>>
      %dma_start3A_32 = tpu.memref_squeeze %dma_start3A_31 : memref<1x81x128xf32, #tpu.memory_space<hbm>> -> memref<81x128xf32, #tpu.memory_space<hbm>>
      tpu.enqueue_dma source(%arg13 : memref<81x128xf32, #tpu.memory_space<vmem>>) target(%dma_start3A_32 : memref<81x128xf32, #tpu.memory_space<hbm>>) target_semaphore(%run_scoped3A : memref<!tpu.dma_semaphore, #tpu.memory_space<semaphore_mem>>)
      %dma_wait3A = arith.constant 0 : i32
      %dma_wait3A_33 = arith.constant 0 : i32
      %dma_wait3A_34 = tpu.memref_slice %arg7[%add3A, %dma_wait3A, %dma_wait3A_33] : memref<32x81x128xf32, #tpu.memory_space<hbm>> -> memref<1x81x128xf32, #tpu.memory_space<hbm>>
      %dma_wait3A_35 = tpu.memref_squeeze %dma_wait3A_34 : memref<1x81x128xf32, #tpu.memory_space<hbm>> -> memref<81x128xf32, #tpu.memory_space<hbm>>
      %dma_wait3A_36 = arith.constant 0 : i32
      %dma_wait3A_37 = arith.constant 0 : i32
      %dma_wait3A_38 = tpu.memref_slice %arg7[%add3A, %dma_wait3A_36, %dma_wait3A_37] : memref<32x81x128xf32, #tpu.memory_space<hbm>> -> memref<1x81x128xf32, #tpu.memory_space<hbm>>
      %dma_wait3A_39 = tpu.memref_squeeze %dma_wait3A_38 : memref<1x81x128xf32, #tpu.memory_space<hbm>> -> memref<81x128xf32, #tpu.memory_space<hbm>>
      tpu.wait_dma2 semaphore(%run_scoped3A : memref<!tpu.dma_semaphore, #tpu.memory_space<semaphore_mem>>) src(%arg13 : memref<81x128xf32, #tpu.memory_space<vmem>>) dst(%dma_wait3A_39 : memref<81x128xf32, #tpu.memory_space<hbm>>)
      tpu.yield
    }) : () -> ()
    %eq3A = arith.constant 0 : i32
    %eq3A_24 = arith.cmpi eq, %arg1, %eq3A : i32
    %convert_element_type3A = arith.extui %eq3A_24 : i1 to i32
    %cond3A = arith.constant 0 : i32
    %cond3A_25 = arith.cmpi ne, %convert_element_type3A, %cond3A : i32
    scf.if %cond3A_25 {
      "tpu.region"() ({
        %run_scoped3A = tpu.sem_alloc : memref<!tpu.dma_semaphore, #tpu.memory_space<semaphore_mem>>
        %dma_start3A = arith.constant 0 : i32
        %dma_start3A_26 = tpu.memref_slice %arg8[%arg0, %dma_start3A] : memref<2x10240xf32, #tpu.memory_space<hbm>> -> memref<1x10240xf32, #tpu.memory_space<hbm>>
        %dma_start3A_27 = tpu.memref_squeeze %dma_start3A_26 : memref<1x10240xf32, #tpu.memory_space<hbm>> -> memref<10240xf32, #tpu.memory_space<hbm>>
        tpu.enqueue_dma source(%arg16 : memref<10240xf32, #tpu.memory_space<vmem_shared>>) target(%dma_start3A_27 : memref<10240xf32, #tpu.memory_space<hbm>>) target_semaphore(%run_scoped3A : memref<!tpu.dma_semaphore, #tpu.memory_space<semaphore_mem>>)
        %dma_wait3A = arith.constant 0 : i32
        %dma_wait3A_28 = tpu.memref_slice %arg8[%arg0, %dma_wait3A] : memref<2x10240xf32, #tpu.memory_space<hbm>> -> memref<1x10240xf32, #tpu.memory_space<hbm>>
        %dma_wait3A_29 = tpu.memref_squeeze %dma_wait3A_28 : memref<1x10240xf32, #tpu.memory_space<hbm>> -> memref<10240xf32, #tpu.memory_space<hbm>>
        tpu.wait_dma2 semaphore(%run_scoped3A : memref<!tpu.dma_semaphore, #tpu.memory_space<semaphore_mem>>) src(%arg16 : memref<10240xf32, #tpu.memory_space<vmem_shared>>) dst(%dma_wait3A_29 : memref<10240xf32, #tpu.memory_space<hbm>>)
        tpu.yield
      }) : () -> ()
    } else {
    }
    return
  }
}

#map = affine_map<(d0, d1) -> (0, 0)>
#map1 = affine_map<(d0, d1) -> (0, 0, 0)>
module attributes {stable_mosaic.version = 14 : i64} {
  func.func @_sc_agg(%arg0: i32, %arg1: i32, %arg2: memref<10000x128xf32, #tpu.memory_space<hbm>>, %arg3: memref<32x81x128xi32, #tpu.memory_space<hbm>>, %arg4: memref<32x81x128xi32, #tpu.memory_space<hbm>>, %arg5: memref<32x81x128xf32, #tpu.memory_space<hbm>>, %arg6: memref<2x10000x128xf32, #tpu.memory_space<hbm>>, %arg7: memref<81x128xi32, #tpu.memory_space<vmem>>, %arg8: memref<81x128xi32, #tpu.memory_space<vmem>>, %arg9: memref<81x128xf32, #tpu.memory_space<vmem>>, %arg10: memref<128x128xf32, #tpu.memory_space<vmem>>, %arg11: memref<10000x128xf32, #tpu.memory_space<vmem_shared>>, %arg12: memref<!tpu.dma_semaphore, #tpu.memory_space<semaphore_mem>>) attributes {dimension_semantics = [#tpu.dimension_semantics<core_parallel>, #tpu.dimension_semantics<subcore_parallel>], iteration_bounds = array<i64: 2, 16>, scalar_prefetch = 0 : i64, scratch_operands = 6 : i64, tpu.core_type = #tpu.core_type<sc_vector_subcore>, window_params = [{transform_indices = #map}, {transform_indices = #map1}, {transform_indices = #map1}, {transform_indices = #map1}, {transform_indices = #map1}]} {
    %mul3A = arith.constant 2 : i32
    %mul3A_0 = arith.muli %arg1, %mul3A : i32
    %add3A = arith.addi %mul3A_0, %arg0 : i32
    "tpu.region"() ({
      %run_scoped3A = tpu.sem_alloc : memref<!tpu.dma_semaphore, #tpu.memory_space<semaphore_mem>>
      %dma_start3A = arith.constant 0 : i32
      %dma_start3A_36 = arith.constant 0 : i32
      %dma_start3A_37 = tpu.memref_slice %arg3[%add3A, %dma_start3A, %dma_start3A_36] : memref<32x81x128xi32, #tpu.memory_space<hbm>> -> memref<1x81x128xi32, #tpu.memory_space<hbm>>
      %dma_start3A_38 = tpu.memref_squeeze %dma_start3A_37 : memref<1x81x128xi32, #tpu.memory_space<hbm>> -> memref<81x128xi32, #tpu.memory_space<hbm>>
      %dma_start3A_39 = arith.constant 0 : i32
      %dma_start3A_40 = arith.constant 0 : i32
      %dma_start3A_41 = tpu.memref_slice %arg3[%add3A, %dma_start3A_39, %dma_start3A_40] : memref<32x81x128xi32, #tpu.memory_space<hbm>> -> memref<1x81x128xi32, #tpu.memory_space<hbm>>
      %dma_start3A_42 = tpu.memref_squeeze %dma_start3A_41 : memref<1x81x128xi32, #tpu.memory_space<hbm>> -> memref<81x128xi32, #tpu.memory_space<hbm>>
      tpu.enqueue_dma source(%dma_start3A_42 : memref<81x128xi32, #tpu.memory_space<hbm>>) target(%arg7 : memref<81x128xi32, #tpu.memory_space<vmem>>) target_semaphore(%run_scoped3A : memref<!tpu.dma_semaphore, #tpu.memory_space<semaphore_mem>>)
      %dma_wait3A = arith.constant 0 : i32
      %dma_wait3A_43 = arith.constant 0 : i32
      %dma_wait3A_44 = tpu.memref_slice %arg3[%add3A, %dma_wait3A, %dma_wait3A_43] : memref<32x81x128xi32, #tpu.memory_space<hbm>> -> memref<1x81x128xi32, #tpu.memory_space<hbm>>
      %dma_wait3A_45 = tpu.memref_squeeze %dma_wait3A_44 : memref<1x81x128xi32, #tpu.memory_space<hbm>> -> memref<81x128xi32, #tpu.memory_space<hbm>>
      %dma_wait3A_46 = arith.constant 0 : i32
      %dma_wait3A_47 = arith.constant 0 : i32
      %dma_wait3A_48 = tpu.memref_slice %arg3[%add3A, %dma_wait3A_46, %dma_wait3A_47] : memref<32x81x128xi32, #tpu.memory_space<hbm>> -> memref<1x81x128xi32, #tpu.memory_space<hbm>>
      %dma_wait3A_49 = tpu.memref_squeeze %dma_wait3A_48 : memref<1x81x128xi32, #tpu.memory_space<hbm>> -> memref<81x128xi32, #tpu.memory_space<hbm>>
      tpu.wait_dma2 semaphore(%run_scoped3A : memref<!tpu.dma_semaphore, #tpu.memory_space<semaphore_mem>>) src(%dma_wait3A_49 : memref<81x128xi32, #tpu.memory_space<hbm>>) dst(%arg7 : memref<81x128xi32, #tpu.memory_space<vmem>>)
      tpu.yield
    }) : () -> ()
    "tpu.region"() ({
      %run_scoped3A = tpu.sem_alloc : memref<!tpu.dma_semaphore, #tpu.memory_space<semaphore_mem>>
      %dma_start3A = arith.constant 0 : i32
      %dma_start3A_36 = arith.constant 0 : i32
      %dma_start3A_37 = tpu.memref_slice %arg4[%add3A, %dma_start3A, %dma_start3A_36] : memref<32x81x128xi32, #tpu.memory_space<hbm>> -> memref<1x81x128xi32, #tpu.memory_space<hbm>>
      %dma_start3A_38 = tpu.memref_squeeze %dma_start3A_37 : memref<1x81x128xi32, #tpu.memory_space<hbm>> -> memref<81x128xi32, #tpu.memory_space<hbm>>
      %dma_start3A_39 = arith.constant 0 : i32
      %dma_start3A_40 = arith.constant 0 : i32
      %dma_start3A_41 = tpu.memref_slice %arg4[%add3A, %dma_start3A_39, %dma_start3A_40] : memref<32x81x128xi32, #tpu.memory_space<hbm>> -> memref<1x81x128xi32, #tpu.memory_space<hbm>>
      %dma_start3A_42 = tpu.memref_squeeze %dma_start3A_41 : memref<1x81x128xi32, #tpu.memory_space<hbm>> -> memref<81x128xi32, #tpu.memory_space<hbm>>
      tpu.enqueue_dma source(%dma_start3A_42 : memref<81x128xi32, #tpu.memory_space<hbm>>) target(%arg8 : memref<81x128xi32, #tpu.memory_space<vmem>>) target_semaphore(%run_scoped3A : memref<!tpu.dma_semaphore, #tpu.memory_space<semaphore_mem>>)
      %dma_wait3A = arith.constant 0 : i32
      %dma_wait3A_43 = arith.constant 0 : i32
      %dma_wait3A_44 = tpu.memref_slice %arg4[%add3A, %dma_wait3A, %dma_wait3A_43] : memref<32x81x128xi32, #tpu.memory_space<hbm>> -> memref<1x81x128xi32, #tpu.memory_space<hbm>>
      %dma_wait3A_45 = tpu.memref_squeeze %dma_wait3A_44 : memref<1x81x128xi32, #tpu.memory_space<hbm>> -> memref<81x128xi32, #tpu.memory_space<hbm>>
      %dma_wait3A_46 = arith.constant 0 : i32
      %dma_wait3A_47 = arith.constant 0 : i32
      %dma_wait3A_48 = tpu.memref_slice %arg4[%add3A, %dma_wait3A_46, %dma_wait3A_47] : memref<32x81x128xi32, #tpu.memory_space<hbm>> -> memref<1x81x128xi32, #tpu.memory_space<hbm>>
      %dma_wait3A_49 = tpu.memref_squeeze %dma_wait3A_48 : memref<1x81x128xi32, #tpu.memory_space<hbm>> -> memref<81x128xi32, #tpu.memory_space<hbm>>
      tpu.wait_dma2 semaphore(%run_scoped3A : memref<!tpu.dma_semaphore, #tpu.memory_space<semaphore_mem>>) src(%dma_wait3A_49 : memref<81x128xi32, #tpu.memory_space<hbm>>) dst(%arg8 : memref<81x128xi32, #tpu.memory_space<vmem>>)
      tpu.yield
    }) : () -> ()
    "tpu.region"() ({
      %run_scoped3A = tpu.sem_alloc : memref<!tpu.dma_semaphore, #tpu.memory_space<semaphore_mem>>
      %dma_start3A = arith.constant 0 : i32
      %dma_start3A_36 = arith.constant 0 : i32
      %dma_start3A_37 = tpu.memref_slice %arg5[%add3A, %dma_start3A, %dma_start3A_36] : memref<32x81x128xf32, #tpu.memory_space<hbm>> -> memref<1x81x128xf32, #tpu.memory_space<hbm>>
      %dma_start3A_38 = tpu.memref_squeeze %dma_start3A_37 : memref<1x81x128xf32, #tpu.memory_space<hbm>> -> memref<81x128xf32, #tpu.memory_space<hbm>>
      %dma_start3A_39 = arith.constant 0 : i32
      %dma_start3A_40 = arith.constant 0 : i32
      %dma_start3A_41 = tpu.memref_slice %arg5[%add3A, %dma_start3A_39, %dma_start3A_40] : memref<32x81x128xf32, #tpu.memory_space<hbm>> -> memref<1x81x128xf32, #tpu.memory_space<hbm>>
      %dma_start3A_42 = tpu.memref_squeeze %dma_start3A_41 : memref<1x81x128xf32, #tpu.memory_space<hbm>> -> memref<81x128xf32, #tpu.memory_space<hbm>>
      tpu.enqueue_dma source(%dma_start3A_42 : memref<81x128xf32, #tpu.memory_space<hbm>>) target(%arg9 : memref<81x128xf32, #tpu.memory_space<vmem>>) target_semaphore(%run_scoped3A : memref<!tpu.dma_semaphore, #tpu.memory_space<semaphore_mem>>)
      %dma_wait3A = arith.constant 0 : i32
      %dma_wait3A_43 = arith.constant 0 : i32
      %dma_wait3A_44 = tpu.memref_slice %arg5[%add3A, %dma_wait3A, %dma_wait3A_43] : memref<32x81x128xf32, #tpu.memory_space<hbm>> -> memref<1x81x128xf32, #tpu.memory_space<hbm>>
      %dma_wait3A_45 = tpu.memref_squeeze %dma_wait3A_44 : memref<1x81x128xf32, #tpu.memory_space<hbm>> -> memref<81x128xf32, #tpu.memory_space<hbm>>
      %dma_wait3A_46 = arith.constant 0 : i32
      %dma_wait3A_47 = arith.constant 0 : i32
      %dma_wait3A_48 = tpu.memref_slice %arg5[%add3A, %dma_wait3A_46, %dma_wait3A_47] : memref<32x81x128xf32, #tpu.memory_space<hbm>> -> memref<1x81x128xf32, #tpu.memory_space<hbm>>
      %dma_wait3A_49 = tpu.memref_squeeze %dma_wait3A_48 : memref<1x81x128xf32, #tpu.memory_space<hbm>> -> memref<81x128xf32, #tpu.memory_space<hbm>>
      tpu.wait_dma2 semaphore(%run_scoped3A : memref<!tpu.dma_semaphore, #tpu.memory_space<semaphore_mem>>) src(%dma_wait3A_49 : memref<81x128xf32, #tpu.memory_space<hbm>>) dst(%arg9 : memref<81x128xf32, #tpu.memory_space<vmem>>)
      tpu.yield
    }) : () -> ()
    %scan3A = arith.constant 0 : i32
    %scan3A_1 = arith.constant 0 : i32
    %scan3A_2 = arith.constant 128 : i32
    %scan3A_3 = arith.addi %scan3A_1, %scan3A_2 : i32
    %scan3A_4 = arith.constant 1 : i32
    scf.for %scan3A_36 = %scan3A_1 to %scan3A_3 step %scan3A_4  : i32 {
      %broadcast_in_dim3A = arith.constant 0.000000e+00 : f32
      %broadcast_in_dim3A_37 = vector.broadcast %broadcast_in_dim3A : f32 to vector<16xf32>
      %swap3A = arith.index_cast %scan3A_36 : i32 to index
      %swap3A_38 = arith.constant 0 : index
      %swap3A_39 = tpu.vector_load %arg10[%swap3A, %swap3A_38] {strides = array<i32>} : memref<128x128xf32, #tpu.memory_space<vmem>>, vector<16xf32>,
      tpu.vector_store %arg10[%swap3A, %swap3A_38], %broadcast_in_dim3A_37 {strides = array<i32>} : memref<128x128xf32, #tpu.memory_space<vmem>>, vector<16xf32>,
      %broadcast_in_dim3A_40 = arith.constant 0.000000e+00 : f32
      %broadcast_in_dim3A_41 = vector.broadcast %broadcast_in_dim3A_40 : f32 to vector<16xf32>
      %swap3A_42 = arith.index_cast %scan3A_36 : i32 to index
      %swap3A_43 = arith.constant 16 : index
      %swap3A_44 = tpu.vector_load %arg10[%swap3A_42, %swap3A_43] {strides = array<i32>} : memref<128x128xf32, #tpu.memory_space<vmem>>, vector<16xf32>,
      tpu.vector_store %arg10[%swap3A_42, %swap3A_43], %broadcast_in_dim3A_41 {strides = array<i32>} : memref<128x128xf32, #tpu.memory_space<vmem>>, vector<16xf32>,
      %broadcast_in_dim3A_45 = arith.constant 0.000000e+00 : f32
      %broadcast_in_dim3A_46 = vector.broadcast %broadcast_in_dim3A_45 : f32 to vector<16xf32>
      %swap3A_47 = arith.index_cast %scan3A_36 : i32 to index
      %swap3A_48 = arith.constant 32 : index
      %swap3A_49 = tpu.vector_load %arg10[%swap3A_47, %swap3A_48] {strides = array<i32>} : memref<128x128xf32, #tpu.memory_space<vmem>>, vector<16xf32>,
      tpu.vector_store %arg10[%swap3A_47, %swap3A_48], %broadcast_in_dim3A_46 {strides = array<i32>} : memref<128x128xf32, #tpu.memory_space<vmem>>, vector<16xf32>,
      %broadcast_in_dim3A_50 = arith.constant 0.000000e+00 : f32
      %broadcast_in_dim3A_51 = vector.broadcast %broadcast_in_dim3A_50 : f32 to vector<16xf32>
      %swap3A_52 = arith.index_cast %scan3A_36 : i32 to index
      %swap3A_53 = arith.constant 48 : index
      %swap3A_54 = tpu.vector_load %arg10[%swap3A_52, %swap3A_53] {strides = array<i32>} : memref<128x128xf32, #tpu.memory_space<vmem>>, vector<16xf32>,
      tpu.vector_store %arg10[%swap3A_52, %swap3A_53], %broadcast_in_dim3A_51 {strides = array<i32>} : memref<128x128xf32, #tpu.memory_space<vmem>>, vector<16xf32>,
      %broadcast_in_dim3A_55 = arith.constant 0.000000e+00 : f32
      %broadcast_in_dim3A_56 = vector.broadcast %broadcast_in_dim3A_55 : f32 to vector<16xf32>
      %swap3A_57 = arith.index_cast %scan3A_36 : i32 to index
      %swap3A_58 = arith.constant 64 : index
      %swap3A_59 = tpu.vector_load %arg10[%swap3A_57, %swap3A_58] {strides = array<i32>} : memref<128x128xf32, #tpu.memory_space<vmem>>, vector<16xf32>,
      tpu.vector_store %arg10[%swap3A_57, %swap3A_58], %broadcast_in_dim3A_56 {strides = array<i32>} : memref<128x128xf32, #tpu.memory_space<vmem>>, vector<16xf32>,
      %broadcast_in_dim3A_60 = arith.constant 0.000000e+00 : f32
      %broadcast_in_dim3A_61 = vector.broadcast %broadcast_in_dim3A_60 : f32 to vector<16xf32>
      %swap3A_62 = arith.index_cast %scan3A_36 : i32 to index
      %swap3A_63 = arith.constant 80 : index
      %swap3A_64 = tpu.vector_load %arg10[%swap3A_62, %swap3A_63] {strides = array<i32>} : memref<128x128xf32, #tpu.memory_space<vmem>>, vector<16xf32>,
      tpu.vector_store %arg10[%swap3A_62, %swap3A_63], %broadcast_in_dim3A_61 {strides = array<i32>} : memref<128x128xf32, #tpu.memory_space<vmem>>, vector<16xf32>,
      %broadcast_in_dim3A_65 = arith.constant 0.000000e+00 : f32
      %broadcast_in_dim3A_66 = vector.broadcast %broadcast_in_dim3A_65 : f32 to vector<16xf32>
      %swap3A_67 = arith.index_cast %scan3A_36 : i32 to index
      %swap3A_68 = arith.constant 96 : index
      %swap3A_69 = tpu.vector_load %arg10[%swap3A_67, %swap3A_68] {strides = array<i32>} : memref<128x128xf32, #tpu.memory_space<vmem>>, vector<16xf32>,
      tpu.vector_store %arg10[%swap3A_67, %swap3A_68], %broadcast_in_dim3A_66 {strides = array<i32>} : memref<128x128xf32, #tpu.memory_space<vmem>>, vector<16xf32>,
      %broadcast_in_dim3A_70 = arith.constant 0.000000e+00 : f32
      %broadcast_in_dim3A_71 = vector.broadcast %broadcast_in_dim3A_70 : f32 to vector<16xf32>
      %swap3A_72 = arith.index_cast %scan3A_36 : i32 to index
      %swap3A_73 = arith.constant 112 : index
      %swap3A_74 = tpu.vector_load %arg10[%swap3A_72, %swap3A_73] {strides = array<i32>} : memref<128x128xf32, #tpu.memory_space<vmem>>, vector<16xf32>,
      tpu.vector_store %arg10[%swap3A_72, %swap3A_73], %broadcast_in_dim3A_71 {strides = array<i32>} : memref<128x128xf32, #tpu.memory_space<vmem>>, vector<16xf32>,
    }
    %scan3A_5 = arith.constant 128 : i32
    %mul3A_6 = arith.constant 625 : i32
    %mul3A_7 = arith.muli %arg1, %mul3A_6 : i32
    %add3A_8 = arith.constant 0 : i32
    %add3A_9 = arith.addi %mul3A_7, %add3A_8 : i32
    "tpu.region"() ({
      %run_scoped3A = tpu.sem_alloc : memref<!tpu.dma_semaphore, #tpu.memory_space<semaphore_mem>>
      %dma_start3A = arith.constant 0 : i32
      %dma_start3A_36 = tpu.memref_slice %arg11[%add3A_9, %dma_start3A] : memref<10000x128xf32, #tpu.memory_space<vmem_shared>> -> memref<128x128xf32, #tpu.memory_space<vmem_shared>>
      %dma_start3A_37 = arith.constant 0 : i32
      %dma_start3A_38 = tpu.memref_slice %arg11[%add3A_9, %dma_start3A_37] : memref<10000x128xf32, #tpu.memory_space<vmem_shared>> -> memref<128x128xf32, #tpu.memory_space<vmem_shared>>
      tpu.enqueue_dma source(%arg10 : memref<128x128xf32, #tpu.memory_space<vmem>>) target(%dma_start3A_38 : memref<128x128xf32, #tpu.memory_space<vmem_shared>>) target_semaphore(%run_scoped3A : memref<!tpu.dma_semaphore, #tpu.memory_space<semaphore_mem>>)
      %dma_wait3A = arith.constant 0 : i32
      %dma_wait3A_39 = tpu.memref_slice %arg11[%add3A_9, %dma_wait3A] : memref<10000x128xf32, #tpu.memory_space<vmem_shared>> -> memref<128x128xf32, #tpu.memory_space<vmem_shared>>
      %dma_wait3A_40 = arith.constant 0 : i32
      %dma_wait3A_41 = tpu.memref_slice %arg11[%add3A_9, %dma_wait3A_40] : memref<10000x128xf32, #tpu.memory_space<vmem_shared>> -> memref<128x128xf32, #tpu.memory_space<vmem_shared>>
      tpu.wait_dma2 semaphore(%run_scoped3A : memref<!tpu.dma_semaphore, #tpu.memory_space<semaphore_mem>>) src(%arg10 : memref<128x128xf32, #tpu.memory_space<vmem>>) dst(%dma_wait3A_41 : memref<128x128xf32, #tpu.memory_space<vmem_shared>>)
      tpu.yield
    }) : () -> ()
    %mul3A_10 = arith.constant 625 : i32
    %mul3A_11 = arith.muli %arg1, %mul3A_10 : i32
    %add3A_12 = arith.constant 128 : i32
    %add3A_13 = arith.addi %mul3A_11, %add3A_12 : i32
    "tpu.region"() ({
      %run_scoped3A = tpu.sem_alloc : memref<!tpu.dma_semaphore, #tpu.memory_space<semaphore_mem>>
      %dma_start3A = arith.constant 0 : i32
      %dma_start3A_36 = tpu.memref_slice %arg11[%add3A_13, %dma_start3A] : memref<10000x128xf32, #tpu.memory_space<vmem_shared>> -> memref<128x128xf32, #tpu.memory_space<vmem_shared>>
      %dma_start3A_37 = arith.constant 0 : i32
      %dma_start3A_38 = tpu.memref_slice %arg11[%add3A_13, %dma_start3A_37] : memref<10000x128xf32, #tpu.memory_space<vmem_shared>> -> memref<128x128xf32, #tpu.memory_space<vmem_shared>>
      tpu.enqueue_dma source(%arg10 : memref<128x128xf32, #tpu.memory_space<vmem>>) target(%dma_start3A_38 : memref<128x128xf32, #tpu.memory_space<vmem_shared>>) target_semaphore(%run_scoped3A : memref<!tpu.dma_semaphore, #tpu.memory_space<semaphore_mem>>)
      %dma_wait3A = arith.constant 0 : i32
      %dma_wait3A_39 = tpu.memref_slice %arg11[%add3A_13, %dma_wait3A] : memref<10000x128xf32, #tpu.memory_space<vmem_shared>> -> memref<128x128xf32, #tpu.memory_space<vmem_shared>>
      %dma_wait3A_40 = arith.constant 0 : i32
      %dma_wait3A_41 = tpu.memref_slice %arg11[%add3A_13, %dma_wait3A_40] : memref<10000x128xf32, #tpu.memory_space<vmem_shared>> -> memref<128x128xf32, #tpu.memory_space<vmem_shared>>
      tpu.wait_dma2 semaphore(%run_scoped3A : memref<!tpu.dma_semaphore, #tpu.memory_space<semaphore_mem>>) src(%arg10 : memref<128x128xf32, #tpu.memory_space<vmem>>) dst(%dma_wait3A_41 : memref<128x128xf32, #tpu.memory_space<vmem_shared>>)
      tpu.yield
    }) : () -> ()
    %mul3A_14 = arith.constant 625 : i32
    %mul3A_15 = arith.muli %arg1, %mul3A_14 : i32
    %add3A_16 = arith.constant 256 : i32
    %add3A_17 = arith.addi %mul3A_15, %add3A_16 : i32
    "tpu.region"() ({
      %run_scoped3A = tpu.sem_alloc : memref<!tpu.dma_semaphore, #tpu.memory_space<semaphore_mem>>
      %dma_start3A = arith.constant 0 : i32
      %dma_start3A_36 = tpu.memref_slice %arg11[%add3A_17, %dma_start3A] : memref<10000x128xf32, #tpu.memory_space<vmem_shared>> -> memref<128x128xf32, #tpu.memory_space<vmem_shared>>
      %dma_start3A_37 = arith.constant 0 : i32
      %dma_start3A_38 = tpu.memref_slice %arg11[%add3A_17, %dma_start3A_37] : memref<10000x128xf32, #tpu.memory_space<vmem_shared>> -> memref<128x128xf32, #tpu.memory_space<vmem_shared>>
      tpu.enqueue_dma source(%arg10 : memref<128x128xf32, #tpu.memory_space<vmem>>) target(%dma_start3A_38 : memref<128x128xf32, #tpu.memory_space<vmem_shared>>) target_semaphore(%run_scoped3A : memref<!tpu.dma_semaphore, #tpu.memory_space<semaphore_mem>>)
      %dma_wait3A = arith.constant 0 : i32
      %dma_wait3A_39 = tpu.memref_slice %arg11[%add3A_17, %dma_wait3A] : memref<10000x128xf32, #tpu.memory_space<vmem_shared>> -> memref<128x128xf32, #tpu.memory_space<vmem_shared>>
      %dma_wait3A_40 = arith.constant 0 : i32
      %dma_wait3A_41 = tpu.memref_slice %arg11[%add3A_17, %dma_wait3A_40] : memref<10000x128xf32, #tpu.memory_space<vmem_shared>> -> memref<128x128xf32, #tpu.memory_space<vmem_shared>>
      tpu.wait_dma2 semaphore(%run_scoped3A : memref<!tpu.dma_semaphore, #tpu.memory_space<semaphore_mem>>) src(%arg10 : memref<128x128xf32, #tpu.memory_space<vmem>>) dst(%dma_wait3A_41 : memref<128x128xf32, #tpu.memory_space<vmem_shared>>)
      tpu.yield
    }) : () -> ()
    %mul3A_18 = arith.constant 625 : i32
    %mul3A_19 = arith.muli %arg1, %mul3A_18 : i32
    %add3A_20 = arith.constant 384 : i32
    %add3A_21 = arith.addi %mul3A_19, %add3A_20 : i32
    "tpu.region"() ({
      %run_scoped3A = tpu.sem_alloc : memref<!tpu.dma_semaphore, #tpu.memory_space<semaphore_mem>>
      %dma_start3A = arith.constant 0 : i32
      %dma_start3A_36 = tpu.memref_slice %arg11[%add3A_21, %dma_start3A] : memref<10000x128xf32, #tpu.memory_space<vmem_shared>> -> memref<128x128xf32, #tpu.memory_space<vmem_shared>>
      %dma_start3A_37 = arith.constant 0 : i32
      %dma_start3A_38 = tpu.memref_slice %arg11[%add3A_21, %dma_start3A_37] : memref<10000x128xf32, #tpu.memory_space<vmem_shared>> -> memref<128x128xf32, #tpu.memory_space<vmem_shared>>
      tpu.enqueue_dma source(%arg10 : memref<128x128xf32, #tpu.memory_space<vmem>>) target(%dma_start3A_38 : memref<128x128xf32, #tpu.memory_space<vmem_shared>>) target_semaphore(%run_scoped3A : memref<!tpu.dma_semaphore, #tpu.memory_space<semaphore_mem>>)
      %dma_wait3A = arith.constant 0 : i32
      %dma_wait3A_39 = tpu.memref_slice %arg11[%add3A_21, %dma_wait3A] : memref<10000x128xf32, #tpu.memory_space<vmem_shared>> -> memref<128x128xf32, #tpu.memory_space<vmem_shared>>
      %dma_wait3A_40 = arith.constant 0 : i32
      %dma_wait3A_41 = tpu.memref_slice %arg11[%add3A_21, %dma_wait3A_40] : memref<10000x128xf32, #tpu.memory_space<vmem_shared>> -> memref<128x128xf32, #tpu.memory_space<vmem_shared>>
      tpu.wait_dma2 semaphore(%run_scoped3A : memref<!tpu.dma_semaphore, #tpu.memory_space<semaphore_mem>>) src(%arg10 : memref<128x128xf32, #tpu.memory_space<vmem>>) dst(%dma_wait3A_41 : memref<128x128xf32, #tpu.memory_space<vmem_shared>>)
      tpu.yield
    }) : () -> ()
    %mul3A_22 = arith.constant 625 : i32
    %mul3A_23 = arith.muli %arg1, %mul3A_22 : i32
    %add3A_24 = arith.constant 625 : i32
    %add3A_25 = arith.addi %mul3A_23, %add3A_24 : i32
    %sub3A = arith.constant 113 : i32
    %sub3A_26 = arith.subi %add3A_25, %sub3A : i32
    "tpu.region"() ({
      %run_scoped3A = tpu.sem_alloc : memref<!tpu.dma_semaphore, #tpu.memory_space<semaphore_mem>>
      %dma_start3A = arith.constant 0 : i32
      %dma_start3A_36 = arith.constant 0 : i32
      %dma_start3A_37 = tpu.memref_slice %arg10[%dma_start3A, %dma_start3A_36] : memref<128x128xf32, #tpu.memory_space<vmem>> -> memref<113x128xf32, #tpu.memory_space<vmem>>
      %dma_start3A_38 = arith.constant 0 : i32
      %dma_start3A_39 = tpu.memref_slice %arg11[%sub3A_26, %dma_start3A_38] : memref<10000x128xf32, #tpu.memory_space<vmem_shared>> -> memref<113x128xf32, #tpu.memory_space<vmem_shared>>
      %dma_start3A_40 = arith.constant 0 : i32
      %dma_start3A_41 = tpu.memref_slice %arg11[%sub3A_26, %dma_start3A_40] : memref<10000x128xf32, #tpu.memory_space<vmem_shared>> -> memref<113x128xf32, #tpu.memory_space<vmem_shared>>
      %dma_start3A_42 = arith.constant 0 : i32
      %dma_start3A_43 = arith.constant 0 : i32
      %dma_start3A_44 = tpu.memref_slice %arg10[%dma_start3A_42, %dma_start3A_43] : memref<128x128xf32, #tpu.memory_space<vmem>> -> memref<113x128xf32, #tpu.memory_space<vmem>>
      tpu.enqueue_dma source(%dma_start3A_44 : memref<113x128xf32, #tpu.memory_space<vmem>>) target(%dma_start3A_41 : memref<113x128xf32, #tpu.memory_space<vmem_shared>>) target_semaphore(%run_scoped3A : memref<!tpu.dma_semaphore, #tpu.memory_space<semaphore_mem>>)
      %dma_wait3A = arith.constant 0 : i32
      %dma_wait3A_45 = arith.constant 0 : i32
      %dma_wait3A_46 = tpu.memref_slice %arg10[%dma_wait3A, %dma_wait3A_45] : memref<128x128xf32, #tpu.memory_space<vmem>> -> memref<113x128xf32, #tpu.memory_space<vmem>>
      %dma_wait3A_47 = arith.constant 0 : i32
      %dma_wait3A_48 = tpu.memref_slice %arg11[%sub3A_26, %dma_wait3A_47] : memref<10000x128xf32, #tpu.memory_space<vmem_shared>> -> memref<113x128xf32, #tpu.memory_space<vmem_shared>>
      %dma_wait3A_49 = arith.constant 0 : i32
      %dma_wait3A_50 = tpu.memref_slice %arg11[%sub3A_26, %dma_wait3A_49] : memref<10000x128xf32, #tpu.memory_space<vmem_shared>> -> memref<113x128xf32, #tpu.memory_space<vmem_shared>>
      %dma_wait3A_51 = arith.constant 0 : i32
      %dma_wait3A_52 = arith.constant 0 : i32
      %dma_wait3A_53 = tpu.memref_slice %arg10[%dma_wait3A_51, %dma_wait3A_52] : memref<128x128xf32, #tpu.memory_space<vmem>> -> memref<113x128xf32, #tpu.memory_space<vmem>>
      tpu.wait_dma2 semaphore(%run_scoped3A : memref<!tpu.dma_semaphore, #tpu.memory_space<semaphore_mem>>) src(%dma_wait3A_53 : memref<113x128xf32, #tpu.memory_space<vmem>>) dst(%dma_wait3A_50 : memref<113x128xf32, #tpu.memory_space<vmem_shared>>)
      tpu.yield
    }) : () -> ()
    %barrier3A = arith.constant 0 : index
    tpu.barrier barrier_id(%barrier3A)
    %scan3A_27 = arith.constant 0 : i32
    %scan3A_28 = arith.constant 0 : i32
    %scan3A_29 = arith.constant 81 : i32
    %scan3A_30 = arith.addi %scan3A_28, %scan3A_29 : i32
    %scan3A_31 = arith.constant 1 : i32
    scf.for %scan3A_36 = %scan3A_28 to %scan3A_30 step %scan3A_31  : i32 {
      %dma_start3A = arith.constant 0 : i32
      %dma_start3A_37 = tpu.memref_slice %arg7[%scan3A_36, %dma_start3A] : memref<81x128xi32, #tpu.memory_space<vmem>> -> memref<1x128xi32, #tpu.memory_space<vmem>>
      %dma_start3A_38 = tpu.memref_squeeze %dma_start3A_37 : memref<1x128xi32, #tpu.memory_space<vmem>> -> memref<128xi32, #tpu.memory_space<vmem>>
      %dma_start3A_39 = arith.constant 0 : i32
      %dma_start3A_40 = arith.constant 0 : i32
      %dma_start3A_41 = tpu.memref_slice %arg2[%dma_start3A_39, %dma_start3A_40] : memref<10000x128xf32, #tpu.memory_space<hbm>> -> memref<10000x128xf32, #tpu.memory_space<hbm>>
      tpu.enqueue_indirect_dma source(%dma_start3A_41 : memref<10000x128xf32, #tpu.memory_space<hbm>>) target(%arg10 : memref<128x128xf32, #tpu.memory_space<vmem>>) offsets(%dma_start3A_38 : memref<128xi32, #tpu.memory_space<vmem>>) semaphore(%arg12 : memref<!tpu.dma_semaphore, #tpu.memory_space<semaphore_mem>>)
      %dma_wait3A = arith.constant 0 : i32
      %dma_wait3A_42 = tpu.memref_slice %arg7[%scan3A_36, %dma_wait3A] : memref<81x128xi32, #tpu.memory_space<vmem>> -> memref<1x128xi32, #tpu.memory_space<vmem>>
      %dma_wait3A_43 = tpu.memref_squeeze %dma_wait3A_42 : memref<1x128xi32, #tpu.memory_space<vmem>> -> memref<128xi32, #tpu.memory_space<vmem>>
      %dma_wait3A_44 = arith.constant 0 : i32
      %dma_wait3A_45 = arith.constant 0 : i32
      %dma_wait3A_46 = tpu.memref_slice %arg2[%dma_wait3A_44, %dma_wait3A_45] : memref<10000x128xf32, #tpu.memory_space<hbm>> -> memref<10000x128xf32, #tpu.memory_space<hbm>>
      tpu.wait_indirect_dma semaphore(%arg12 : memref<!tpu.dma_semaphore, #tpu.memory_space<semaphore_mem>>) src(%dma_wait3A_46 : memref<10000x128xf32, #tpu.memory_space<hbm>>) dst(%arg10 : memref<128x128xf32, #tpu.memory_space<vmem>>)
      %scan3A_47 = arith.constant 0 : i32
      %scan3A_48 = arith.constant 0 : i32
      %scan3A_49 = arith.constant 128 : i32
      %scan3A_50 = arith.addi %scan3A_48, %scan3A_49 : i32
      %scan3A_51 = arith.constant 1 : i32
      scf.for %scan3A_53 = %scan3A_48 to %scan3A_50 step %scan3A_51  : i32 {
        %broadcast_in_dim3A = vector.broadcast %scan3A_36 : i32 to vector<16xi32>
        %broadcast_in_dim3A_54 = vector.broadcast %scan3A_53 : i32 to vector<16xi32>
        %gather3A = tpu.vector_load_idx %arg9[%broadcast_in_dim3A, %broadcast_in_dim3A_54] : memref<81x128xf32, #tpu.memory_space<vmem>>[vector<16xi32>, vector<16xi32>], vector<16xf32>,
        %get3A = arith.index_cast %scan3A_53 : i32 to index
        %get3A_55 = arith.constant 0 : index
        %get3A_56 = tpu.vector_load %arg10[%get3A, %get3A_55] {strides = array<i32>} : memref<128x128xf32, #tpu.memory_space<vmem>>, vector<16xf32>,
        %mul3A_57 = arith.mulf %get3A_56, %gather3A : vector<16xf32>
        %swap3A = arith.index_cast %scan3A_53 : i32 to index
        %swap3A_58 = arith.constant 0 : index
        %swap3A_59 = tpu.vector_load %arg10[%swap3A, %swap3A_58] {strides = array<i32>} : memref<128x128xf32, #tpu.memory_space<vmem>>, vector<16xf32>,
        tpu.vector_store %arg10[%swap3A, %swap3A_58], %mul3A_57 {strides = array<i32>} : memref<128x128xf32, #tpu.memory_space<vmem>>, vector<16xf32>,
        %get3A_60 = arith.index_cast %scan3A_53 : i32 to index
        %get3A_61 = arith.constant 16 : index
        %get3A_62 = tpu.vector_load %arg10[%get3A_60, %get3A_61] {strides = array<i32>} : memref<128x128xf32, #tpu.memory_space<vmem>>, vector<16xf32>,
        %mul3A_63 = arith.mulf %get3A_62, %gather3A : vector<16xf32>
        %swap3A_64 = arith.index_cast %scan3A_53 : i32 to index
        %swap3A_65 = arith.constant 16 : index
        %swap3A_66 = tpu.vector_load %arg10[%swap3A_64, %swap3A_65] {strides = array<i32>} : memref<128x128xf32, #tpu.memory_space<vmem>>, vector<16xf32>,
        tpu.vector_store %arg10[%swap3A_64, %swap3A_65], %mul3A_63 {strides = array<i32>} : memref<128x128xf32, #tpu.memory_space<vmem>>, vector<16xf32>,
        %get3A_67 = arith.index_cast %scan3A_53 : i32 to index
        %get3A_68 = arith.constant 32 : index
        %get3A_69 = tpu.vector_load %arg10[%get3A_67, %get3A_68] {strides = array<i32>} : memref<128x128xf32, #tpu.memory_space<vmem>>, vector<16xf32>,
        %mul3A_70 = arith.mulf %get3A_69, %gather3A : vector<16xf32>
        %swap3A_71 = arith.index_cast %scan3A_53 : i32 to index
        %swap3A_72 = arith.constant 32 : index
        %swap3A_73 = tpu.vector_load %arg10[%swap3A_71, %swap3A_72] {strides = array<i32>} : memref<128x128xf32, #tpu.memory_space<vmem>>, vector<16xf32>,
        tpu.vector_store %arg10[%swap3A_71, %swap3A_72], %mul3A_70 {strides = array<i32>} : memref<128x128xf32, #tpu.memory_space<vmem>>, vector<16xf32>,
        %get3A_74 = arith.index_cast %scan3A_53 : i32 to index
        %get3A_75 = arith.constant 48 : index
        %get3A_76 = tpu.vector_load %arg10[%get3A_74, %get3A_75] {strides = array<i32>} : memref<128x128xf32, #tpu.memory_space<vmem>>, vector<16xf32>,
        %mul3A_77 = arith.mulf %get3A_76, %gather3A : vector<16xf32>
        %swap3A_78 = arith.index_cast %scan3A_53 : i32 to index
        %swap3A_79 = arith.constant 48 : index
        %swap3A_80 = tpu.vector_load %arg10[%swap3A_78, %swap3A_79] {strides = array<i32>} : memref<128x128xf32, #tpu.memory_space<vmem>>, vector<16xf32>,
        tpu.vector_store %arg10[%swap3A_78, %swap3A_79], %mul3A_77 {strides = array<i32>} : memref<128x128xf32, #tpu.memory_space<vmem>>, vector<16xf32>,
        %get3A_81 = arith.index_cast %scan3A_53 : i32 to index
        %get3A_82 = arith.constant 64 : index
        %get3A_83 = tpu.vector_load %arg10[%get3A_81, %get3A_82] {strides = array<i32>} : memref<128x128xf32, #tpu.memory_space<vmem>>, vector<16xf32>,
        %mul3A_84 = arith.mulf %get3A_83, %gather3A : vector<16xf32>
        %swap3A_85 = arith.index_cast %scan3A_53 : i32 to index
        %swap3A_86 = arith.constant 64 : index
        %swap3A_87 = tpu.vector_load %arg10[%swap3A_85, %swap3A_86] {strides = array<i32>} : memref<128x128xf32, #tpu.memory_space<vmem>>, vector<16xf32>,
        tpu.vector_store %arg10[%swap3A_85, %swap3A_86], %mul3A_84 {strides = array<i32>} : memref<128x128xf32, #tpu.memory_space<vmem>>, vector<16xf32>,
        %get3A_88 = arith.index_cast %scan3A_53 : i32 to index
        %get3A_89 = arith.constant 80 : index
        %get3A_90 = tpu.vector_load %arg10[%get3A_88, %get3A_89] {strides = array<i32>} : memref<128x128xf32, #tpu.memory_space<vmem>>, vector<16xf32>,
        %mul3A_91 = arith.mulf %get3A_90, %gather3A : vector<16xf32>
        %swap3A_92 = arith.index_cast %scan3A_53 : i32 to index
        %swap3A_93 = arith.constant 80 : index
        %swap3A_94 = tpu.vector_load %arg10[%swap3A_92, %swap3A_93] {strides = array<i32>} : memref<128x128xf32, #tpu.memory_space<vmem>>, vector<16xf32>,
        tpu.vector_store %arg10[%swap3A_92, %swap3A_93], %mul3A_91 {strides = array<i32>} : memref<128x128xf32, #tpu.memory_space<vmem>>, vector<16xf32>,
        %get3A_95 = arith.index_cast %scan3A_53 : i32 to index
        %get3A_96 = arith.constant 96 : index
        %get3A_97 = tpu.vector_load %arg10[%get3A_95, %get3A_96] {strides = array<i32>} : memref<128x128xf32, #tpu.memory_space<vmem>>, vector<16xf32>,
        %mul3A_98 = arith.mulf %get3A_97, %gather3A : vector<16xf32>
        %swap3A_99 = arith.index_cast %scan3A_53 : i32 to index
        %swap3A_100 = arith.constant 96 : index
        %swap3A_101 = tpu.vector_load %arg10[%swap3A_99, %swap3A_100] {strides = array<i32>} : memref<128x128xf32, #tpu.memory_space<vmem>>, vector<16xf32>,
        tpu.vector_store %arg10[%swap3A_99, %swap3A_100], %mul3A_98 {strides = array<i32>} : memref<128x128xf32, #tpu.memory_space<vmem>>, vector<16xf32>,
        %get3A_102 = arith.index_cast %scan3A_53 : i32 to index
        %get3A_103 = arith.constant 112 : index
        %get3A_104 = tpu.vector_load %arg10[%get3A_102, %get3A_103] {strides = array<i32>} : memref<128x128xf32, #tpu.memory_space<vmem>>, vector<16xf32>,
        %mul3A_105 = arith.mulf %get3A_104, %gather3A : vector<16xf32>
        %swap3A_106 = arith.index_cast %scan3A_53 : i32 to index
        %swap3A_107 = arith.constant 112 : index
        %swap3A_108 = tpu.vector_load %arg10[%swap3A_106, %swap3A_107] {strides = array<i32>} : memref<128x128xf32, #tpu.memory_space<vmem>>, vector<16xf32>,
        tpu.vector_store %arg10[%swap3A_106, %swap3A_107], %mul3A_105 {strides = array<i32>} : memref<128x128xf32, #tpu.memory_space<vmem>>, vector<16xf32>,
      }
      %scan3A_52 = arith.constant 128 : i32
      "tpu.region"() ({
        %run_scoped3A = tpu.sem_alloc : memref<!tpu.dma_semaphore, #tpu.memory_space<semaphore_mem>>
        %dma_start3A_53 = arith.constant 0 : i32
        %dma_start3A_54 = tpu.memref_slice %arg8[%scan3A_36, %dma_start3A_53] : memref<81x128xi32, #tpu.memory_space<vmem>> -> memref<1x128xi32, #tpu.memory_space<vmem>>
        %dma_start3A_55 = tpu.memref_squeeze %dma_start3A_54 : memref<1x128xi32, #tpu.memory_space<vmem>> -> memref<128xi32, #tpu.memory_space<vmem>>
        %dma_start3A_56 = arith.constant 0 : i32
        %dma_start3A_57 = arith.constant 0 : i32
        %dma_start3A_58 = tpu.memref_slice %arg11[%dma_start3A_56, %dma_start3A_57] : memref<10000x128xf32, #tpu.memory_space<vmem_shared>> -> memref<10000x128xf32, #tpu.memory_space<vmem_shared>>
        tpu.enqueue_indirect_dma source(%arg10 : memref<128x128xf32, #tpu.memory_space<vmem>>) target(%dma_start3A_58 : memref<10000x128xf32, #tpu.memory_space<vmem_shared>>) offsets(%dma_start3A_55 : memref<128xi32, #tpu.memory_space<vmem>>) semaphore(%run_scoped3A : memref<!tpu.dma_semaphore, #tpu.memory_space<semaphore_mem>>) {add = true}
        %dma_wait3A_59 = arith.constant 0 : i32
        %dma_wait3A_60 = tpu.memref_slice %arg8[%scan3A_36, %dma_wait3A_59] : memref<81x128xi32, #tpu.memory_space<vmem>> -> memref<1x128xi32, #tpu.memory_space<vmem>>
        %dma_wait3A_61 = tpu.memref_squeeze %dma_wait3A_60 : memref<1x128xi32, #tpu.memory_space<vmem>> -> memref<128xi32, #tpu.memory_space<vmem>>
        %dma_wait3A_62 = arith.constant 0 : i32
        %dma_wait3A_63 = arith.constant 0 : i32
        %dma_wait3A_64 = tpu.memref_slice %arg11[%dma_wait3A_62, %dma_wait3A_63] : memref<10000x128xf32, #tpu.memory_space<vmem_shared>> -> memref<10000x128xf32, #tpu.memory_space<vmem_shared>>
        tpu.wait_indirect_dma semaphore(%run_scoped3A : memref<!tpu.dma_semaphore, #tpu.memory_space<semaphore_mem>>) src(%arg10 : memref<128x128xf32, #tpu.memory_space<vmem>>) dst(%dma_wait3A_64 : memref<10000x128xf32, #tpu.memory_space<vmem_shared>>)
        tpu.yield
      }) : () -> ()
    }
    %scan3A_32 = arith.constant 81 : i32
    %barrier3A_33 = arith.constant 0 : index
    tpu.barrier barrier_id(%barrier3A_33)
    %eq3A = arith.constant 0 : i32
    %eq3A_34 = arith.cmpi eq, %arg1, %eq3A : i32
    %convert_element_type3A = arith.extui %eq3A_34 : i1 to i32
    %cond3A = arith.constant 0 : i32
    %cond3A_35 = arith.cmpi ne, %convert_element_type3A, %cond3A : i32
    scf.if %cond3A_35 {
      "tpu.region"() ({
        %run_scoped3A = tpu.sem_alloc : memref<!tpu.dma_semaphore, #tpu.memory_space<semaphore_mem>>
        %dma_start3A = arith.constant 0 : i32
        %dma_start3A_36 = arith.constant 0 : i32
        %dma_start3A_37 = tpu.memref_slice %arg6[%arg0, %dma_start3A, %dma_start3A_36] : memref<2x10000x128xf32, #tpu.memory_space<hbm>> -> memref<1x10000x128xf32, #tpu.memory_space<hbm>>
        %dma_start3A_38 = tpu.memref_squeeze %dma_start3A_37 : memref<1x10000x128xf32, #tpu.memory_space<hbm>> -> memref<10000x128xf32, #tpu.memory_space<hbm>>
        tpu.enqueue_dma source(%arg11 : memref<10000x128xf32, #tpu.memory_space<vmem_shared>>) target(%dma_start3A_38 : memref<10000x128xf32, #tpu.memory_space<hbm>>) target_semaphore(%run_scoped3A : memref<!tpu.dma_semaphore, #tpu.memory_space<semaphore_mem>>)
        %dma_wait3A = arith.constant 0 : i32
        %dma_wait3A_39 = arith.constant 0 : i32
        %dma_wait3A_40 = tpu.memref_slice %arg6[%arg0, %dma_wait3A, %dma_wait3A_39] : memref<2x10000x128xf32, #tpu.memory_space<hbm>> -> memref<1x10000x128xf32, #tpu.memory_space<hbm>>
        %dma_wait3A_41 = tpu.memref_squeeze %dma_wait3A_40 : memref<1x10000x128xf32, #tpu.memory_space<hbm>> -> memref<10000x128xf32, #tpu.memory_space<hbm>>
        tpu.wait_dma2 semaphore(%run_scoped3A : memref<!tpu.dma_semaphore, #tpu.memory_space<semaphore_mem>>) src(%arg11 : memref<10000x128xf32, #tpu.memory_space<vmem_shared>>) dst(%dma_wait3A_41 : memref<10000x128xf32, #tpu.memory_space<hbm>>)
        tpu.yield
      }) : () -> ()
    } else {
    }
    return
  }
}

#map = affine_map<(d0, d1) -> (0)>
#map1 = affine_map<(d0, d1) -> (0, 0, 0)>
#map2 = affine_map<(d0, d1) -> (0, 0)>
module attributes {stable_mosaic.version = 14 : i64} {
  func.func @_sc_alpha(%arg0: i32, %arg1: i32, %arg2: memref<10000xf32, #tpu.memory_space<hbm>>, %arg3: memref<10000xf32, #tpu.memory_space<hbm>>, %arg4: memref<32x81x128xi32, #tpu.memory_space<hbm>>, %arg5: memref<32x81x128xi32, #tpu.memory_space<hbm>>, %arg6: memref<16xf32, #tpu.memory_space<hbm>>, %arg7: memref<32x81x128xf32, #tpu.memory_space<hbm>>, %arg8: memref<2x10240xf32, #tpu.memory_space<hbm>>, %arg9: memref<10000xf32, #tpu.memory_space<vmem>>, %arg10: memref<10000xf32, #tpu.memory_space<vmem>>, %arg11: memref<81x128xi32, #tpu.memory_space<vmem>>, %arg12: memref<81x128xi32, #tpu.memory_space<vmem>>, %arg13: memref<81x128xf32, #tpu.memory_space<vmem>>, %arg14: memref<640xf32, #tpu.memory_space<vmem>>, %arg15: memref<16xf32, #tpu.memory_space<vmem>>, %arg16: memref<10240xf32, #tpu.memory_space<vmem_shared>>) attributes {dimension_semantics = [#tpu.dimension_semantics<core_parallel>, #tpu.dimension_semantics<subcore_parallel>], iteration_bounds = array<i64: 2, 16>, scalar_prefetch = 0 : i64, scratch_operands = 8 : i64, tpu.core_type = #tpu.core_type<sc_vector_subcore>, window_params = [{transform_indices = #map}, {transform_indices = #map}, {transform_indices = #map1}, {transform_indices = #map1}, {transform_indices = #map}, {transform_indices = #map1}, {transform_indices = #map2}]} {
    %mul3A = arith.constant 2 : i32
    %mul3A_0 = arith.muli %arg1, %mul3A : i32
    %add3A = arith.addi %mul3A_0, %arg0 : i32
    "tpu.region"() ({
      %run_scoped3A = tpu.sem_alloc : memref<!tpu.dma_semaphore, #tpu.memory_space<semaphore_mem>>
      tpu.enqueue_dma source(%arg2 : memref<10000xf32, #tpu.memory_space<hbm>>) target(%arg9 : memref<10000xf32, #tpu.memory_space<vmem>>) target_semaphore(%run_scoped3A : memref<!tpu.dma_semaphore, #tpu.memory_space<semaphore_mem>>)
      tpu.wait_dma2 semaphore(%run_scoped3A : memref<!tpu.dma_semaphore, #tpu.memory_space<semaphore_mem>>) src(%arg2 : memref<10000xf32, #tpu.memory_space<hbm>>) dst(%arg9 : memref<10000xf32, #tpu.memory_space<vmem>>)
      tpu.yield
    }) : () -> ()
    "tpu.region"() ({
      %run_scoped3A = tpu.sem_alloc : memref<!tpu.dma_semaphore, #tpu.memory_space<semaphore_mem>>
      tpu.enqueue_dma source(%arg3 : memref<10000xf32, #tpu.memory_space<hbm>>) target(%arg10 : memref<10000xf32, #tpu.memory_space<vmem>>) target_semaphore(%run_scoped3A : memref<!tpu.dma_semaphore, #tpu.memory_space<semaphore_mem>>)
      tpu.wait_dma2 semaphore(%run_scoped3A : memref<!tpu.dma_semaphore, #tpu.memory_space<semaphore_mem>>) src(%arg3 : memref<10000xf32, #tpu.memory_space<hbm>>) dst(%arg10 : memref<10000xf32, #tpu.memory_space<vmem>>)
      tpu.yield
    }) : () -> ()
    "tpu.region"() ({
      %run_scoped3A = tpu.sem_alloc : memref<!tpu.dma_semaphore, #tpu.memory_space<semaphore_mem>>
      %dma_start3A = arith.constant 0 : i32
      %dma_start3A_26 = arith.constant 0 : i32
      %dma_start3A_27 = tpu.memref_slice %arg4[%add3A, %dma_start3A, %dma_start3A_26] : memref<32x81x128xi32, #tpu.memory_space<hbm>> -> memref<1x81x128xi32, #tpu.memory_space<hbm>>
      %dma_start3A_28 = tpu.memref_squeeze %dma_start3A_27 : memref<1x81x128xi32, #tpu.memory_space<hbm>> -> memref<81x128xi32, #tpu.memory_space<hbm>>
      %dma_start3A_29 = arith.constant 0 : i32
      %dma_start3A_30 = arith.constant 0 : i32
      %dma_start3A_31 = tpu.memref_slice %arg4[%add3A, %dma_start3A_29, %dma_start3A_30] : memref<32x81x128xi32, #tpu.memory_space<hbm>> -> memref<1x81x128xi32, #tpu.memory_space<hbm>>
      %dma_start3A_32 = tpu.memref_squeeze %dma_start3A_31 : memref<1x81x128xi32, #tpu.memory_space<hbm>> -> memref<81x128xi32, #tpu.memory_space<hbm>>
      tpu.enqueue_dma source(%dma_start3A_32 : memref<81x128xi32, #tpu.memory_space<hbm>>) target(%arg11 : memref<81x128xi32, #tpu.memory_space<vmem>>) target_semaphore(%run_scoped3A : memref<!tpu.dma_semaphore, #tpu.memory_space<semaphore_mem>>)
      %dma_wait3A = arith.constant 0 : i32
      %dma_wait3A_33 = arith.constant 0 : i32
      %dma_wait3A_34 = tpu.memref_slice %arg4[%add3A, %dma_wait3A, %dma_wait3A_33] : memref<32x81x128xi32, #tpu.memory_space<hbm>> -> memref<1x81x128xi32, #tpu.memory_space<hbm>>
      %dma_wait3A_35 = tpu.memref_squeeze %dma_wait3A_34 : memref<1x81x128xi32, #tpu.memory_space<hbm>> -> memref<81x128xi32, #tpu.memory_space<hbm>>
      %dma_wait3A_36 = arith.constant 0 : i32
      %dma_wait3A_37 = arith.constant 0 : i32
      %dma_wait3A_38 = tpu.memref_slice %arg4[%add3A, %dma_wait3A_36, %dma_wait3A_37] : memref<32x81x128xi32, #tpu.memory_space<hbm>> -> memref<1x81x128xi32, #tpu.memory_space<hbm>>
      %dma_wait3A_39 = tpu.memref_squeeze %dma_wait3A_38 : memref<1x81x128xi32, #tpu.memory_space<hbm>> -> memref<81x128xi32, #tpu.memory_space<hbm>>
      tpu.wait_dma2 semaphore(%run_scoped3A : memref<!tpu.dma_semaphore, #tpu.memory_space<semaphore_mem>>) src(%dma_wait3A_39 : memref<81x128xi32, #tpu.memory_space<hbm>>) dst(%arg11 : memref<81x128xi32, #tpu.memory_space<vmem>>)
      tpu.yield
    }) : () -> ()
    "tpu.region"() ({
      %run_scoped3A = tpu.sem_alloc : memref<!tpu.dma_semaphore, #tpu.memory_space<semaphore_mem>>
      %dma_start3A = arith.constant 0 : i32
      %dma_start3A_26 = arith.constant 0 : i32
      %dma_start3A_27 = tpu.memref_slice %arg5[%add3A, %dma_start3A, %dma_start3A_26] : memref<32x81x128xi32, #tpu.memory_space<hbm>> -> memref<1x81x128xi32, #tpu.memory_space<hbm>>
      %dma_start3A_28 = tpu.memref_squeeze %dma_start3A_27 : memref<1x81x128xi32, #tpu.memory_space<hbm>> -> memref<81x128xi32, #tpu.memory_space<hbm>>
      %dma_start3A_29 = arith.constant 0 : i32
      %dma_start3A_30 = arith.constant 0 : i32
      %dma_start3A_31 = tpu.memref_slice %arg5[%add3A, %dma_start3A_29, %dma_start3A_30] : memref<32x81x128xi32, #tpu.memory_space<hbm>> -> memref<1x81x128xi32, #tpu.memory_space<hbm>>
      %dma_start3A_32 = tpu.memref_squeeze %dma_start3A_31 : memref<1x81x128xi32, #tpu.memory_space<hbm>> -> memref<81x128xi32, #tpu.memory_space<hbm>>
      tpu.enqueue_dma source(%dma_start3A_32 : memref<81x128xi32, #tpu.memory_space<hbm>>) target(%arg12 : memref<81x128xi32, #tpu.memory_space<vmem>>) target_semaphore(%run_scoped3A : memref<!tpu.dma_semaphore, #tpu.memory_space<semaphore_mem>>)
      %dma_wait3A = arith.constant 0 : i32
      %dma_wait3A_33 = arith.constant 0 : i32
      %dma_wait3A_34 = tpu.memref_slice %arg5[%add3A, %dma_wait3A, %dma_wait3A_33] : memref<32x81x128xi32, #tpu.memory_space<hbm>> -> memref<1x81x128xi32, #tpu.memory_space<hbm>>
      %dma_wait3A_35 = tpu.memref_squeeze %dma_wait3A_34 : memref<1x81x128xi32, #tpu.memory_space<hbm>> -> memref<81x128xi32, #tpu.memory_space<hbm>>
      %dma_wait3A_36 = arith.constant 0 : i32
      %dma_wait3A_37 = arith.constant 0 : i32
      %dma_wait3A_38 = tpu.memref_slice %arg5[%add3A, %dma_wait3A_36, %dma_wait3A_37] : memref<32x81x128xi32, #tpu.memory_space<hbm>> -> memref<1x81x128xi32, #tpu.memory_space<hbm>>
      %dma_wait3A_39 = tpu.memref_squeeze %dma_wait3A_38 : memref<1x81x128xi32, #tpu.memory_space<hbm>> -> memref<81x128xi32, #tpu.memory_space<hbm>>
      tpu.wait_dma2 semaphore(%run_scoped3A : memref<!tpu.dma_semaphore, #tpu.memory_space<semaphore_mem>>) src(%dma_wait3A_39 : memref<81x128xi32, #tpu.memory_space<hbm>>) dst(%arg12 : memref<81x128xi32, #tpu.memory_space<vmem>>)
      tpu.yield
    }) : () -> ()
    "tpu.region"() ({
      %run_scoped3A = tpu.sem_alloc : memref<!tpu.dma_semaphore, #tpu.memory_space<semaphore_mem>>
      tpu.enqueue_dma source(%arg6 : memref<16xf32, #tpu.memory_space<hbm>>) target(%arg15 : memref<16xf32, #tpu.memory_space<vmem>>) target_semaphore(%run_scoped3A : memref<!tpu.dma_semaphore, #tpu.memory_space<semaphore_mem>>)
      tpu.wait_dma2 semaphore(%run_scoped3A : memref<!tpu.dma_semaphore, #tpu.memory_space<semaphore_mem>>) src(%arg6 : memref<16xf32, #tpu.memory_space<hbm>>) dst(%arg15 : memref<16xf32, #tpu.memory_space<vmem>>)
      tpu.yield
    }) : () -> ()
    %scan3A = arith.constant 0 : i32
    %scan3A_1 = arith.constant 0 : i32
    %scan3A_2 = arith.constant 40 : i32
    %scan3A_3 = arith.addi %scan3A_1, %scan3A_2 : i32
    %scan3A_4 = arith.constant 1 : i32
    scf.for %scan3A_26 = %scan3A_1 to %scan3A_3 step %scan3A_4  : i32 {
      %broadcast_in_dim3A = arith.constant 0.000000e+00 : f32
      %broadcast_in_dim3A_27 = vector.broadcast %broadcast_in_dim3A : f32 to vector<16xf32>
      %mul3A_28 = arith.constant 16 : i32
      %mul3A_29 = arith.muli %scan3A_26, %mul3A_28 : i32
      %swap3A = arith.index_cast %mul3A_29 : i32 to index
      %swap3A_30 = tpu.vector_load %arg14[%swap3A] {strides = array<i32>} : memref<640xf32, #tpu.memory_space<vmem>>, vector<16xf32>,
      tpu.vector_store %arg14[%swap3A], %broadcast_in_dim3A_27 {strides = array<i32>} : memref<640xf32, #tpu.memory_space<vmem>>, vector<16xf32>,
    }
    %scan3A_5 = arith.constant 40 : i32
    %mul3A_6 = arith.constant 640 : i32
    %mul3A_7 = arith.muli %arg1, %mul3A_6 : i32
    "tpu.region"() ({
      %run_scoped3A = tpu.sem_alloc : memref<!tpu.dma_semaphore, #tpu.memory_space<semaphore_mem>>
      %dma_start3A = tpu.memref_slice %arg16[%mul3A_7] : memref<10240xf32, #tpu.memory_space<vmem_shared>> -> memref<640xf32, #tpu.memory_space<vmem_shared>>
      %dma_start3A_26 = tpu.memref_slice %arg16[%mul3A_7] : memref<10240xf32, #tpu.memory_space<vmem_shared>> -> memref<640xf32, #tpu.memory_space<vmem_shared>>
      tpu.enqueue_dma source(%arg14 : memref<640xf32, #tpu.memory_space<vmem>>) target(%dma_start3A_26 : memref<640xf32, #tpu.memory_space<vmem_shared>>) target_semaphore(%run_scoped3A : memref<!tpu.dma_semaphore, #tpu.memory_space<semaphore_mem>>)
      %dma_wait3A = tpu.memref_slice %arg16[%mul3A_7] : memref<10240xf32, #tpu.memory_space<vmem_shared>> -> memref<640xf32, #tpu.memory_space<vmem_shared>>
      %dma_wait3A_27 = tpu.memref_slice %arg16[%mul3A_7] : memref<10240xf32, #tpu.memory_space<vmem_shared>> -> memref<640xf32, #tpu.memory_space<vmem_shared>>
      tpu.wait_dma2 semaphore(%run_scoped3A : memref<!tpu.dma_semaphore, #tpu.memory_space<semaphore_mem>>) src(%arg14 : memref<640xf32, #tpu.memory_space<vmem>>) dst(%dma_wait3A_27 : memref<640xf32, #tpu.memory_space<vmem_shared>>)
      tpu.yield
    }) : () -> ()
    %get3A = arith.constant 0 : index
    %get3A_8 = tpu.vector_load %arg15[%get3A] {strides = array<i32>} : memref<16xf32, #tpu.memory_space<vmem>>, vector<16xf32>,
    %mul3A_9 = arith.constant 10368 : i32
    %mul3A_10 = arith.muli %add3A, %mul3A_9 : i32
    %iota3A = tpu.iota {dimensions = array<i32: 0>} : vector<16xi32>
    %scan3A_11 = arith.constant 0 : i32
    %scan3A_12 = arith.constant 0 : i32
    %scan3A_13 = arith.constant 81 : i32
    %scan3A_14 = arith.addi %scan3A_12, %scan3A_13 : i32
    %scan3A_15 = arith.constant 1 : i32
    scf.for %scan3A_26 = %scan3A_12 to %scan3A_14 step %scan3A_15  : i32 {
      %get3A_27 = arith.index_cast %scan3A_26 : i32 to index
      %get3A_28 = arith.constant 0 : index
      %get3A_29 = tpu.vector_load %arg11[%get3A_27, %get3A_28] {strides = array<i32>} : memref<81x128xi32, #tpu.memory_space<vmem>>, vector<16xi32>,
      %get3A_30 = arith.index_cast %scan3A_26 : i32 to index
      %get3A_31 = arith.constant 0 : index
      %get3A_32 = tpu.vector_load %arg12[%get3A_30, %get3A_31] {strides = array<i32>} : memref<81x128xi32, #tpu.memory_space<vmem>>, vector<16xi32>,
      %gather3A = tpu.vector_load_idx %arg9[%get3A_29] : memref<10000xf32, #tpu.memory_space<vmem>>[vector<16xi32>], vector<16xf32>,
      %gather3A_33 = tpu.vector_load_idx %arg10[%get3A_32] : memref<10000xf32, #tpu.memory_space<vmem>>[vector<16xi32>], vector<16xf32>,
      %add3A_34 = arith.addf %gather3A, %gather3A_33 : vector<16xf32>
      %ge3A = arith.constant 0.000000e+00 : f32
      %ge3A_35 = vector.broadcast %ge3A : f32 to vector<16xf32>
      %ge3A_36 = arith.cmpf oge, %add3A_34, %ge3A_35 : vector<16xf32>
      %mul3A_37 = arith.constant 2.000000e-01 : f32
      %mul3A_38 = vector.broadcast %mul3A_37 : f32 to vector<16xf32>
      %mul3A_39 = arith.mulf %mul3A_38, %add3A_34 : vector<16xf32>
      %select_n3A = arith.select %ge3A_36, %add3A_34, %mul3A_39 : vector<16xi1>, vector<16xf32>
      %sub3A = arith.subf %select_n3A, %get3A_8 : vector<16xf32>
      %exp3A = math.exp %sub3A : vector<16xf32>
      %mul3A_40 = arith.constant 128 : i32
      %mul3A_41 = arith.muli %scan3A_26, %mul3A_40 : i32
      %add3A_42 = arith.addi %mul3A_10, %mul3A_41 : i32
      %add3A_43 = arith.constant 0 : i32
      %add3A_44 = arith.addi %add3A_42, %add3A_43 : i32
      %add3A_45 = vector.broadcast %add3A_44 : i32 to vector<16xi32>
      %add3A_46 = arith.addi %add3A_45, %iota3A : vector<16xi32>
      %lt3A = arith.constant 330000 : i32
      %lt3A_47 = vector.broadcast %lt3A : i32 to vector<16xi32>
      %lt3A_48 = arith.cmpi slt, %add3A_46, %lt3A_47 : vector<16xi32>
      %jit3A = arith.constant 0.000000e+00 : f32
      %broadcast_in_dim3A = vector.broadcast %jit3A : f32 to vector<16xf32>
      %select_n3A_49 = arith.select %lt3A_48, %exp3A, %broadcast_in_dim3A : vector<16xi1>, vector<16xf32>
      %swap3A = arith.index_cast %scan3A_26 : i32 to index
      %swap3A_50 = arith.constant 0 : index
      %swap3A_51 = tpu.vector_load %arg13[%swap3A, %swap3A_50] {strides = array<i32>} : memref<81x128xf32, #tpu.memory_space<vmem>>, vector<16xf32>,
      tpu.vector_store %arg13[%swap3A, %swap3A_50], %select_n3A_49 {strides = array<i32>} : memref<81x128xf32, #tpu.memory_space<vmem>>, vector<16xf32>,
      %get3A_52 = arith.index_cast %scan3A_26 : i32 to index
      %get3A_53 = arith.constant 16 : index
      %get3A_54 = tpu.vector_load %arg11[%get3A_52, %get3A_53] {strides = array<i32>} : memref<81x128xi32, #tpu.memory_space<vmem>>, vector<16xi32>,
      %get3A_55 = arith.index_cast %scan3A_26 : i32 to index
      %get3A_56 = arith.constant 16 : index
      %get3A_57 = tpu.vector_load %arg12[%get3A_55, %get3A_56] {strides = array<i32>} : memref<81x128xi32, #tpu.memory_space<vmem>>, vector<16xi32>,
      %gather3A_58 = tpu.vector_load_idx %arg9[%get3A_54] : memref<10000xf32, #tpu.memory_space<vmem>>[vector<16xi32>], vector<16xf32>,
      %gather3A_59 = tpu.vector_load_idx %arg10[%get3A_57] : memref<10000xf32, #tpu.memory_space<vmem>>[vector<16xi32>], vector<16xf32>,
      %add3A_60 = arith.addf %gather3A_58, %gather3A_59 : vector<16xf32>
      %ge3A_61 = arith.constant 0.000000e+00 : f32
      %ge3A_62 = vector.broadcast %ge3A_61 : f32 to vector<16xf32>
      %ge3A_63 = arith.cmpf oge, %add3A_60, %ge3A_62 : vector<16xf32>
      %mul3A_64 = arith.constant 2.000000e-01 : f32
      %mul3A_65 = vector.broadcast %mul3A_64 : f32 to vector<16xf32>
      %mul3A_66 = arith.mulf %mul3A_65, %add3A_60 : vector<16xf32>
      %select_n3A_67 = arith.select %ge3A_63, %add3A_60, %mul3A_66 : vector<16xi1>, vector<16xf32>
      %sub3A_68 = arith.subf %select_n3A_67, %get3A_8 : vector<16xf32>
      %exp3A_69 = math.exp %sub3A_68 : vector<16xf32>
      %mul3A_70 = arith.constant 128 : i32
      %mul3A_71 = arith.muli %scan3A_26, %mul3A_70 : i32
      %add3A_72 = arith.addi %mul3A_10, %mul3A_71 : i32
      %add3A_73 = arith.constant 16 : i32
      %add3A_74 = arith.addi %add3A_72, %add3A_73 : i32
      %add3A_75 = vector.broadcast %add3A_74 : i32 to vector<16xi32>
      %add3A_76 = arith.addi %add3A_75, %iota3A : vector<16xi32>
      %lt3A_77 = arith.constant 330000 : i32
      %lt3A_78 = vector.broadcast %lt3A_77 : i32 to vector<16xi32>
      %lt3A_79 = arith.cmpi slt, %add3A_76, %lt3A_78 : vector<16xi32>
      %jit3A_80 = arith.constant 0.000000e+00 : f32
      %broadcast_in_dim3A_81 = vector.broadcast %jit3A_80 : f32 to vector<16xf32>
      %select_n3A_82 = arith.select %lt3A_79, %exp3A_69, %broadcast_in_dim3A_81 : vector<16xi1>, vector<16xf32>
      %swap3A_83 = arith.index_cast %scan3A_26 : i32 to index
      %swap3A_84 = arith.constant 16 : index
      %swap3A_85 = tpu.vector_load %arg13[%swap3A_83, %swap3A_84] {strides = array<i32>} : memref<81x128xf32, #tpu.memory_space<vmem>>, vector<16xf32>,
      tpu.vector_store %arg13[%swap3A_83, %swap3A_84], %select_n3A_82 {strides = array<i32>} : memref<81x128xf32, #tpu.memory_space<vmem>>, vector<16xf32>,
      %get3A_86 = arith.index_cast %scan3A_26 : i32 to index
      %get3A_87 = arith.constant 32 : index
      %get3A_88 = tpu.vector_load %arg11[%get3A_86, %get3A_87] {strides = array<i32>} : memref<81x128xi32, #tpu.memory_space<vmem>>, vector<16xi32>,
      %get3A_89 = arith.index_cast %scan3A_26 : i32 to index
      %get3A_90 = arith.constant 32 : index
      %get3A_91 = tpu.vector_load %arg12[%get3A_89, %get3A_90] {strides = array<i32>} : memref<81x128xi32, #tpu.memory_space<vmem>>, vector<16xi32>,
      %gather3A_92 = tpu.vector_load_idx %arg9[%get3A_88] : memref<10000xf32, #tpu.memory_space<vmem>>[vector<16xi32>], vector<16xf32>,
      %gather3A_93 = tpu.vector_load_idx %arg10[%get3A_91] : memref<10000xf32, #tpu.memory_space<vmem>>[vector<16xi32>], vector<16xf32>,
      %add3A_94 = arith.addf %gather3A_92, %gather3A_93 : vector<16xf32>
      %ge3A_95 = arith.constant 0.000000e+00 : f32
      %ge3A_96 = vector.broadcast %ge3A_95 : f32 to vector<16xf32>
      %ge3A_97 = arith.cmpf oge, %add3A_94, %ge3A_96 : vector<16xf32>
      %mul3A_98 = arith.constant 2.000000e-01 : f32
      %mul3A_99 = vector.broadcast %mul3A_98 : f32 to vector<16xf32>
      %mul3A_100 = arith.mulf %mul3A_99, %add3A_94 : vector<16xf32>
      %select_n3A_101 = arith.select %ge3A_97, %add3A_94, %mul3A_100 : vector<16xi1>, vector<16xf32>
      %sub3A_102 = arith.subf %select_n3A_101, %get3A_8 : vector<16xf32>
      %exp3A_103 = math.exp %sub3A_102 : vector<16xf32>
      %mul3A_104 = arith.constant 128 : i32
      %mul3A_105 = arith.muli %scan3A_26, %mul3A_104 : i32
      %add3A_106 = arith.addi %mul3A_10, %mul3A_105 : i32
      %add3A_107 = arith.constant 32 : i32
      %add3A_108 = arith.addi %add3A_106, %add3A_107 : i32
      %add3A_109 = vector.broadcast %add3A_108 : i32 to vector<16xi32>
      %add3A_110 = arith.addi %add3A_109, %iota3A : vector<16xi32>
      %lt3A_111 = arith.constant 330000 : i32
      %lt3A_112 = vector.broadcast %lt3A_111 : i32 to vector<16xi32>
      %lt3A_113 = arith.cmpi slt, %add3A_110, %lt3A_112 : vector<16xi32>
      %jit3A_114 = arith.constant 0.000000e+00 : f32
      %broadcast_in_dim3A_115 = vector.broadcast %jit3A_114 : f32 to vector<16xf32>
      %select_n3A_116 = arith.select %lt3A_113, %exp3A_103, %broadcast_in_dim3A_115 : vector<16xi1>, vector<16xf32>
      %swap3A_117 = arith.index_cast %scan3A_26 : i32 to index
      %swap3A_118 = arith.constant 32 : index
      %swap3A_119 = tpu.vector_load %arg13[%swap3A_117, %swap3A_118] {strides = array<i32>} : memref<81x128xf32, #tpu.memory_space<vmem>>, vector<16xf32>,
      tpu.vector_store %arg13[%swap3A_117, %swap3A_118], %select_n3A_116 {strides = array<i32>} : memref<81x128xf32, #tpu.memory_space<vmem>>, vector<16xf32>,
      %get3A_120 = arith.index_cast %scan3A_26 : i32 to index
      %get3A_121 = arith.constant 48 : index
      %get3A_122 = tpu.vector_load %arg11[%get3A_120, %get3A_121] {strides = array<i32>} : memref<81x128xi32, #tpu.memory_space<vmem>>, vector<16xi32>,
      %get3A_123 = arith.index_cast %scan3A_26 : i32 to index
      %get3A_124 = arith.constant 48 : index
      %get3A_125 = tpu.vector_load %arg12[%get3A_123, %get3A_124] {strides = array<i32>} : memref<81x128xi32, #tpu.memory_space<vmem>>, vector<16xi32>,
      %gather3A_126 = tpu.vector_load_idx %arg9[%get3A_122] : memref<10000xf32, #tpu.memory_space<vmem>>[vector<16xi32>], vector<16xf32>,
      %gather3A_127 = tpu.vector_load_idx %arg10[%get3A_125] : memref<10000xf32, #tpu.memory_space<vmem>>[vector<16xi32>], vector<16xf32>,
      %add3A_128 = arith.addf %gather3A_126, %gather3A_127 : vector<16xf32>
      %ge3A_129 = arith.constant 0.000000e+00 : f32
      %ge3A_130 = vector.broadcast %ge3A_129 : f32 to vector<16xf32>
      %ge3A_131 = arith.cmpf oge, %add3A_128, %ge3A_130 : vector<16xf32>
      %mul3A_132 = arith.constant 2.000000e-01 : f32
      %mul3A_133 = vector.broadcast %mul3A_132 : f32 to vector<16xf32>
      %mul3A_134 = arith.mulf %mul3A_133, %add3A_128 : vector<16xf32>
      %select_n3A_135 = arith.select %ge3A_131, %add3A_128, %mul3A_134 : vector<16xi1>, vector<16xf32>
      %sub3A_136 = arith.subf %select_n3A_135, %get3A_8 : vector<16xf32>
      %exp3A_137 = math.exp %sub3A_136 : vector<16xf32>
      %mul3A_138 = arith.constant 128 : i32
      %mul3A_139 = arith.muli %scan3A_26, %mul3A_138 : i32
      %add3A_140 = arith.addi %mul3A_10, %mul3A_139 : i32
      %add3A_141 = arith.constant 48 : i32
      %add3A_142 = arith.addi %add3A_140, %add3A_141 : i32
      %add3A_143 = vector.broadcast %add3A_142 : i32 to vector<16xi32>
      %add3A_144 = arith.addi %add3A_143, %iota3A : vector<16xi32>
      %lt3A_145 = arith.constant 330000 : i32
      %lt3A_146 = vector.broadcast %lt3A_145 : i32 to vector<16xi32>
      %lt3A_147 = arith.cmpi slt, %add3A_144, %lt3A_146 : vector<16xi32>
      %jit3A_148 = arith.constant 0.000000e+00 : f32
      %broadcast_in_dim3A_149 = vector.broadcast %jit3A_148 : f32 to vector<16xf32>
      %select_n3A_150 = arith.select %lt3A_147, %exp3A_137, %broadcast_in_dim3A_149 : vector<16xi1>, vector<16xf32>
      %swap3A_151 = arith.index_cast %scan3A_26 : i32 to index
      %swap3A_152 = arith.constant 48 : index
      %swap3A_153 = tpu.vector_load %arg13[%swap3A_151, %swap3A_152] {strides = array<i32>} : memref<81x128xf32, #tpu.memory_space<vmem>>, vector<16xf32>,
      tpu.vector_store %arg13[%swap3A_151, %swap3A_152], %select_n3A_150 {strides = array<i32>} : memref<81x128xf32, #tpu.memory_space<vmem>>, vector<16xf32>,
      %get3A_154 = arith.index_cast %scan3A_26 : i32 to index
      %get3A_155 = arith.constant 64 : index
      %get3A_156 = tpu.vector_load %arg11[%get3A_154, %get3A_155] {strides = array<i32>} : memref<81x128xi32, #tpu.memory_space<vmem>>, vector<16xi32>,
      %get3A_157 = arith.index_cast %scan3A_26 : i32 to index
      %get3A_158 = arith.constant 64 : index
      %get3A_159 = tpu.vector_load %arg12[%get3A_157, %get3A_158] {strides = array<i32>} : memref<81x128xi32, #tpu.memory_space<vmem>>, vector<16xi32>,
      %gather3A_160 = tpu.vector_load_idx %arg9[%get3A_156] : memref<10000xf32, #tpu.memory_space<vmem>>[vector<16xi32>], vector<16xf32>,
      %gather3A_161 = tpu.vector_load_idx %arg10[%get3A_159] : memref<10000xf32, #tpu.memory_space<vmem>>[vector<16xi32>], vector<16xf32>,
      %add3A_162 = arith.addf %gather3A_160, %gather3A_161 : vector<16xf32>
      %ge3A_163 = arith.constant 0.000000e+00 : f32
      %ge3A_164 = vector.broadcast %ge3A_163 : f32 to vector<16xf32>
      %ge3A_165 = arith.cmpf oge, %add3A_162, %ge3A_164 : vector<16xf32>
      %mul3A_166 = arith.constant 2.000000e-01 : f32
      %mul3A_167 = vector.broadcast %mul3A_166 : f32 to vector<16xf32>
      %mul3A_168 = arith.mulf %mul3A_167, %add3A_162 : vector<16xf32>
      %select_n3A_169 = arith.select %ge3A_165, %add3A_162, %mul3A_168 : vector<16xi1>, vector<16xf32>
      %sub3A_170 = arith.subf %select_n3A_169, %get3A_8 : vector<16xf32>
      %exp3A_171 = math.exp %sub3A_170 : vector<16xf32>
      %mul3A_172 = arith.constant 128 : i32
      %mul3A_173 = arith.muli %scan3A_26, %mul3A_172 : i32
      %add3A_174 = arith.addi %mul3A_10, %mul3A_173 : i32
      %add3A_175 = arith.constant 64 : i32
      %add3A_176 = arith.addi %add3A_174, %add3A_175 : i32
      %add3A_177 = vector.broadcast %add3A_176 : i32 to vector<16xi32>
      %add3A_178 = arith.addi %add3A_177, %iota3A : vector<16xi32>
      %lt3A_179 = arith.constant 330000 : i32
      %lt3A_180 = vector.broadcast %lt3A_179 : i32 to vector<16xi32>
      %lt3A_181 = arith.cmpi slt, %add3A_178, %lt3A_180 : vector<16xi32>
      %jit3A_182 = arith.constant 0.000000e+00 : f32
      %broadcast_in_dim3A_183 = vector.broadcast %jit3A_182 : f32 to vector<16xf32>
      %select_n3A_184 = arith.select %lt3A_181, %exp3A_171, %broadcast_in_dim3A_183 : vector<16xi1>, vector<16xf32>
      %swap3A_185 = arith.index_cast %scan3A_26 : i32 to index
      %swap3A_186 = arith.constant 64 : index
      %swap3A_187 = tpu.vector_load %arg13[%swap3A_185, %swap3A_186] {strides = array<i32>} : memref<81x128xf32, #tpu.memory_space<vmem>>, vector<16xf32>,
      tpu.vector_store %arg13[%swap3A_185, %swap3A_186], %select_n3A_184 {strides = array<i32>} : memref<81x128xf32, #tpu.memory_space<vmem>>, vector<16xf32>,
      %get3A_188 = arith.index_cast %scan3A_26 : i32 to index
      %get3A_189 = arith.constant 80 : index
      %get3A_190 = tpu.vector_load %arg11[%get3A_188, %get3A_189] {strides = array<i32>} : memref<81x128xi32, #tpu.memory_space<vmem>>, vector<16xi32>,
      %get3A_191 = arith.index_cast %scan3A_26 : i32 to index
      %get3A_192 = arith.constant 80 : index
      %get3A_193 = tpu.vector_load %arg12[%get3A_191, %get3A_192] {strides = array<i32>} : memref<81x128xi32, #tpu.memory_space<vmem>>, vector<16xi32>,
      %gather3A_194 = tpu.vector_load_idx %arg9[%get3A_190] : memref<10000xf32, #tpu.memory_space<vmem>>[vector<16xi32>], vector<16xf32>,
      %gather3A_195 = tpu.vector_load_idx %arg10[%get3A_193] : memref<10000xf32, #tpu.memory_space<vmem>>[vector<16xi32>], vector<16xf32>,
      %add3A_196 = arith.addf %gather3A_194, %gather3A_195 : vector<16xf32>
      %ge3A_197 = arith.constant 0.000000e+00 : f32
      %ge3A_198 = vector.broadcast %ge3A_197 : f32 to vector<16xf32>
      %ge3A_199 = arith.cmpf oge, %add3A_196, %ge3A_198 : vector<16xf32>
      %mul3A_200 = arith.constant 2.000000e-01 : f32
      %mul3A_201 = vector.broadcast %mul3A_200 : f32 to vector<16xf32>
      %mul3A_202 = arith.mulf %mul3A_201, %add3A_196 : vector<16xf32>
      %select_n3A_203 = arith.select %ge3A_199, %add3A_196, %mul3A_202 : vector<16xi1>, vector<16xf32>
      %sub3A_204 = arith.subf %select_n3A_203, %get3A_8 : vector<16xf32>
      %exp3A_205 = math.exp %sub3A_204 : vector<16xf32>
      %mul3A_206 = arith.constant 128 : i32
      %mul3A_207 = arith.muli %scan3A_26, %mul3A_206 : i32
      %add3A_208 = arith.addi %mul3A_10, %mul3A_207 : i32
      %add3A_209 = arith.constant 80 : i32
      %add3A_210 = arith.addi %add3A_208, %add3A_209 : i32
      %add3A_211 = vector.broadcast %add3A_210 : i32 to vector<16xi32>
      %add3A_212 = arith.addi %add3A_211, %iota3A : vector<16xi32>
      %lt3A_213 = arith.constant 330000 : i32
      %lt3A_214 = vector.broadcast %lt3A_213 : i32 to vector<16xi32>
      %lt3A_215 = arith.cmpi slt, %add3A_212, %lt3A_214 : vector<16xi32>
      %jit3A_216 = arith.constant 0.000000e+00 : f32
      %broadcast_in_dim3A_217 = vector.broadcast %jit3A_216 : f32 to vector<16xf32>
      %select_n3A_218 = arith.select %lt3A_215, %exp3A_205, %broadcast_in_dim3A_217 : vector<16xi1>, vector<16xf32>
      %swap3A_219 = arith.index_cast %scan3A_26 : i32 to index
      %swap3A_220 = arith.constant 80 : index
      %swap3A_221 = tpu.vector_load %arg13[%swap3A_219, %swap3A_220] {strides = array<i32>} : memref<81x128xf32, #tpu.memory_space<vmem>>, vector<16xf32>,
      tpu.vector_store %arg13[%swap3A_219, %swap3A_220], %select_n3A_218 {strides = array<i32>} : memref<81x128xf32, #tpu.memory_space<vmem>>, vector<16xf32>,
      %get3A_222 = arith.index_cast %scan3A_26 : i32 to index
      %get3A_223 = arith.constant 96 : index
      %get3A_224 = tpu.vector_load %arg11[%get3A_222, %get3A_223] {strides = array<i32>} : memref<81x128xi32, #tpu.memory_space<vmem>>, vector<16xi32>,
      %get3A_225 = arith.index_cast %scan3A_26 : i32 to index
      %get3A_226 = arith.constant 96 : index
      %get3A_227 = tpu.vector_load %arg12[%get3A_225, %get3A_226] {strides = array<i32>} : memref<81x128xi32, #tpu.memory_space<vmem>>, vector<16xi32>,
      %gather3A_228 = tpu.vector_load_idx %arg9[%get3A_224] : memref<10000xf32, #tpu.memory_space<vmem>>[vector<16xi32>], vector<16xf32>,
      %gather3A_229 = tpu.vector_load_idx %arg10[%get3A_227] : memref<10000xf32, #tpu.memory_space<vmem>>[vector<16xi32>], vector<16xf32>,
      %add3A_230 = arith.addf %gather3A_228, %gather3A_229 : vector<16xf32>
      %ge3A_231 = arith.constant 0.000000e+00 : f32
      %ge3A_232 = vector.broadcast %ge3A_231 : f32 to vector<16xf32>
      %ge3A_233 = arith.cmpf oge, %add3A_230, %ge3A_232 : vector<16xf32>
      %mul3A_234 = arith.constant 2.000000e-01 : f32
      %mul3A_235 = vector.broadcast %mul3A_234 : f32 to vector<16xf32>
      %mul3A_236 = arith.mulf %mul3A_235, %add3A_230 : vector<16xf32>
      %select_n3A_237 = arith.select %ge3A_233, %add3A_230, %mul3A_236 : vector<16xi1>, vector<16xf32>
      %sub3A_238 = arith.subf %select_n3A_237, %get3A_8 : vector<16xf32>
      %exp3A_239 = math.exp %sub3A_238 : vector<16xf32>
      %mul3A_240 = arith.constant 128 : i32
      %mul3A_241 = arith.muli %scan3A_26, %mul3A_240 : i32
      %add3A_242 = arith.addi %mul3A_10, %mul3A_241 : i32
      %add3A_243 = arith.constant 96 : i32
      %add3A_244 = arith.addi %add3A_242, %add3A_243 : i32
      %add3A_245 = vector.broadcast %add3A_244 : i32 to vector<16xi32>
      %add3A_246 = arith.addi %add3A_245, %iota3A : vector<16xi32>
      %lt3A_247 = arith.constant 330000 : i32
      %lt3A_248 = vector.broadcast %lt3A_247 : i32 to vector<16xi32>
      %lt3A_249 = arith.cmpi slt, %add3A_246, %lt3A_248 : vector<16xi32>
      %jit3A_250 = arith.constant 0.000000e+00 : f32
      %broadcast_in_dim3A_251 = vector.broadcast %jit3A_250 : f32 to vector<16xf32>
      %select_n3A_252 = arith.select %lt3A_249, %exp3A_239, %broadcast_in_dim3A_251 : vector<16xi1>, vector<16xf32>
      %swap3A_253 = arith.index_cast %scan3A_26 : i32 to index
      %swap3A_254 = arith.constant 96 : index
      %swap3A_255 = tpu.vector_load %arg13[%swap3A_253, %swap3A_254] {strides = array<i32>} : memref<81x128xf32, #tpu.memory_space<vmem>>, vector<16xf32>,
      tpu.vector_store %arg13[%swap3A_253, %swap3A_254], %select_n3A_252 {strides = array<i32>} : memref<81x128xf32, #tpu.memory_space<vmem>>, vector<16xf32>,
      %get3A_256 = arith.index_cast %scan3A_26 : i32 to index
      %get3A_257 = arith.constant 112 : index
      %get3A_258 = tpu.vector_load %arg11[%get3A_256, %get3A_257] {strides = array<i32>} : memref<81x128xi32, #tpu.memory_space<vmem>>, vector<16xi32>,
      %get3A_259 = arith.index_cast %scan3A_26 : i32 to index
      %get3A_260 = arith.constant 112 : index
      %get3A_261 = tpu.vector_load %arg12[%get3A_259, %get3A_260] {strides = array<i32>} : memref<81x128xi32, #tpu.memory_space<vmem>>, vector<16xi32>,
      %gather3A_262 = tpu.vector_load_idx %arg9[%get3A_258] : memref<10000xf32, #tpu.memory_space<vmem>>[vector<16xi32>], vector<16xf32>,
      %gather3A_263 = tpu.vector_load_idx %arg10[%get3A_261] : memref<10000xf32, #tpu.memory_space<vmem>>[vector<16xi32>], vector<16xf32>,
      %add3A_264 = arith.addf %gather3A_262, %gather3A_263 : vector<16xf32>
      %ge3A_265 = arith.constant 0.000000e+00 : f32
      %ge3A_266 = vector.broadcast %ge3A_265 : f32 to vector<16xf32>
      %ge3A_267 = arith.cmpf oge, %add3A_264, %ge3A_266 : vector<16xf32>
      %mul3A_268 = arith.constant 2.000000e-01 : f32
      %mul3A_269 = vector.broadcast %mul3A_268 : f32 to vector<16xf32>
      %mul3A_270 = arith.mulf %mul3A_269, %add3A_264 : vector<16xf32>
      %select_n3A_271 = arith.select %ge3A_267, %add3A_264, %mul3A_270 : vector<16xi1>, vector<16xf32>
      %sub3A_272 = arith.subf %select_n3A_271, %get3A_8 : vector<16xf32>
      %exp3A_273 = math.exp %sub3A_272 : vector<16xf32>
      %mul3A_274 = arith.constant 128 : i32
      %mul3A_275 = arith.muli %scan3A_26, %mul3A_274 : i32
      %add3A_276 = arith.addi %mul3A_10, %mul3A_275 : i32
      %add3A_277 = arith.constant 112 : i32
      %add3A_278 = arith.addi %add3A_276, %add3A_277 : i32
      %add3A_279 = vector.broadcast %add3A_278 : i32 to vector<16xi32>
      %add3A_280 = arith.addi %add3A_279, %iota3A : vector<16xi32>
      %lt3A_281 = arith.constant 330000 : i32
      %lt3A_282 = vector.broadcast %lt3A_281 : i32 to vector<16xi32>
      %lt3A_283 = arith.cmpi slt, %add3A_280, %lt3A_282 : vector<16xi32>
      %jit3A_284 = arith.constant 0.000000e+00 : f32
      %broadcast_in_dim3A_285 = vector.broadcast %jit3A_284 : f32 to vector<16xf32>
      %select_n3A_286 = arith.select %lt3A_283, %exp3A_273, %broadcast_in_dim3A_285 : vector<16xi1>, vector<16xf32>
      %swap3A_287 = arith.index_cast %scan3A_26 : i32 to index
      %swap3A_288 = arith.constant 112 : index
      %swap3A_289 = tpu.vector_load %arg13[%swap3A_287, %swap3A_288] {strides = array<i32>} : memref<81x128xf32, #tpu.memory_space<vmem>>, vector<16xf32>,
      tpu.vector_store %arg13[%swap3A_287, %swap3A_288], %select_n3A_286 {strides = array<i32>} : memref<81x128xf32, #tpu.memory_space<vmem>>, vector<16xf32>,
    }
    %scan3A_16 = arith.constant 81 : i32
    %barrier3A = arith.constant 0 : index
    tpu.barrier barrier_id(%barrier3A)
    %scan3A_17 = arith.constant 0 : i32
    %scan3A_18 = arith.constant 0 : i32
    %scan3A_19 = arith.constant 81 : i32
    %scan3A_20 = arith.addi %scan3A_18, %scan3A_19 : i32
    %scan3A_21 = arith.constant 1 : i32
    scf.for %scan3A_26 = %scan3A_18 to %scan3A_20 step %scan3A_21  : i32 {
      "tpu.region"() ({
        %run_scoped3A = tpu.sem_alloc : memref<!tpu.dma_semaphore, #tpu.memory_space<semaphore_mem>>
        %dma_start3A = arith.constant 0 : i32
        %dma_start3A_27 = tpu.memref_slice %arg13[%scan3A_26, %dma_start3A] : memref<81x128xf32, #tpu.memory_space<vmem>> -> memref<1x128xf32, #tpu.memory_space<vmem>>
        %dma_start3A_28 = tpu.memref_squeeze %dma_start3A_27 : memref<1x128xf32, #tpu.memory_space<vmem>> -> memref<128xf32, #tpu.memory_space<vmem>>
        %dma_start3A_29 = arith.constant 0 : i32
        %dma_start3A_30 = tpu.memref_slice %arg12[%scan3A_26, %dma_start3A_29] : memref<81x128xi32, #tpu.memory_space<vmem>> -> memref<1x128xi32, #tpu.memory_space<vmem>>
        %dma_start3A_31 = tpu.memref_squeeze %dma_start3A_30 : memref<1x128xi32, #tpu.memory_space<vmem>> -> memref<128xi32, #tpu.memory_space<vmem>>
        %dma_start3A_32 = arith.constant 0 : i32
        %dma_start3A_33 = tpu.memref_slice %arg16[%dma_start3A_32] : memref<10240xf32, #tpu.memory_space<vmem_shared>> -> memref<10240xf32, #tpu.memory_space<vmem_shared>>
        tpu.enqueue_indirect_dma source(%dma_start3A_28 : memref<128xf32, #tpu.memory_space<vmem>>) target(%dma_start3A_33 : memref<10240xf32, #tpu.memory_space<vmem_shared>>) offsets(%dma_start3A_31 : memref<128xi32, #tpu.memory_space<vmem>>) semaphore(%run_scoped3A : memref<!tpu.dma_semaphore, #tpu.memory_space<semaphore_mem>>) {add = true}
        %dma_wait3A = arith.constant 0 : i32
        %dma_wait3A_34 = tpu.memref_slice %arg13[%scan3A_26, %dma_wait3A] : memref<81x128xf32, #tpu.memory_space<vmem>> -> memref<1x128xf32, #tpu.memory_space<vmem>>
        %dma_wait3A_35 = tpu.memref_squeeze %dma_wait3A_34 : memref<1x128xf32, #tpu.memory_space<vmem>> -> memref<128xf32, #tpu.memory_space<vmem>>
        %dma_wait3A_36 = arith.constant 0 : i32
        %dma_wait3A_37 = tpu.memref_slice %arg12[%scan3A_26, %dma_wait3A_36] : memref<81x128xi32, #tpu.memory_space<vmem>> -> memref<1x128xi32, #tpu.memory_space<vmem>>
        %dma_wait3A_38 = tpu.memref_squeeze %dma_wait3A_37 : memref<1x128xi32, #tpu.memory_space<vmem>> -> memref<128xi32, #tpu.memory_space<vmem>>
        %dma_wait3A_39 = arith.constant 0 : i32
        %dma_wait3A_40 = tpu.memref_slice %arg16[%dma_wait3A_39] : memref<10240xf32, #tpu.memory_space<vmem_shared>> -> memref<10240xf32, #tpu.memory_space<vmem_shared>>
        tpu.wait_indirect_dma semaphore(%run_scoped3A : memref<!tpu.dma_semaphore, #tpu.memory_space<semaphore_mem>>) src(%dma_wait3A_35 : memref<128xf32, #tpu.memory_space<vmem>>) dst(%dma_wait3A_40 : memref<10240xf32, #tpu.memory_space<vmem_shared>>)
        tpu.yield
      }) : () -> ()
    }
    %scan3A_22 = arith.constant 81 : i32
    %barrier3A_23 = arith.constant 0 : index
    tpu.barrier barrier_id(%barrier3A_23)
    "tpu.region"() ({
      %run_scoped3A = tpu.sem_alloc : memref<!tpu.dma_semaphore, #tpu.memory_space<semaphore_mem>>
      %dma_start3A = arith.constant 0 : i32
      %dma_start3A_26 = arith.constant 0 : i32
      %dma_start3A_27 = tpu.memref_slice %arg7[%add3A, %dma_start3A, %dma_start3A_26] : memref<32x81x128xf32, #tpu.memory_space<hbm>> -> memref<1x81x128xf32, #tpu.memory_space<hbm>>
      %dma_start3A_28 = tpu.memref_squeeze %dma_start3A_27 : memref<1x81x128xf32, #tpu.memory_space<hbm>> -> memref<81x128xf32, #tpu.memory_space<hbm>>
      %dma_start3A_29 = arith.constant 0 : i32
      %dma_start3A_30 = arith.constant 0 : i32
      %dma_start3A_31 = tpu.memref_slice %arg7[%add3A, %dma_start3A_29, %dma_start3A_30] : memref<32x81x128xf32, #tpu.memory_space<hbm>> -> memref<1x81x128xf32, #tpu.memory_space<hbm>>
      %dma_start3A_32 = tpu.memref_squeeze %dma_start3A_31 : memref<1x81x128xf32, #tpu.memory_space<hbm>> -> memref<81x128xf32, #tpu.memory_space<hbm>>
      tpu.enqueue_dma source(%arg13 : memref<81x128xf32, #tpu.memory_space<vmem>>) target(%dma_start3A_32 : memref<81x128xf32, #tpu.memory_space<hbm>>) target_semaphore(%run_scoped3A : memref<!tpu.dma_semaphore, #tpu.memory_space<semaphore_mem>>)
      %dma_wait3A = arith.constant 0 : i32
      %dma_wait3A_33 = arith.constant 0 : i32
      %dma_wait3A_34 = tpu.memref_slice %arg7[%add3A, %dma_wait3A, %dma_wait3A_33] : memref<32x81x128xf32, #tpu.memory_space<hbm>> -> memref<1x81x128xf32, #tpu.memory_space<hbm>>
      %dma_wait3A_35 = tpu.memref_squeeze %dma_wait3A_34 : memref<1x81x128xf32, #tpu.memory_space<hbm>> -> memref<81x128xf32, #tpu.memory_space<hbm>>
      %dma_wait3A_36 = arith.constant 0 : i32
      %dma_wait3A_37 = arith.constant 0 : i32
      %dma_wait3A_38 = tpu.memref_slice %arg7[%add3A, %dma_wait3A_36, %dma_wait3A_37] : memref<32x81x128xf32, #tpu.memory_space<hbm>> -> memref<1x81x128xf32, #tpu.memory_space<hbm>>
      %dma_wait3A_39 = tpu.memref_squeeze %dma_wait3A_38 : memref<1x81x128xf32, #tpu.memory_space<hbm>> -> memref<81x128xf32, #tpu.memory_space<hbm>>
      tpu.wait_dma2 semaphore(%run_scoped3A : memref<!tpu.dma_semaphore, #tpu.memory_space<semaphore_mem>>) src(%arg13 : memref<81x128xf32, #tpu.memory_space<vmem>>) dst(%dma_wait3A_39 : memref<81x128xf32, #tpu.memory_space<hbm>>)
      tpu.yield
    }) : () -> ()
    %eq3A = arith.constant 0 : i32
    %eq3A_24 = arith.cmpi eq, %arg1, %eq3A : i32
    %convert_element_type3A = arith.extui %eq3A_24 : i1 to i32
    %cond3A = arith.constant 0 : i32
    %cond3A_25 = arith.cmpi ne, %convert_element_type3A, %cond3A : i32
    scf.if %cond3A_25 {
      "tpu.region"() ({
        %run_scoped3A = tpu.sem_alloc : memref<!tpu.dma_semaphore, #tpu.memory_space<semaphore_mem>>
        %dma_start3A = arith.constant 0 : i32
        %dma_start3A_26 = tpu.memref_slice %arg8[%arg0, %dma_start3A] : memref<2x10240xf32, #tpu.memory_space<hbm>> -> memref<1x10240xf32, #tpu.memory_space<hbm>>
        %dma_start3A_27 = tpu.memref_squeeze %dma_start3A_26 : memref<1x10240xf32, #tpu.memory_space<hbm>> -> memref<10240xf32, #tpu.memory_space<hbm>>
        tpu.enqueue_dma source(%arg16 : memref<10240xf32, #tpu.memory_space<vmem_shared>>) target(%dma_start3A_27 : memref<10240xf32, #tpu.memory_space<hbm>>) target_semaphore(%run_scoped3A : memref<!tpu.dma_semaphore, #tpu.memory_space<semaphore_mem>>)
        %dma_wait3A = arith.constant 0 : i32
        %dma_wait3A_28 = tpu.memref_slice %arg8[%arg0, %dma_wait3A] : memref<2x10240xf32, #tpu.memory_space<hbm>> -> memref<1x10240xf32, #tpu.memory_space<hbm>>
        %dma_wait3A_29 = tpu.memref_squeeze %dma_wait3A_28 : memref<1x10240xf32, #tpu.memory_space<hbm>> -> memref<10240xf32, #tpu.memory_space<hbm>>
        tpu.wait_dma2 semaphore(%run_scoped3A : memref<!tpu.dma_semaphore, #tpu.memory_space<semaphore_mem>>) src(%arg16 : memref<10240xf32, #tpu.memory_space<vmem_shared>>) dst(%dma_wait3A_29 : memref<10240xf32, #tpu.memory_space<hbm>>)
        tpu.yield
      }) : () -> ()
    } else {
    }
    return
  }
}

#map = affine_map<(d0, d1) -> (0, 0)>
#map1 = affine_map<(d0, d1) -> (0, 0, 0)>
module attributes {stable_mosaic.version = 14 : i64} {
  func.func @_sc_agg(%arg0: i32, %arg1: i32, %arg2: memref<10000x128xf32, #tpu.memory_space<hbm>>, %arg3: memref<32x81x128xi32, #tpu.memory_space<hbm>>, %arg4: memref<32x81x128xi32, #tpu.memory_space<hbm>>, %arg5: memref<32x81x128xf32, #tpu.memory_space<hbm>>, %arg6: memref<2x10000x128xf32, #tpu.memory_space<hbm>>, %arg7: memref<81x128xi32, #tpu.memory_space<vmem>>, %arg8: memref<81x128xi32, #tpu.memory_space<vmem>>, %arg9: memref<81x128xf32, #tpu.memory_space<vmem>>, %arg10: memref<128x128xf32, #tpu.memory_space<vmem>>, %arg11: memref<10000x128xf32, #tpu.memory_space<vmem_shared>>, %arg12: memref<!tpu.dma_semaphore, #tpu.memory_space<semaphore_mem>>) attributes {dimension_semantics = [#tpu.dimension_semantics<core_parallel>, #tpu.dimension_semantics<subcore_parallel>], iteration_bounds = array<i64: 2, 16>, scalar_prefetch = 0 : i64, scratch_operands = 6 : i64, tpu.core_type = #tpu.core_type<sc_vector_subcore>, window_params = [{transform_indices = #map}, {transform_indices = #map1}, {transform_indices = #map1}, {transform_indices = #map1}, {transform_indices = #map1}]} {
    %mul3A = arith.constant 2 : i32
    %mul3A_0 = arith.muli %arg1, %mul3A : i32
    %add3A = arith.addi %mul3A_0, %arg0 : i32
    "tpu.region"() ({
      %run_scoped3A = tpu.sem_alloc : memref<!tpu.dma_semaphore, #tpu.memory_space<semaphore_mem>>
      %dma_start3A = arith.constant 0 : i32
      %dma_start3A_36 = arith.constant 0 : i32
      %dma_start3A_37 = tpu.memref_slice %arg3[%add3A, %dma_start3A, %dma_start3A_36] : memref<32x81x128xi32, #tpu.memory_space<hbm>> -> memref<1x81x128xi32, #tpu.memory_space<hbm>>
      %dma_start3A_38 = tpu.memref_squeeze %dma_start3A_37 : memref<1x81x128xi32, #tpu.memory_space<hbm>> -> memref<81x128xi32, #tpu.memory_space<hbm>>
      %dma_start3A_39 = arith.constant 0 : i32
      %dma_start3A_40 = arith.constant 0 : i32
      %dma_start3A_41 = tpu.memref_slice %arg3[%add3A, %dma_start3A_39, %dma_start3A_40] : memref<32x81x128xi32, #tpu.memory_space<hbm>> -> memref<1x81x128xi32, #tpu.memory_space<hbm>>
      %dma_start3A_42 = tpu.memref_squeeze %dma_start3A_41 : memref<1x81x128xi32, #tpu.memory_space<hbm>> -> memref<81x128xi32, #tpu.memory_space<hbm>>
      tpu.enqueue_dma source(%dma_start3A_42 : memref<81x128xi32, #tpu.memory_space<hbm>>) target(%arg7 : memref<81x128xi32, #tpu.memory_space<vmem>>) target_semaphore(%run_scoped3A : memref<!tpu.dma_semaphore, #tpu.memory_space<semaphore_mem>>)
      %dma_wait3A = arith.constant 0 : i32
      %dma_wait3A_43 = arith.constant 0 : i32
      %dma_wait3A_44 = tpu.memref_slice %arg3[%add3A, %dma_wait3A, %dma_wait3A_43] : memref<32x81x128xi32, #tpu.memory_space<hbm>> -> memref<1x81x128xi32, #tpu.memory_space<hbm>>
      %dma_wait3A_45 = tpu.memref_squeeze %dma_wait3A_44 : memref<1x81x128xi32, #tpu.memory_space<hbm>> -> memref<81x128xi32, #tpu.memory_space<hbm>>
      %dma_wait3A_46 = arith.constant 0 : i32
      %dma_wait3A_47 = arith.constant 0 : i32
      %dma_wait3A_48 = tpu.memref_slice %arg3[%add3A, %dma_wait3A_46, %dma_wait3A_47] : memref<32x81x128xi32, #tpu.memory_space<hbm>> -> memref<1x81x128xi32, #tpu.memory_space<hbm>>
      %dma_wait3A_49 = tpu.memref_squeeze %dma_wait3A_48 : memref<1x81x128xi32, #tpu.memory_space<hbm>> -> memref<81x128xi32, #tpu.memory_space<hbm>>
      tpu.wait_dma2 semaphore(%run_scoped3A : memref<!tpu.dma_semaphore, #tpu.memory_space<semaphore_mem>>) src(%dma_wait3A_49 : memref<81x128xi32, #tpu.memory_space<hbm>>) dst(%arg7 : memref<81x128xi32, #tpu.memory_space<vmem>>)
      tpu.yield
    }) : () -> ()
    "tpu.region"() ({
      %run_scoped3A = tpu.sem_alloc : memref<!tpu.dma_semaphore, #tpu.memory_space<semaphore_mem>>
      %dma_start3A = arith.constant 0 : i32
      %dma_start3A_36 = arith.constant 0 : i32
      %dma_start3A_37 = tpu.memref_slice %arg4[%add3A, %dma_start3A, %dma_start3A_36] : memref<32x81x128xi32, #tpu.memory_space<hbm>> -> memref<1x81x128xi32, #tpu.memory_space<hbm>>
      %dma_start3A_38 = tpu.memref_squeeze %dma_start3A_37 : memref<1x81x128xi32, #tpu.memory_space<hbm>> -> memref<81x128xi32, #tpu.memory_space<hbm>>
      %dma_start3A_39 = arith.constant 0 : i32
      %dma_start3A_40 = arith.constant 0 : i32
      %dma_start3A_41 = tpu.memref_slice %arg4[%add3A, %dma_start3A_39, %dma_start3A_40] : memref<32x81x128xi32, #tpu.memory_space<hbm>> -> memref<1x81x128xi32, #tpu.memory_space<hbm>>
      %dma_start3A_42 = tpu.memref_squeeze %dma_start3A_41 : memref<1x81x128xi32, #tpu.memory_space<hbm>> -> memref<81x128xi32, #tpu.memory_space<hbm>>
      tpu.enqueue_dma source(%dma_start3A_42 : memref<81x128xi32, #tpu.memory_space<hbm>>) target(%arg8 : memref<81x128xi32, #tpu.memory_space<vmem>>) target_semaphore(%run_scoped3A : memref<!tpu.dma_semaphore, #tpu.memory_space<semaphore_mem>>)
      %dma_wait3A = arith.constant 0 : i32
      %dma_wait3A_43 = arith.constant 0 : i32
      %dma_wait3A_44 = tpu.memref_slice %arg4[%add3A, %dma_wait3A, %dma_wait3A_43] : memref<32x81x128xi32, #tpu.memory_space<hbm>> -> memref<1x81x128xi32, #tpu.memory_space<hbm>>
      %dma_wait3A_45 = tpu.memref_squeeze %dma_wait3A_44 : memref<1x81x128xi32, #tpu.memory_space<hbm>> -> memref<81x128xi32, #tpu.memory_space<hbm>>
      %dma_wait3A_46 = arith.constant 0 : i32
      %dma_wait3A_47 = arith.constant 0 : i32
      %dma_wait3A_48 = tpu.memref_slice %arg4[%add3A, %dma_wait3A_46, %dma_wait3A_47] : memref<32x81x128xi32, #tpu.memory_space<hbm>> -> memref<1x81x128xi32, #tpu.memory_space<hbm>>
      %dma_wait3A_49 = tpu.memref_squeeze %dma_wait3A_48 : memref<1x81x128xi32, #tpu.memory_space<hbm>> -> memref<81x128xi32, #tpu.memory_space<hbm>>
      tpu.wait_dma2 semaphore(%run_scoped3A : memref<!tpu.dma_semaphore, #tpu.memory_space<semaphore_mem>>) src(%dma_wait3A_49 : memref<81x128xi32, #tpu.memory_space<hbm>>) dst(%arg8 : memref<81x128xi32, #tpu.memory_space<vmem>>)
      tpu.yield
    }) : () -> ()
    "tpu.region"() ({
      %run_scoped3A = tpu.sem_alloc : memref<!tpu.dma_semaphore, #tpu.memory_space<semaphore_mem>>
      %dma_start3A = arith.constant 0 : i32
      %dma_start3A_36 = arith.constant 0 : i32
      %dma_start3A_37 = tpu.memref_slice %arg5[%add3A, %dma_start3A, %dma_start3A_36] : memref<32x81x128xf32, #tpu.memory_space<hbm>> -> memref<1x81x128xf32, #tpu.memory_space<hbm>>
      %dma_start3A_38 = tpu.memref_squeeze %dma_start3A_37 : memref<1x81x128xf32, #tpu.memory_space<hbm>> -> memref<81x128xf32, #tpu.memory_space<hbm>>
      %dma_start3A_39 = arith.constant 0 : i32
      %dma_start3A_40 = arith.constant 0 : i32
      %dma_start3A_41 = tpu.memref_slice %arg5[%add3A, %dma_start3A_39, %dma_start3A_40] : memref<32x81x128xf32, #tpu.memory_space<hbm>> -> memref<1x81x128xf32, #tpu.memory_space<hbm>>
      %dma_start3A_42 = tpu.memref_squeeze %dma_start3A_41 : memref<1x81x128xf32, #tpu.memory_space<hbm>> -> memref<81x128xf32, #tpu.memory_space<hbm>>
      tpu.enqueue_dma source(%dma_start3A_42 : memref<81x128xf32, #tpu.memory_space<hbm>>) target(%arg9 : memref<81x128xf32, #tpu.memory_space<vmem>>) target_semaphore(%run_scoped3A : memref<!tpu.dma_semaphore, #tpu.memory_space<semaphore_mem>>)
      %dma_wait3A = arith.constant 0 : i32
      %dma_wait3A_43 = arith.constant 0 : i32
      %dma_wait3A_44 = tpu.memref_slice %arg5[%add3A, %dma_wait3A, %dma_wait3A_43] : memref<32x81x128xf32, #tpu.memory_space<hbm>> -> memref<1x81x128xf32, #tpu.memory_space<hbm>>
      %dma_wait3A_45 = tpu.memref_squeeze %dma_wait3A_44 : memref<1x81x128xf32, #tpu.memory_space<hbm>> -> memref<81x128xf32, #tpu.memory_space<hbm>>
      %dma_wait3A_46 = arith.constant 0 : i32
      %dma_wait3A_47 = arith.constant 0 : i32
      %dma_wait3A_48 = tpu.memref_slice %arg5[%add3A, %dma_wait3A_46, %dma_wait3A_47] : memref<32x81x128xf32, #tpu.memory_space<hbm>> -> memref<1x81x128xf32, #tpu.memory_space<hbm>>
      %dma_wait3A_49 = tpu.memref_squeeze %dma_wait3A_48 : memref<1x81x128xf32, #tpu.memory_space<hbm>> -> memref<81x128xf32, #tpu.memory_space<hbm>>
      tpu.wait_dma2 semaphore(%run_scoped3A : memref<!tpu.dma_semaphore, #tpu.memory_space<semaphore_mem>>) src(%dma_wait3A_49 : memref<81x128xf32, #tpu.memory_space<hbm>>) dst(%arg9 : memref<81x128xf32, #tpu.memory_space<vmem>>)
      tpu.yield
    }) : () -> ()
    %scan3A = arith.constant 0 : i32
    %scan3A_1 = arith.constant 0 : i32
    %scan3A_2 = arith.constant 128 : i32
    %scan3A_3 = arith.addi %scan3A_1, %scan3A_2 : i32
    %scan3A_4 = arith.constant 1 : i32
    scf.for %scan3A_36 = %scan3A_1 to %scan3A_3 step %scan3A_4  : i32 {
      %broadcast_in_dim3A = arith.constant 0.000000e+00 : f32
      %broadcast_in_dim3A_37 = vector.broadcast %broadcast_in_dim3A : f32 to vector<16xf32>
      %swap3A = arith.index_cast %scan3A_36 : i32 to index
      %swap3A_38 = arith.constant 0 : index
      %swap3A_39 = tpu.vector_load %arg10[%swap3A, %swap3A_38] {strides = array<i32>} : memref<128x128xf32, #tpu.memory_space<vmem>>, vector<16xf32>,
      tpu.vector_store %arg10[%swap3A, %swap3A_38], %broadcast_in_dim3A_37 {strides = array<i32>} : memref<128x128xf32, #tpu.memory_space<vmem>>, vector<16xf32>,
      %broadcast_in_dim3A_40 = arith.constant 0.000000e+00 : f32
      %broadcast_in_dim3A_41 = vector.broadcast %broadcast_in_dim3A_40 : f32 to vector<16xf32>
      %swap3A_42 = arith.index_cast %scan3A_36 : i32 to index
      %swap3A_43 = arith.constant 16 : index
      %swap3A_44 = tpu.vector_load %arg10[%swap3A_42, %swap3A_43] {strides = array<i32>} : memref<128x128xf32, #tpu.memory_space<vmem>>, vector<16xf32>,
      tpu.vector_store %arg10[%swap3A_42, %swap3A_43], %broadcast_in_dim3A_41 {strides = array<i32>} : memref<128x128xf32, #tpu.memory_space<vmem>>, vector<16xf32>,
      %broadcast_in_dim3A_45 = arith.constant 0.000000e+00 : f32
      %broadcast_in_dim3A_46 = vector.broadcast %broadcast_in_dim3A_45 : f32 to vector<16xf32>
      %swap3A_47 = arith.index_cast %scan3A_36 : i32 to index
      %swap3A_48 = arith.constant 32 : index
      %swap3A_49 = tpu.vector_load %arg10[%swap3A_47, %swap3A_48] {strides = array<i32>} : memref<128x128xf32, #tpu.memory_space<vmem>>, vector<16xf32>,
      tpu.vector_store %arg10[%swap3A_47, %swap3A_48], %broadcast_in_dim3A_46 {strides = array<i32>} : memref<128x128xf32, #tpu.memory_space<vmem>>, vector<16xf32>,
      %broadcast_in_dim3A_50 = arith.constant 0.000000e+00 : f32
      %broadcast_in_dim3A_51 = vector.broadcast %broadcast_in_dim3A_50 : f32 to vector<16xf32>
      %swap3A_52 = arith.index_cast %scan3A_36 : i32 to index
      %swap3A_53 = arith.constant 48 : index
      %swap3A_54 = tpu.vector_load %arg10[%swap3A_52, %swap3A_53] {strides = array<i32>} : memref<128x128xf32, #tpu.memory_space<vmem>>, vector<16xf32>,
      tpu.vector_store %arg10[%swap3A_52, %swap3A_53], %broadcast_in_dim3A_51 {strides = array<i32>} : memref<128x128xf32, #tpu.memory_space<vmem>>, vector<16xf32>,
      %broadcast_in_dim3A_55 = arith.constant 0.000000e+00 : f32
      %broadcast_in_dim3A_56 = vector.broadcast %broadcast_in_dim3A_55 : f32 to vector<16xf32>
      %swap3A_57 = arith.index_cast %scan3A_36 : i32 to index
      %swap3A_58 = arith.constant 64 : index
      %swap3A_59 = tpu.vector_load %arg10[%swap3A_57, %swap3A_58] {strides = array<i32>} : memref<128x128xf32, #tpu.memory_space<vmem>>, vector<16xf32>,
      tpu.vector_store %arg10[%swap3A_57, %swap3A_58], %broadcast_in_dim3A_56 {strides = array<i32>} : memref<128x128xf32, #tpu.memory_space<vmem>>, vector<16xf32>,
      %broadcast_in_dim3A_60 = arith.constant 0.000000e+00 : f32
      %broadcast_in_dim3A_61 = vector.broadcast %broadcast_in_dim3A_60 : f32 to vector<16xf32>
      %swap3A_62 = arith.index_cast %scan3A_36 : i32 to index
      %swap3A_63 = arith.constant 80 : index
      %swap3A_64 = tpu.vector_load %arg10[%swap3A_62, %swap3A_63] {strides = array<i32>} : memref<128x128xf32, #tpu.memory_space<vmem>>, vector<16xf32>,
      tpu.vector_store %arg10[%swap3A_62, %swap3A_63], %broadcast_in_dim3A_61 {strides = array<i32>} : memref<128x128xf32, #tpu.memory_space<vmem>>, vector<16xf32>,
      %broadcast_in_dim3A_65 = arith.constant 0.000000e+00 : f32
      %broadcast_in_dim3A_66 = vector.broadcast %broadcast_in_dim3A_65 : f32 to vector<16xf32>
      %swap3A_67 = arith.index_cast %scan3A_36 : i32 to index
      %swap3A_68 = arith.constant 96 : index
      %swap3A_69 = tpu.vector_load %arg10[%swap3A_67, %swap3A_68] {strides = array<i32>} : memref<128x128xf32, #tpu.memory_space<vmem>>, vector<16xf32>,
      tpu.vector_store %arg10[%swap3A_67, %swap3A_68], %broadcast_in_dim3A_66 {strides = array<i32>} : memref<128x128xf32, #tpu.memory_space<vmem>>, vector<16xf32>,
      %broadcast_in_dim3A_70 = arith.constant 0.000000e+00 : f32
      %broadcast_in_dim3A_71 = vector.broadcast %broadcast_in_dim3A_70 : f32 to vector<16xf32>
      %swap3A_72 = arith.index_cast %scan3A_36 : i32 to index
      %swap3A_73 = arith.constant 112 : index
      %swap3A_74 = tpu.vector_load %arg10[%swap3A_72, %swap3A_73] {strides = array<i32>} : memref<128x128xf32, #tpu.memory_space<vmem>>, vector<16xf32>,
      tpu.vector_store %arg10[%swap3A_72, %swap3A_73], %broadcast_in_dim3A_71 {strides = array<i32>} : memref<128x128xf32, #tpu.memory_space<vmem>>, vector<16xf32>,
    }
    %scan3A_5 = arith.constant 128 : i32
    %mul3A_6 = arith.constant 625 : i32
    %mul3A_7 = arith.muli %arg1, %mul3A_6 : i32
    %add3A_8 = arith.constant 0 : i32
    %add3A_9 = arith.addi %mul3A_7, %add3A_8 : i32
    "tpu.region"() ({
      %run_scoped3A = tpu.sem_alloc : memref<!tpu.dma_semaphore, #tpu.memory_space<semaphore_mem>>
      %dma_start3A = arith.constant 0 : i32
      %dma_start3A_36 = tpu.memref_slice %arg11[%add3A_9, %dma_start3A] : memref<10000x128xf32, #tpu.memory_space<vmem_shared>> -> memref<128x128xf32, #tpu.memory_space<vmem_shared>>
      %dma_start3A_37 = arith.constant 0 : i32
      %dma_start3A_38 = tpu.memref_slice %arg11[%add3A_9, %dma_start3A_37] : memref<10000x128xf32, #tpu.memory_space<vmem_shared>> -> memref<128x128xf32, #tpu.memory_space<vmem_shared>>
      tpu.enqueue_dma source(%arg10 : memref<128x128xf32, #tpu.memory_space<vmem>>) target(%dma_start3A_38 : memref<128x128xf32, #tpu.memory_space<vmem_shared>>) target_semaphore(%run_scoped3A : memref<!tpu.dma_semaphore, #tpu.memory_space<semaphore_mem>>)
      %dma_wait3A = arith.constant 0 : i32
      %dma_wait3A_39 = tpu.memref_slice %arg11[%add3A_9, %dma_wait3A] : memref<10000x128xf32, #tpu.memory_space<vmem_shared>> -> memref<128x128xf32, #tpu.memory_space<vmem_shared>>
      %dma_wait3A_40 = arith.constant 0 : i32
      %dma_wait3A_41 = tpu.memref_slice %arg11[%add3A_9, %dma_wait3A_40] : memref<10000x128xf32, #tpu.memory_space<vmem_shared>> -> memref<128x128xf32, #tpu.memory_space<vmem_shared>>
      tpu.wait_dma2 semaphore(%run_scoped3A : memref<!tpu.dma_semaphore, #tpu.memory_space<semaphore_mem>>) src(%arg10 : memref<128x128xf32, #tpu.memory_space<vmem>>) dst(%dma_wait3A_41 : memref<128x128xf32, #tpu.memory_space<vmem_shared>>)
      tpu.yield
    }) : () -> ()
    %mul3A_10 = arith.constant 625 : i32
    %mul3A_11 = arith.muli %arg1, %mul3A_10 : i32
    %add3A_12 = arith.constant 128 : i32
    %add3A_13 = arith.addi %mul3A_11, %add3A_12 : i32
    "tpu.region"() ({
      %run_scoped3A = tpu.sem_alloc : memref<!tpu.dma_semaphore, #tpu.memory_space<semaphore_mem>>
      %dma_start3A = arith.constant 0 : i32
      %dma_start3A_36 = tpu.memref_slice %arg11[%add3A_13, %dma_start3A] : memref<10000x128xf32, #tpu.memory_space<vmem_shared>> -> memref<128x128xf32, #tpu.memory_space<vmem_shared>>
      %dma_start3A_37 = arith.constant 0 : i32
      %dma_start3A_38 = tpu.memref_slice %arg11[%add3A_13, %dma_start3A_37] : memref<10000x128xf32, #tpu.memory_space<vmem_shared>> -> memref<128x128xf32, #tpu.memory_space<vmem_shared>>
      tpu.enqueue_dma source(%arg10 : memref<128x128xf32, #tpu.memory_space<vmem>>) target(%dma_start3A_38 : memref<128x128xf32, #tpu.memory_space<vmem_shared>>) target_semaphore(%run_scoped3A : memref<!tpu.dma_semaphore, #tpu.memory_space<semaphore_mem>>)
      %dma_wait3A = arith.constant 0 : i32
      %dma_wait3A_39 = tpu.memref_slice %arg11[%add3A_13, %dma_wait3A] : memref<10000x128xf32, #tpu.memory_space<vmem_shared>> -> memref<128x128xf32, #tpu.memory_space<vmem_shared>>
      %dma_wait3A_40 = arith.constant 0 : i32
      %dma_wait3A_41 = tpu.memref_slice %arg11[%add3A_13, %dma_wait3A_40] : memref<10000x128xf32, #tpu.memory_space<vmem_shared>> -> memref<128x128xf32, #tpu.memory_space<vmem_shared>>
      tpu.wait_dma2 semaphore(%run_scoped3A : memref<!tpu.dma_semaphore, #tpu.memory_space<semaphore_mem>>) src(%arg10 : memref<128x128xf32, #tpu.memory_space<vmem>>) dst(%dma_wait3A_41 : memref<128x128xf32, #tpu.memory_space<vmem_shared>>)
      tpu.yield
    }) : () -> ()
    %mul3A_14 = arith.constant 625 : i32
    %mul3A_15 = arith.muli %arg1, %mul3A_14 : i32
    %add3A_16 = arith.constant 256 : i32
    %add3A_17 = arith.addi %mul3A_15, %add3A_16 : i32
    "tpu.region"() ({
      %run_scoped3A = tpu.sem_alloc : memref<!tpu.dma_semaphore, #tpu.memory_space<semaphore_mem>>
      %dma_start3A = arith.constant 0 : i32
      %dma_start3A_36 = tpu.memref_slice %arg11[%add3A_17, %dma_start3A] : memref<10000x128xf32, #tpu.memory_space<vmem_shared>> -> memref<128x128xf32, #tpu.memory_space<vmem_shared>>
      %dma_start3A_37 = arith.constant 0 : i32
      %dma_start3A_38 = tpu.memref_slice %arg11[%add3A_17, %dma_start3A_37] : memref<10000x128xf32, #tpu.memory_space<vmem_shared>> -> memref<128x128xf32, #tpu.memory_space<vmem_shared>>
      tpu.enqueue_dma source(%arg10 : memref<128x128xf32, #tpu.memory_space<vmem>>) target(%dma_start3A_38 : memref<128x128xf32, #tpu.memory_space<vmem_shared>>) target_semaphore(%run_scoped3A : memref<!tpu.dma_semaphore, #tpu.memory_space<semaphore_mem>>)
      %dma_wait3A = arith.constant 0 : i32
      %dma_wait3A_39 = tpu.memref_slice %arg11[%add3A_17, %dma_wait3A] : memref<10000x128xf32, #tpu.memory_space<vmem_shared>> -> memref<128x128xf32, #tpu.memory_space<vmem_shared>>
      %dma_wait3A_40 = arith.constant 0 : i32
      %dma_wait3A_41 = tpu.memref_slice %arg11[%add3A_17, %dma_wait3A_40] : memref<10000x128xf32, #tpu.memory_space<vmem_shared>> -> memref<128x128xf32, #tpu.memory_space<vmem_shared>>
      tpu.wait_dma2 semaphore(%run_scoped3A : memref<!tpu.dma_semaphore, #tpu.memory_space<semaphore_mem>>) src(%arg10 : memref<128x128xf32, #tpu.memory_space<vmem>>) dst(%dma_wait3A_41 : memref<128x128xf32, #tpu.memory_space<vmem_shared>>)
      tpu.yield
    }) : () -> ()
    %mul3A_18 = arith.constant 625 : i32
    %mul3A_19 = arith.muli %arg1, %mul3A_18 : i32
    %add3A_20 = arith.constant 384 : i32
    %add3A_21 = arith.addi %mul3A_19, %add3A_20 : i32
    "tpu.region"() ({
      %run_scoped3A = tpu.sem_alloc : memref<!tpu.dma_semaphore, #tpu.memory_space<semaphore_mem>>
      %dma_start3A = arith.constant 0 : i32
      %dma_start3A_36 = tpu.memref_slice %arg11[%add3A_21, %dma_start3A] : memref<10000x128xf32, #tpu.memory_space<vmem_shared>> -> memref<128x128xf32, #tpu.memory_space<vmem_shared>>
      %dma_start3A_37 = arith.constant 0 : i32
      %dma_start3A_38 = tpu.memref_slice %arg11[%add3A_21, %dma_start3A_37] : memref<10000x128xf32, #tpu.memory_space<vmem_shared>> -> memref<128x128xf32, #tpu.memory_space<vmem_shared>>
      tpu.enqueue_dma source(%arg10 : memref<128x128xf32, #tpu.memory_space<vmem>>) target(%dma_start3A_38 : memref<128x128xf32, #tpu.memory_space<vmem_shared>>) target_semaphore(%run_scoped3A : memref<!tpu.dma_semaphore, #tpu.memory_space<semaphore_mem>>)
      %dma_wait3A = arith.constant 0 : i32
      %dma_wait3A_39 = tpu.memref_slice %arg11[%add3A_21, %dma_wait3A] : memref<10000x128xf32, #tpu.memory_space<vmem_shared>> -> memref<128x128xf32, #tpu.memory_space<vmem_shared>>
      %dma_wait3A_40 = arith.constant 0 : i32
      %dma_wait3A_41 = tpu.memref_slice %arg11[%add3A_21, %dma_wait3A_40] : memref<10000x128xf32, #tpu.memory_space<vmem_shared>> -> memref<128x128xf32, #tpu.memory_space<vmem_shared>>
      tpu.wait_dma2 semaphore(%run_scoped3A : memref<!tpu.dma_semaphore, #tpu.memory_space<semaphore_mem>>) src(%arg10 : memref<128x128xf32, #tpu.memory_space<vmem>>) dst(%dma_wait3A_41 : memref<128x128xf32, #tpu.memory_space<vmem_shared>>)
      tpu.yield
    }) : () -> ()
    %mul3A_22 = arith.constant 625 : i32
    %mul3A_23 = arith.muli %arg1, %mul3A_22 : i32
    %add3A_24 = arith.constant 625 : i32
    %add3A_25 = arith.addi %mul3A_23, %add3A_24 : i32
    %sub3A = arith.constant 113 : i32
    %sub3A_26 = arith.subi %add3A_25, %sub3A : i32
    "tpu.region"() ({
      %run_scoped3A = tpu.sem_alloc : memref<!tpu.dma_semaphore, #tpu.memory_space<semaphore_mem>>
      %dma_start3A = arith.constant 0 : i32
      %dma_start3A_36 = arith.constant 0 : i32
      %dma_start3A_37 = tpu.memref_slice %arg10[%dma_start3A, %dma_start3A_36] : memref<128x128xf32, #tpu.memory_space<vmem>> -> memref<113x128xf32, #tpu.memory_space<vmem>>
      %dma_start3A_38 = arith.constant 0 : i32
      %dma_start3A_39 = tpu.memref_slice %arg11[%sub3A_26, %dma_start3A_38] : memref<10000x128xf32, #tpu.memory_space<vmem_shared>> -> memref<113x128xf32, #tpu.memory_space<vmem_shared>>
      %dma_start3A_40 = arith.constant 0 : i32
      %dma_start3A_41 = tpu.memref_slice %arg11[%sub3A_26, %dma_start3A_40] : memref<10000x128xf32, #tpu.memory_space<vmem_shared>> -> memref<113x128xf32, #tpu.memory_space<vmem_shared>>
      %dma_start3A_42 = arith.constant 0 : i32
      %dma_start3A_43 = arith.constant 0 : i32
      %dma_start3A_44 = tpu.memref_slice %arg10[%dma_start3A_42, %dma_start3A_43] : memref<128x128xf32, #tpu.memory_space<vmem>> -> memref<113x128xf32, #tpu.memory_space<vmem>>
      tpu.enqueue_dma source(%dma_start3A_44 : memref<113x128xf32, #tpu.memory_space<vmem>>) target(%dma_start3A_41 : memref<113x128xf32, #tpu.memory_space<vmem_shared>>) target_semaphore(%run_scoped3A : memref<!tpu.dma_semaphore, #tpu.memory_space<semaphore_mem>>)
      %dma_wait3A = arith.constant 0 : i32
      %dma_wait3A_45 = arith.constant 0 : i32
      %dma_wait3A_46 = tpu.memref_slice %arg10[%dma_wait3A, %dma_wait3A_45] : memref<128x128xf32, #tpu.memory_space<vmem>> -> memref<113x128xf32, #tpu.memory_space<vmem>>
      %dma_wait3A_47 = arith.constant 0 : i32
      %dma_wait3A_48 = tpu.memref_slice %arg11[%sub3A_26, %dma_wait3A_47] : memref<10000x128xf32, #tpu.memory_space<vmem_shared>> -> memref<113x128xf32, #tpu.memory_space<vmem_shared>>
      %dma_wait3A_49 = arith.constant 0 : i32
      %dma_wait3A_50 = tpu.memref_slice %arg11[%sub3A_26, %dma_wait3A_49] : memref<10000x128xf32, #tpu.memory_space<vmem_shared>> -> memref<113x128xf32, #tpu.memory_space<vmem_shared>>
      %dma_wait3A_51 = arith.constant 0 : i32
      %dma_wait3A_52 = arith.constant 0 : i32
      %dma_wait3A_53 = tpu.memref_slice %arg10[%dma_wait3A_51, %dma_wait3A_52] : memref<128x128xf32, #tpu.memory_space<vmem>> -> memref<113x128xf32, #tpu.memory_space<vmem>>
      tpu.wait_dma2 semaphore(%run_scoped3A : memref<!tpu.dma_semaphore, #tpu.memory_space<semaphore_mem>>) src(%dma_wait3A_53 : memref<113x128xf32, #tpu.memory_space<vmem>>) dst(%dma_wait3A_50 : memref<113x128xf32, #tpu.memory_space<vmem_shared>>)
      tpu.yield
    }) : () -> ()
    %barrier3A = arith.constant 0 : index
    tpu.barrier barrier_id(%barrier3A)
    %scan3A_27 = arith.constant 0 : i32
    %scan3A_28 = arith.constant 0 : i32
    %scan3A_29 = arith.constant 81 : i32
    %scan3A_30 = arith.addi %scan3A_28, %scan3A_29 : i32
    %scan3A_31 = arith.constant 1 : i32
    scf.for %scan3A_36 = %scan3A_28 to %scan3A_30 step %scan3A_31  : i32 {
      %dma_start3A = arith.constant 0 : i32
      %dma_start3A_37 = tpu.memref_slice %arg7[%scan3A_36, %dma_start3A] : memref<81x128xi32, #tpu.memory_space<vmem>> -> memref<1x128xi32, #tpu.memory_space<vmem>>
      %dma_start3A_38 = tpu.memref_squeeze %dma_start3A_37 : memref<1x128xi32, #tpu.memory_space<vmem>> -> memref<128xi32, #tpu.memory_space<vmem>>
      %dma_start3A_39 = arith.constant 0 : i32
      %dma_start3A_40 = arith.constant 0 : i32
      %dma_start3A_41 = tpu.memref_slice %arg2[%dma_start3A_39, %dma_start3A_40] : memref<10000x128xf32, #tpu.memory_space<hbm>> -> memref<10000x128xf32, #tpu.memory_space<hbm>>
      tpu.enqueue_indirect_dma source(%dma_start3A_41 : memref<10000x128xf32, #tpu.memory_space<hbm>>) target(%arg10 : memref<128x128xf32, #tpu.memory_space<vmem>>) offsets(%dma_start3A_38 : memref<128xi32, #tpu.memory_space<vmem>>) semaphore(%arg12 : memref<!tpu.dma_semaphore, #tpu.memory_space<semaphore_mem>>)
      %dma_wait3A = arith.constant 0 : i32
      %dma_wait3A_42 = tpu.memref_slice %arg7[%scan3A_36, %dma_wait3A] : memref<81x128xi32, #tpu.memory_space<vmem>> -> memref<1x128xi32, #tpu.memory_space<vmem>>
      %dma_wait3A_43 = tpu.memref_squeeze %dma_wait3A_42 : memref<1x128xi32, #tpu.memory_space<vmem>> -> memref<128xi32, #tpu.memory_space<vmem>>
      %dma_wait3A_44 = arith.constant 0 : i32
      %dma_wait3A_45 = arith.constant 0 : i32
      %dma_wait3A_46 = tpu.memref_slice %arg2[%dma_wait3A_44, %dma_wait3A_45] : memref<10000x128xf32, #tpu.memory_space<hbm>> -> memref<10000x128xf32, #tpu.memory_space<hbm>>
      tpu.wait_indirect_dma semaphore(%arg12 : memref<!tpu.dma_semaphore, #tpu.memory_space<semaphore_mem>>) src(%dma_wait3A_46 : memref<10000x128xf32, #tpu.memory_space<hbm>>) dst(%arg10 : memref<128x128xf32, #tpu.memory_space<vmem>>)
      %scan3A_47 = arith.constant 0 : i32
      %scan3A_48 = arith.constant 0 : i32
      %scan3A_49 = arith.constant 128 : i32
      %scan3A_50 = arith.addi %scan3A_48, %scan3A_49 : i32
      %scan3A_51 = arith.constant 1 : i32
      scf.for %scan3A_53 = %scan3A_48 to %scan3A_50 step %scan3A_51  : i32 {
        %broadcast_in_dim3A = vector.broadcast %scan3A_36 : i32 to vector<16xi32>
        %broadcast_in_dim3A_54 = vector.broadcast %scan3A_53 : i32 to vector<16xi32>
        %gather3A = tpu.vector_load_idx %arg9[%broadcast_in_dim3A, %broadcast_in_dim3A_54] : memref<81x128xf32, #tpu.memory_space<vmem>>[vector<16xi32>, vector<16xi32>], vector<16xf32>,
        %get3A = arith.index_cast %scan3A_53 : i32 to index
        %get3A_55 = arith.constant 0 : index
        %get3A_56 = tpu.vector_load %arg10[%get3A, %get3A_55] {strides = array<i32>} : memref<128x128xf32, #tpu.memory_space<vmem>>, vector<16xf32>,
        %mul3A_57 = arith.mulf %get3A_56, %gather3A : vector<16xf32>
        %swap3A = arith.index_cast %scan3A_53 : i32 to index
        %swap3A_58 = arith.constant 0 : index
        %swap3A_59 = tpu.vector_load %arg10[%swap3A, %swap3A_58] {strides = array<i32>} : memref<128x128xf32, #tpu.memory_space<vmem>>, vector<16xf32>,
        tpu.vector_store %arg10[%swap3A, %swap3A_58], %mul3A_57 {strides = array<i32>} : memref<128x128xf32, #tpu.memory_space<vmem>>, vector<16xf32>,
        %get3A_60 = arith.index_cast %scan3A_53 : i32 to index
        %get3A_61 = arith.constant 16 : index
        %get3A_62 = tpu.vector_load %arg10[%get3A_60, %get3A_61] {strides = array<i32>} : memref<128x128xf32, #tpu.memory_space<vmem>>, vector<16xf32>,
        %mul3A_63 = arith.mulf %get3A_62, %gather3A : vector<16xf32>
        %swap3A_64 = arith.index_cast %scan3A_53 : i32 to index
        %swap3A_65 = arith.constant 16 : index
        %swap3A_66 = tpu.vector_load %arg10[%swap3A_64, %swap3A_65] {strides = array<i32>} : memref<128x128xf32, #tpu.memory_space<vmem>>, vector<16xf32>,
        tpu.vector_store %arg10[%swap3A_64, %swap3A_65], %mul3A_63 {strides = array<i32>} : memref<128x128xf32, #tpu.memory_space<vmem>>, vector<16xf32>,
        %get3A_67 = arith.index_cast %scan3A_53 : i32 to index
        %get3A_68 = arith.constant 32 : index
        %get3A_69 = tpu.vector_load %arg10[%get3A_67, %get3A_68] {strides = array<i32>} : memref<128x128xf32, #tpu.memory_space<vmem>>, vector<16xf32>,
        %mul3A_70 = arith.mulf %get3A_69, %gather3A : vector<16xf32>
        %swap3A_71 = arith.index_cast %scan3A_53 : i32 to index
        %swap3A_72 = arith.constant 32 : index
        %swap3A_73 = tpu.vector_load %arg10[%swap3A_71, %swap3A_72] {strides = array<i32>} : memref<128x128xf32, #tpu.memory_space<vmem>>, vector<16xf32>,
        tpu.vector_store %arg10[%swap3A_71, %swap3A_72], %mul3A_70 {strides = array<i32>} : memref<128x128xf32, #tpu.memory_space<vmem>>, vector<16xf32>,
        %get3A_74 = arith.index_cast %scan3A_53 : i32 to index
        %get3A_75 = arith.constant 48 : index
        %get3A_76 = tpu.vector_load %arg10[%get3A_74, %get3A_75] {strides = array<i32>} : memref<128x128xf32, #tpu.memory_space<vmem>>, vector<16xf32>,
        %mul3A_77 = arith.mulf %get3A_76, %gather3A : vector<16xf32>
        %swap3A_78 = arith.index_cast %scan3A_53 : i32 to index
        %swap3A_79 = arith.constant 48 : index
        %swap3A_80 = tpu.vector_load %arg10[%swap3A_78, %swap3A_79] {strides = array<i32>} : memref<128x128xf32, #tpu.memory_space<vmem>>, vector<16xf32>,
        tpu.vector_store %arg10[%swap3A_78, %swap3A_79], %mul3A_77 {strides = array<i32>} : memref<128x128xf32, #tpu.memory_space<vmem>>, vector<16xf32>,
        %get3A_81 = arith.index_cast %scan3A_53 : i32 to index
        %get3A_82 = arith.constant 64 : index
        %get3A_83 = tpu.vector_load %arg10[%get3A_81, %get3A_82] {strides = array<i32>} : memref<128x128xf32, #tpu.memory_space<vmem>>, vector<16xf32>,
        %mul3A_84 = arith.mulf %get3A_83, %gather3A : vector<16xf32>
        %swap3A_85 = arith.index_cast %scan3A_53 : i32 to index
        %swap3A_86 = arith.constant 64 : index
        %swap3A_87 = tpu.vector_load %arg10[%swap3A_85, %swap3A_86] {strides = array<i32>} : memref<128x128xf32, #tpu.memory_space<vmem>>, vector<16xf32>,
        tpu.vector_store %arg10[%swap3A_85, %swap3A_86], %mul3A_84 {strides = array<i32>} : memref<128x128xf32, #tpu.memory_space<vmem>>, vector<16xf32>,
        %get3A_88 = arith.index_cast %scan3A_53 : i32 to index
        %get3A_89 = arith.constant 80 : index
        %get3A_90 = tpu.vector_load %arg10[%get3A_88, %get3A_89] {strides = array<i32>} : memref<128x128xf32, #tpu.memory_space<vmem>>, vector<16xf32>,
        %mul3A_91 = arith.mulf %get3A_90, %gather3A : vector<16xf32>
        %swap3A_92 = arith.index_cast %scan3A_53 : i32 to index
        %swap3A_93 = arith.constant 80 : index
        %swap3A_94 = tpu.vector_load %arg10[%swap3A_92, %swap3A_93] {strides = array<i32>} : memref<128x128xf32, #tpu.memory_space<vmem>>, vector<16xf32>,
        tpu.vector_store %arg10[%swap3A_92, %swap3A_93], %mul3A_91 {strides = array<i32>} : memref<128x128xf32, #tpu.memory_space<vmem>>, vector<16xf32>,
        %get3A_95 = arith.index_cast %scan3A_53 : i32 to index
        %get3A_96 = arith.constant 96 : index
        %get3A_97 = tpu.vector_load %arg10[%get3A_95, %get3A_96] {strides = array<i32>} : memref<128x128xf32, #tpu.memory_space<vmem>>, vector<16xf32>,
        %mul3A_98 = arith.mulf %get3A_97, %gather3A : vector<16xf32>
        %swap3A_99 = arith.index_cast %scan3A_53 : i32 to index
        %swap3A_100 = arith.constant 96 : index
        %swap3A_101 = tpu.vector_load %arg10[%swap3A_99, %swap3A_100] {strides = array<i32>} : memref<128x128xf32, #tpu.memory_space<vmem>>, vector<16xf32>,
        tpu.vector_store %arg10[%swap3A_99, %swap3A_100], %mul3A_98 {strides = array<i32>} : memref<128x128xf32, #tpu.memory_space<vmem>>, vector<16xf32>,
        %get3A_102 = arith.index_cast %scan3A_53 : i32 to index
        %get3A_103 = arith.constant 112 : index
        %get3A_104 = tpu.vector_load %arg10[%get3A_102, %get3A_103] {strides = array<i32>} : memref<128x128xf32, #tpu.memory_space<vmem>>, vector<16xf32>,
        %mul3A_105 = arith.mulf %get3A_104, %gather3A : vector<16xf32>
        %swap3A_106 = arith.index_cast %scan3A_53 : i32 to index
        %swap3A_107 = arith.constant 112 : index
        %swap3A_108 = tpu.vector_load %arg10[%swap3A_106, %swap3A_107] {strides = array<i32>} : memref<128x128xf32, #tpu.memory_space<vmem>>, vector<16xf32>,
        tpu.vector_store %arg10[%swap3A_106, %swap3A_107], %mul3A_105 {strides = array<i32>} : memref<128x128xf32, #tpu.memory_space<vmem>>, vector<16xf32>,
      }
      %scan3A_52 = arith.constant 128 : i32
      "tpu.region"() ({
        %run_scoped3A = tpu.sem_alloc : memref<!tpu.dma_semaphore, #tpu.memory_space<semaphore_mem>>
        %dma_start3A_53 = arith.constant 0 : i32
        %dma_start3A_54 = tpu.memref_slice %arg8[%scan3A_36, %dma_start3A_53] : memref<81x128xi32, #tpu.memory_space<vmem>> -> memref<1x128xi32, #tpu.memory_space<vmem>>
        %dma_start3A_55 = tpu.memref_squeeze %dma_start3A_54 : memref<1x128xi32, #tpu.memory_space<vmem>> -> memref<128xi32, #tpu.memory_space<vmem>>
        %dma_start3A_56 = arith.constant 0 : i32
        %dma_start3A_57 = arith.constant 0 : i32
        %dma_start3A_58 = tpu.memref_slice %arg11[%dma_start3A_56, %dma_start3A_57] : memref<10000x128xf32, #tpu.memory_space<vmem_shared>> -> memref<10000x128xf32, #tpu.memory_space<vmem_shared>>
        tpu.enqueue_indirect_dma source(%arg10 : memref<128x128xf32, #tpu.memory_space<vmem>>) target(%dma_start3A_58 : memref<10000x128xf32, #tpu.memory_space<vmem_shared>>) offsets(%dma_start3A_55 : memref<128xi32, #tpu.memory_space<vmem>>) semaphore(%run_scoped3A : memref<!tpu.dma_semaphore, #tpu.memory_space<semaphore_mem>>) {add = true}
        %dma_wait3A_59 = arith.constant 0 : i32
        %dma_wait3A_60 = tpu.memref_slice %arg8[%scan3A_36, %dma_wait3A_59] : memref<81x128xi32, #tpu.memory_space<vmem>> -> memref<1x128xi32, #tpu.memory_space<vmem>>
        %dma_wait3A_61 = tpu.memref_squeeze %dma_wait3A_60 : memref<1x128xi32, #tpu.memory_space<vmem>> -> memref<128xi32, #tpu.memory_space<vmem>>
        %dma_wait3A_62 = arith.constant 0 : i32
        %dma_wait3A_63 = arith.constant 0 : i32
        %dma_wait3A_64 = tpu.memref_slice %arg11[%dma_wait3A_62, %dma_wait3A_63] : memref<10000x128xf32, #tpu.memory_space<vmem_shared>> -> memref<10000x128xf32, #tpu.memory_space<vmem_shared>>
        tpu.wait_indirect_dma semaphore(%run_scoped3A : memref<!tpu.dma_semaphore, #tpu.memory_space<semaphore_mem>>) src(%arg10 : memref<128x128xf32, #tpu.memory_space<vmem>>) dst(%dma_wait3A_64 : memref<10000x128xf32, #tpu.memory_space<vmem_shared>>)
        tpu.yield
      }) : () -> ()
    }
    %scan3A_32 = arith.constant 81 : i32
    %barrier3A_33 = arith.constant 0 : index
    tpu.barrier barrier_id(%barrier3A_33)
    %eq3A = arith.constant 0 : i32
    %eq3A_34 = arith.cmpi eq, %arg1, %eq3A : i32
    %convert_element_type3A = arith.extui %eq3A_34 : i1 to i32
    %cond3A = arith.constant 0 : i32
    %cond3A_35 = arith.cmpi ne, %convert_element_type3A, %cond3A : i32
    scf.if %cond3A_35 {
      "tpu.region"() ({
        %run_scoped3A = tpu.sem_alloc : memref<!tpu.dma_semaphore, #tpu.memory_space<semaphore_mem>>
        %dma_start3A = arith.constant 0 : i32
        %dma_start3A_36 = arith.constant 0 : i32
        %dma_start3A_37 = tpu.memref_slice %arg6[%arg0, %dma_start3A, %dma_start3A_36] : memref<2x10000x128xf32, #tpu.memory_space<hbm>> -> memref<1x10000x128xf32, #tpu.memory_space<hbm>>
        %dma_start3A_38 = tpu.memref_squeeze %dma_start3A_37 : memref<1x10000x128xf32, #tpu.memory_space<hbm>> -> memref<10000x128xf32, #tpu.memory_space<hbm>>
        tpu.enqueue_dma source(%arg11 : memref<10000x128xf32, #tpu.memory_space<vmem_shared>>) target(%dma_start3A_38 : memref<10000x128xf32, #tpu.memory_space<hbm>>) target_semaphore(%run_scoped3A : memref<!tpu.dma_semaphore, #tpu.memory_space<semaphore_mem>>)
        %dma_wait3A = arith.constant 0 : i32
        %dma_wait3A_39 = arith.constant 0 : i32
        %dma_wait3A_40 = tpu.memref_slice %arg6[%arg0, %dma_wait3A, %dma_wait3A_39] : memref<2x10000x128xf32, #tpu.memory_space<hbm>> -> memref<1x10000x128xf32, #tpu.memory_space<hbm>>
        %dma_wait3A_41 = tpu.memref_squeeze %dma_wait3A_40 : memref<1x10000x128xf32, #tpu.memory_space<hbm>> -> memref<10000x128xf32, #tpu.memory_space<hbm>>
        tpu.wait_dma2 semaphore(%run_scoped3A : memref<!tpu.dma_semaphore, #tpu.memory_space<semaphore_mem>>) src(%arg11 : memref<10000x128xf32, #tpu.memory_space<vmem_shared>>) dst(%dma_wait3A_41 : memref<10000x128xf32, #tpu.memory_space<hbm>>)
        tpu.yield
      }) : () -> ()
    } else {
    }
    return
  }
}

module attributes {stable_mosaic.version = 14 : i64} {
  func.func @_tc_pre_body(%arg0: memref<10000x128xf32, #tpu.memory_space<vmem>>, %arg1: memref<128x128xf32, #tpu.memory_space<vmem>>, %arg2: memref<1x128xf32, #tpu.memory_space<vmem>>, %arg3: memref<1x128xf32, #tpu.memory_space<vmem>>, %arg4: memref<10000x128xf32, #tpu.memory_space<vmem>>, %arg5: memref<2x10000xf32, #tpu.memory_space<vmem>>, %arg6: memref<1x1xf32, #tpu.memory_space<vmem>>) attributes {dimension_semantics = [], scalar_prefetch = 0 : i64, scratch_operands = 0 : i64, tpu.core_type = #tpu.core_type<tc>} {
    %get3A = arith.constant 0 : index
    %get3A_0 = arith.constant 0 : index
    %get3A_1 = vector.load %arg0[%get3A, %get3A_0] : memref<10000x128xf32, #tpu.memory_space<vmem>>, vector<10000x128xf32>
    %get3A_2 = arith.constant 0 : index
    %get3A_3 = arith.constant 0 : index
    %get3A_4 = vector.load %arg1[%get3A_2, %get3A_3] : memref<128x128xf32, #tpu.memory_space<vmem>>, vector<128x128xf32>
    %dot_general3A = arith.constant dense<0.000000e+00> : vector<10000x128xf32>
    %dot_general3A_5 = tpu.matmul %get3A_1, %get3A_4, %dot_general3A {dimension_numbers = #tpu.dot_dimension_numbers<[1], [0], [0], [1], [0, 0, 1, 1], [], []>, transpose_lhs_hint = false} : vector<10000x128xf32>, vector<128x128xf32>, vector<10000x128xf32> -> vector<10000x128xf32>
    %swap3A = arith.constant 0 : index
    %swap3A_6 = arith.constant 0 : index
    %swap3A_7 = vector.load %arg4[%swap3A, %swap3A_6] : memref<10000x128xf32, #tpu.memory_space<vmem>>, vector<10000x128xf32>
    tpu.vector_store %arg4[%swap3A, %swap3A_6], %dot_general3A_5 {strides = array<i32>} : memref<10000x128xf32, #tpu.memory_space<vmem>>, vector<10000x128xf32>,
    %get3A_8 = arith.constant 0 : index
    %get3A_9 = arith.constant 0 : index
    %get3A_10 = vector.load %arg2[%get3A_8, %get3A_9] : memref<1x128xf32, #tpu.memory_space<vmem>>, vector<1x128xf32>
    %mul3A = vector.broadcast %get3A_10 : vector<1x128xf32> to vector<10000x128xf32>
    %mul3A_11 = arith.mulf %dot_general3A_5, %mul3A : vector<10000x128xf32>
    %reduce_sum3A = arith.constant dense<0.000000e+00> : vector<10000xf32>
    %reduce_sum3A_12 = vector.multi_reduction <add>, %mul3A_11, %reduce_sum3A [1] : vector<10000x128xf32> to vector<10000xf32>
    %get3A_13 = arith.constant 0 : index
    %get3A_14 = arith.constant 0 : index
    %get3A_15 = vector.load %arg3[%get3A_13, %get3A_14] : memref<1x128xf32, #tpu.memory_space<vmem>>, vector<1x128xf32>
    %mul3A_16 = vector.broadcast %get3A_15 : vector<1x128xf32> to vector<10000x128xf32>
    %mul3A_17 = arith.mulf %dot_general3A_5, %mul3A_16 : vector<10000x128xf32>
    %reduce_sum3A_18 = arith.constant dense<0.000000e+00> : vector<10000xf32>
    %reduce_sum3A_19 = vector.multi_reduction <add>, %mul3A_17, %reduce_sum3A_18 [1] : vector<10000x128xf32> to vector<10000xf32>
    %stack3A = vector.shape_cast %reduce_sum3A_12 : vector<10000xf32> to vector<1x10000xf32>
    %stack3A_20 = vector.shape_cast %reduce_sum3A_19 : vector<10000xf32> to vector<1x10000xf32>
    %stack3A_21 = tpu.concatenate %stack3A, %stack3A_20 in 0 : vector<1x10000xf32>, vector<1x10000xf32> -> vector<2x10000xf32>
    %swap3A_22 = arith.constant 0 : index
    %swap3A_23 = arith.constant 0 : index
    %swap3A_24 = vector.load %arg5[%swap3A_22, %swap3A_23] : memref<2x10000xf32, #tpu.memory_space<vmem>>, vector<2x10000xf32>
    tpu.vector_store %arg5[%swap3A_22, %swap3A_23], %stack3A_21 {strides = array<i32>} : memref<2x10000xf32, #tpu.memory_space<vmem>>, vector<2x10000xf32>,
    %reduce_max3A = vector.shape_cast %reduce_sum3A_12 : vector<10000xf32> to vector<1x10000xf32>
    %reduce_max3A_25 = arith.constant dense<0xFF800000> : vector<1xf32>
    %reduce_max3A_26 = vector.multi_reduction <maximumf>, %reduce_max3A, %reduce_max3A_25 [1] : vector<1x10000xf32> to vector<1xf32>
    %reduce_max3A_27 = vector.shape_cast %reduce_max3A_26 : vector<1xf32> to vector<1x1xf32>
    %reduce_max3A_28 = vector.extract %reduce_max3A_27[0, 0] : f32 from vector<1x1xf32>
    %reduce_max3A_29 = vector.shape_cast %reduce_sum3A_19 : vector<10000xf32> to vector<1x10000xf32>
    %reduce_max3A_30 = arith.constant dense<0xFF800000> : vector<1xf32>
    %reduce_max3A_31 = vector.multi_reduction <maximumf>, %reduce_max3A_29, %reduce_max3A_30 [1] : vector<1x10000xf32> to vector<1xf32>
    %reduce_max3A_32 = vector.shape_cast %reduce_max3A_31 : vector<1xf32> to vector<1x1xf32>
    %reduce_max3A_33 = vector.extract %reduce_max3A_32[0, 0] : f32 from vector<1x1xf32>
    %add3A = arith.addf %reduce_max3A_28, %reduce_max3A_33 : f32
    %max3A = arith.constant 0.000000e+00 : f32
    %max3A_34 = arith.maximumf %add3A, %max3A : f32
    %reshape3A = vector.broadcast %max3A_34 : f32 to vector<1x1xf32>
    %swap3A_35 = arith.constant 0 : index
    %swap3A_36 = arith.constant 0 : index
    %swap3A_37 = vector.load %arg6[%swap3A_35, %swap3A_36] : memref<1x1xf32, #tpu.memory_space<vmem>>, vector<1x1xf32>
    tpu.vector_store %arg6[%swap3A_35, %swap3A_36], %reshape3A {strides = array<i32>} : memref<1x1xf32, #tpu.memory_space<vmem>>, vector<1x1xf32>,
    return
  }
}

module attributes {stable_mosaic.version = 14 : i64} {
  func.func @_tc_post_body(%arg0: memref<2x10000x128xf32, #tpu.memory_space<vmem>>, %arg1: memref<2x10240xf32, #tpu.memory_space<vmem>>, %arg2: memref<1x128xf32, #tpu.memory_space<vmem>>, %arg3: memref<10000x128xf32, #tpu.memory_space<vmem>>) attributes {dimension_semantics = [], scalar_prefetch = 0 : i64, scratch_operands = 0 : i64, tpu.core_type = #tpu.core_type<tc>} {
    %get3A = arith.constant 0 : index
    %get3A_0 = arith.constant 0 : index
    %get3A_1 = vector.load %arg1[%get3A, %get3A_0] : memref<2x10240xf32, #tpu.memory_space<vmem>>, vector<1x10000xf32>
    %get3A_2 = vector.shape_cast %get3A_1 : vector<1x10000xf32> to vector<10000xf32>
    %get3A_3 = arith.constant 1 : index
    %get3A_4 = arith.constant 0 : index
    %get3A_5 = vector.load %arg1[%get3A_3, %get3A_4] : memref<2x10240xf32, #tpu.memory_space<vmem>>, vector<1x10000xf32>
    %get3A_6 = vector.shape_cast %get3A_5 : vector<1x10000xf32> to vector<10000xf32>
    %add3A = arith.addf %get3A_2, %get3A_6 : vector<10000xf32>
    %add3A_7 = arith.constant 1.000000e-16 : f32
    %add3A_8 = vector.broadcast %add3A_7 : f32 to vector<10000xf32>
    %add3A_9 = arith.addf %add3A, %add3A_8 : vector<10000xf32>
    %get3A_10 = arith.constant 0 : index
    %get3A_11 = arith.constant 0 : index
    %get3A_12 = arith.constant 0 : index
    %get3A_13 = vector.load %arg0[%get3A_10, %get3A_11, %get3A_12] : memref<2x10000x128xf32, #tpu.memory_space<vmem>>, vector<1x10000x128xf32>
    %get3A_14 = vector.shape_cast %get3A_13 : vector<1x10000x128xf32> to vector<10000x128xf32>
    %get3A_15 = arith.constant 1 : index
    %get3A_16 = arith.constant 0 : index
    %get3A_17 = arith.constant 0 : index
    %get3A_18 = vector.load %arg0[%get3A_15, %get3A_16, %get3A_17] : memref<2x10000x128xf32, #tpu.memory_space<vmem>>, vector<1x10000x128xf32>
    %get3A_19 = vector.shape_cast %get3A_18 : vector<1x10000x128xf32> to vector<10000x128xf32>
    %add3A_20 = arith.addf %get3A_14, %get3A_19 : vector<10000x128xf32>
    %div3A = arith.constant 1.000000e+00 : f32
    %div3A_21 = vector.broadcast %div3A : f32 to vector<10000xf32>
    %div3A_22 = arith.divf %div3A_21, %add3A_9 : vector<10000xf32>
    %broadcast_in_dim3A = vector.shape_cast %div3A_22 : vector<10000xf32> to vector<10000x1xf32>
    %mul3A = vector.broadcast %broadcast_in_dim3A : vector<10000x1xf32> to vector<10000x128xf32>
    %mul3A_23 = arith.mulf %add3A_20, %mul3A : vector<10000x128xf32>
    %get3A_24 = arith.constant 0 : index
    %get3A_25 = arith.constant 0 : index
    %get3A_26 = vector.load %arg2[%get3A_24, %get3A_25] : memref<1x128xf32, #tpu.memory_space<vmem>>, vector<1x128xf32>
    %add3A_27 = vector.broadcast %get3A_26 : vector<1x128xf32> to vector<10000x128xf32>
    %add3A_28 = arith.addf %mul3A_23, %add3A_27 : vector<10000x128xf32>
    %reduce_max3A = arith.constant dense<0xFF800000> : vector<128xf32>
    %reduce_max3A_29 = vector.multi_reduction <maximumf>, %add3A_28, %reduce_max3A [0] : vector<10000x128xf32> to vector<128xf32>
    %broadcast_in_dim3A_30 = vector.shape_cast %reduce_max3A_29 : vector<128xf32> to vector<1x128xf32>
    %sub3A = vector.broadcast %broadcast_in_dim3A_30 : vector<1x128xf32> to vector<10000x128xf32>
    %sub3A_31 = arith.subf %add3A_28, %sub3A : vector<10000x128xf32>
    %exp3A = math.exp %sub3A_31 : vector<10000x128xf32>
    %reduce_sum3A = arith.constant dense<0.000000e+00> : vector<128xf32>
    %reduce_sum3A_32 = vector.multi_reduction <add>, %exp3A, %reduce_sum3A [0] : vector<10000x128xf32> to vector<128xf32>
    %broadcast_in_dim3A_33 = vector.shape_cast %reduce_sum3A_32 : vector<128xf32> to vector<1x128xf32>
    %div3A_34 = vector.broadcast %broadcast_in_dim3A_33 : vector<1x128xf32> to vector<10000x128xf32>
    %div3A_35 = arith.divf %exp3A, %div3A_34 : vector<10000x128xf32>
    %swap3A = arith.constant 0 : index
    %swap3A_36 = arith.constant 0 : index
    %swap3A_37 = vector.load %arg3[%swap3A, %swap3A_36] : memref<10000x128xf32, #tpu.memory_space<vmem>>, vector<10000x128xf32>
    tpu.vector_store %arg3[%swap3A, %swap3A_36], %div3A_35 {strides = array<i32>} : memref<10000x128xf32, #tpu.memory_space<vmem>>, vector<10000x128xf32>,
    return
  }
}

module attributes {stable_mosaic.version = 14 : i64} {
  func.func @_tc_mid_body(%arg0: memref<2x10000x128xf32, #tpu.memory_space<vmem>>, %arg1: memref<2x10240xf32, #tpu.memory_space<vmem>>, %arg2: memref<1x128xf32, #tpu.memory_space<vmem>>, %arg3: memref<128x128xf32, #tpu.memory_space<vmem>>, %arg4: memref<1x128xf32, #tpu.memory_space<vmem>>, %arg5: memref<1x128xf32, #tpu.memory_space<vmem>>, %arg6: memref<10000x128xf32, #tpu.memory_space<vmem>>, %arg7: memref<2x10000xf32, #tpu.memory_space<vmem>>, %arg8: memref<1x1xf32, #tpu.memory_space<vmem>>) attributes {dimension_semantics = [], scalar_prefetch = 0 : i64, scratch_operands = 0 : i64, tpu.core_type = #tpu.core_type<tc>} {
    %get3A = arith.constant 0 : index
    %get3A_0 = arith.constant 0 : index
    %get3A_1 = vector.load %arg1[%get3A, %get3A_0] : memref<2x10240xf32, #tpu.memory_space<vmem>>, vector<1x10000xf32>
    %get3A_2 = vector.shape_cast %get3A_1 : vector<1x10000xf32> to vector<10000xf32>
    %get3A_3 = arith.constant 1 : index
    %get3A_4 = arith.constant 0 : index
    %get3A_5 = vector.load %arg1[%get3A_3, %get3A_4] : memref<2x10240xf32, #tpu.memory_space<vmem>>, vector<1x10000xf32>
    %get3A_6 = vector.shape_cast %get3A_5 : vector<1x10000xf32> to vector<10000xf32>
    %add3A = arith.addf %get3A_2, %get3A_6 : vector<10000xf32>
    %add3A_7 = arith.constant 1.000000e-16 : f32
    %add3A_8 = vector.broadcast %add3A_7 : f32 to vector<10000xf32>
    %add3A_9 = arith.addf %add3A, %add3A_8 : vector<10000xf32>
    %get3A_10 = arith.constant 0 : index
    %get3A_11 = arith.constant 0 : index
    %get3A_12 = arith.constant 0 : index
    %get3A_13 = vector.load %arg0[%get3A_10, %get3A_11, %get3A_12] : memref<2x10000x128xf32, #tpu.memory_space<vmem>>, vector<1x10000x128xf32>
    %get3A_14 = vector.shape_cast %get3A_13 : vector<1x10000x128xf32> to vector<10000x128xf32>
    %get3A_15 = arith.constant 1 : index
    %get3A_16 = arith.constant 0 : index
    %get3A_17 = arith.constant 0 : index
    %get3A_18 = vector.load %arg0[%get3A_15, %get3A_16, %get3A_17] : memref<2x10000x128xf32, #tpu.memory_space<vmem>>, vector<1x10000x128xf32>
    %get3A_19 = vector.shape_cast %get3A_18 : vector<1x10000x128xf32> to vector<10000x128xf32>
    %add3A_20 = arith.addf %get3A_14, %get3A_19 : vector<10000x128xf32>
    %div3A = arith.constant 1.000000e+00 : f32
    %div3A_21 = vector.broadcast %div3A : f32 to vector<10000xf32>
    %div3A_22 = arith.divf %div3A_21, %add3A_9 : vector<10000xf32>
    %broadcast_in_dim3A = vector.shape_cast %div3A_22 : vector<10000xf32> to vector<10000x1xf32>
    %mul3A = vector.broadcast %broadcast_in_dim3A : vector<10000x1xf32> to vector<10000x128xf32>
    %mul3A_23 = arith.mulf %add3A_20, %mul3A : vector<10000x128xf32>
    %get3A_24 = arith.constant 0 : index
    %get3A_25 = arith.constant 0 : index
    %get3A_26 = vector.load %arg2[%get3A_24, %get3A_25] : memref<1x128xf32, #tpu.memory_space<vmem>>, vector<1x128xf32>
    %add3A_27 = vector.broadcast %get3A_26 : vector<1x128xf32> to vector<10000x128xf32>
    %add3A_28 = arith.addf %mul3A_23, %add3A_27 : vector<10000x128xf32>
    %ge3A = arith.constant 0.000000e+00 : f32
    %ge3A_29 = vector.broadcast %ge3A : f32 to vector<10000x128xf32>
    %ge3A_30 = arith.cmpf oge, %add3A_28, %ge3A_29 : vector<10000x128xf32>
    %mul3A_31 = arith.constant 0.00999999977 : f32
    %mul3A_32 = vector.broadcast %mul3A_31 : f32 to vector<10000x128xf32>
    %mul3A_33 = arith.mulf %mul3A_32, %add3A_28 : vector<10000x128xf32>
    %select_n3A = arith.select %ge3A_30, %add3A_28, %mul3A_33 : vector<10000x128xi1>, vector<10000x128xf32>
    %get3A_34 = arith.constant 0 : index
    %get3A_35 = arith.constant 0 : index
    %get3A_36 = vector.load %arg3[%get3A_34, %get3A_35] : memref<128x128xf32, #tpu.memory_space<vmem>>, vector<128x128xf32>
    %dot_general3A = arith.constant dense<0.000000e+00> : vector<10000x128xf32>
    %dot_general3A_37 = tpu.matmul %select_n3A, %get3A_36, %dot_general3A {dimension_numbers = #tpu.dot_dimension_numbers<[1], [0], [0], [1], [0, 0, 1, 1], [], []>, transpose_lhs_hint = false} : vector<10000x128xf32>, vector<128x128xf32>, vector<10000x128xf32> -> vector<10000x128xf32>
    %swap3A = arith.constant 0 : index
    %swap3A_38 = arith.constant 0 : index
    %swap3A_39 = vector.load %arg6[%swap3A, %swap3A_38] : memref<10000x128xf32, #tpu.memory_space<vmem>>, vector<10000x128xf32>
    tpu.vector_store %arg6[%swap3A, %swap3A_38], %dot_general3A_37 {strides = array<i32>} : memref<10000x128xf32, #tpu.memory_space<vmem>>, vector<10000x128xf32>,
    %get3A_40 = arith.constant 0 : index
    %get3A_41 = arith.constant 0 : index
    %get3A_42 = vector.load %arg4[%get3A_40, %get3A_41] : memref<1x128xf32, #tpu.memory_space<vmem>>, vector<1x128xf32>
    %mul3A_43 = vector.broadcast %get3A_42 : vector<1x128xf32> to vector<10000x128xf32>
    %mul3A_44 = arith.mulf %dot_general3A_37, %mul3A_43 : vector<10000x128xf32>
    %reduce_sum3A = arith.constant dense<0.000000e+00> : vector<10000xf32>
    %reduce_sum3A_45 = vector.multi_reduction <add>, %mul3A_44, %reduce_sum3A [1] : vector<10000x128xf32> to vector<10000xf32>
    %get3A_46 = arith.constant 0 : index
    %get3A_47 = arith.constant 0 : index
    %get3A_48 = vector.load %arg5[%get3A_46, %get3A_47] : memref<1x128xf32, #tpu.memory_space<vmem>>, vector<1x128xf32>
    %mul3A_49 = vector.broadcast %get3A_48 : vector<1x128xf32> to vector<10000x128xf32>
    %mul3A_50 = arith.mulf %dot_general3A_37, %mul3A_49 : vector<10000x128xf32>
    %reduce_sum3A_51 = arith.constant dense<0.000000e+00> : vector<10000xf32>
    %reduce_sum3A_52 = vector.multi_reduction <add>, %mul3A_50, %reduce_sum3A_51 [1] : vector<10000x128xf32> to vector<10000xf32>
    %stack3A = vector.shape_cast %reduce_sum3A_45 : vector<10000xf32> to vector<1x10000xf32>
    %stack3A_53 = vector.shape_cast %reduce_sum3A_52 : vector<10000xf32> to vector<1x10000xf32>
    %stack3A_54 = tpu.concatenate %stack3A, %stack3A_53 in 0 : vector<1x10000xf32>, vector<1x10000xf32> -> vector<2x10000xf32>
    %swap3A_55 = arith.constant 0 : index
    %swap3A_56 = arith.constant 0 : index
    %swap3A_57 = vector.load %arg7[%swap3A_55, %swap3A_56] : memref<2x10000xf32, #tpu.memory_space<vmem>>, vector<2x10000xf32>
    tpu.vector_store %arg7[%swap3A_55, %swap3A_56], %stack3A_54 {strides = array<i32>} : memref<2x10000xf32, #tpu.memory_space<vmem>>, vector<2x10000xf32>,
    %reduce_max3A = vector.shape_cast %reduce_sum3A_45 : vector<10000xf32> to vector<1x10000xf32>
    %reduce_max3A_58 = arith.constant dense<0xFF800000> : vector<1xf32>
    %reduce_max3A_59 = vector.multi_reduction <maximumf>, %reduce_max3A, %reduce_max3A_58 [1] : vector<1x10000xf32> to vector<1xf32>
    %reduce_max3A_60 = vector.shape_cast %reduce_max3A_59 : vector<1xf32> to vector<1x1xf32>
    %reduce_max3A_61 = vector.extract %reduce_max3A_60[0, 0] : f32 from vector<1x1xf32>
    %reduce_max3A_62 = vector.shape_cast %reduce_sum3A_52 : vector<10000xf32> to vector<1x10000xf32>
    %reduce_max3A_63 = arith.constant dense<0xFF800000> : vector<1xf32>
    %reduce_max3A_64 = vector.multi_reduction <maximumf>, %reduce_max3A_62, %reduce_max3A_63 [1] : vector<1x10000xf32> to vector<1xf32>
    %reduce_max3A_65 = vector.shape_cast %reduce_max3A_64 : vector<1xf32> to vector<1x1xf32>
    %reduce_max3A_66 = vector.extract %reduce_max3A_65[0, 0] : f32 from vector<1x1xf32>
    %add3A_67 = arith.addf %reduce_max3A_61, %reduce_max3A_66 : f32
    %max3A = arith.constant 0.000000e+00 : f32
    %max3A_68 = arith.maximumf %add3A_67, %max3A : f32
    %reshape3A = vector.broadcast %max3A_68 : f32 to vector<1x1xf32>
    %swap3A_69 = arith.constant 0 : index
    %swap3A_70 = arith.constant 0 : index
    %swap3A_71 = vector.load %arg8[%swap3A_69, %swap3A_70] : memref<1x1xf32, #tpu.memory_space<vmem>>, vector<1x1xf32>
    tpu.vector_store %arg8[%swap3A_69, %swap3A_70], %reshape3A {strides = array<i32>} : memref<1x1xf32, #tpu.memory_space<vmem>>, vector<1x1xf32>,
    return
  }
}

</mosaic_0001>

<sc_bundles>
// kernel: kernel.12.cloned.1.call-start
scs
__scs_entry_jumppad:
0x0: {  	(pc) =	sbr.rel $0x88, $3  }
0x1: {  	(tag) =	ssettag $0x0;
	lr =	simm.s32 $0x1  }
0x2: {  	[smem:$0x3F97] =	sst lr;
	_ =	strace $0xD0000000  }
0x3: {  	_ = 	snop  }
0x4: {  	_ = 	snop  }
0x5: {  	_ = 	snop  }
0x6: {  	_ = 	snop  }
0x7: {  	_ = 	snop  }
__scs_overlays_trampoline_lowered:
0x8: {  	[smem:$0x3FA6] =	sst s0  }
0x9: {  	[smem:$0x3FA7] =	sst s1  }
0xa: {  	[smem:$0x3FA8] =	sst s2  }
0xb: {  	[smem:$0x3FA9] =	sst s3  }
0xc: {  	[smem:$0x3FAA] =	sst s4  }
0xd: {  	[smem:$0x3FAB] =	sst s5  }
0xe: {  	[smem:$0x3FAC] =	sst s6  }
0xf: {  	[smem:$0x3FAD] =	sst s7  }
0x10: {  	[smem:$0x3FAE] =	sst s8  }
0x11: {  	[smem:$0x3FAF] =	sst s9;
	s0 =	simm.s32 @!p0 $0x0  }
0x12: {  	s1 =	sld [smem:$0x3F95];
	s0 =	simm.s32 @p0 $0x1  }
0x13: {  	[smem:$0x3FB0] =	sst s0;
	s0 =	simm.s32 @!p1 $0x0  }
0x14: {  	s2 =	sld [smem:$0x3F94];
	s0 =	simm.s32 @p1 $0x1  }
0x15: {  	[smem:$0x3FB1] =	sst s0;
	s0 =	simm.s32 @!p2 $0x0  }
0x16: {  	s3 =	sld [smem:$0x3FDB];
	s0 =	simm.s32 @p2 $0x1  }
0x17: {  	s4 =	simm.s32 $0x1BF5;
	[smem:$0x3FB3] =	sst s0  }
0x18: {  	s0 =	sld [smem:$0x3F96];
	_ =	swait.ge [sflag:s4], $0x0  }
0x19: {  	s7 =	sld [smem:$0x3F97]  }
0x1a: {  	s8 =	sadd.s32 $0xFFFFE003, lr  }
0x1b: {  	s9 =	sadd.s32 $0xFFFFFEF7, lr;
	s5 =	simm.s32 $0xFFFFFFFF;
	p2 =	slt.u32 s8, $0xFFFFF086  }
0x1c: {  	p1 =	slt.u32 s9, $0xF7A;
	s5 =	simm.s32 @!p2 $0x0  }
0x1d: {  	s5 =	simm.s32 @p1 $0x1;
	p0 =	seq.s32 s7, s2  }
0x1e: {  	s7 =	smul.u32 @!p0 $0xF7A, s2;
	p2 =	seq.s32 @!p0 s5, $0x0  }
0x1f: {  	s9 =	smul.u32 $0xF7A, s1;
	s8 =	simm.s32 @!p0 $0x1BF5;
	p2 =	por !p2, p0  }
0x20: {  	[sflag:s8] =	ssyncset.s32 @!p0 $0xFFFFF086;
	s6 =	sadd.s32 @!p0 s3, s7;
	s7 =	simm.s32 @!p0 $0x108  }
0x21: {  	s3 =	sadd.s32 s3, s9;
	s6 =	sadd.s32 @!p0 $0x88, s6;
	s7 =	simm.s32 @p2 $0x1082  }
0x22: {  	[simem:s7], [sflag:s8] =	dma.local @!p0 [hbm:s6], $0xF7A  }
0x23: {  	s9 =	sor.u32 $0xD0000000, s2;
	s6 =	simm.s32 $0x108;
	_ =	swait.ge @!p0 [sflag:s8], $0x0  }
0x24: {  	s3 =	sadd.s32 $0x88, s3;
	s6 =	simm.s32 @!p1 $0x1082;
	[sflag:s4] =	ssyncset.s32 $0xFFFFF086  }
0x25: {  	[simem:s6], [sflag:s4] =	dma.local [hbm:s3], $0xF7A  }
0x26: {  	[smem:$0x3F97] =	sst s1;
	(tag) =	ssettag s2;
	_ =	strace s9  }
0x27: {  	s1 =	sld [smem:$0x3FA7]  }
0x28: {  	s2 =	sld [smem:$0x3FA8]  }
0x29: {  	s4 =	sld [smem:$0x3FAA]  }
0x2a: {  	p0 =	seq.s32 s5, $0x0;
	s5 =	sld [smem:$0x3FAB]  }
0x2b: {  	s6 =	sld [smem:$0x3FAC]  }
0x2c: {  	s7 =	sld [smem:$0x3FAD]  }
0x2d: {  	s3 =	simm.s32 $0x108;
	s8 =	sld [smem:$0x3FAE]  }
0x2e: {  	s3 =	simm.s32 @!p0 $0x1082;
	s9 =	sld [smem:$0x3FAF]  }
0x2f: {  	lr =	sadd.s32 s0, s3;
	s0 =	sld [smem:$0x3FA6]  }
0x30: {  	s3 =	sld [smem:$0x3FA9]  }
0x31: {  	[smem:$0x3FB2] =	sst s10  }
0x32: {  	s10 =	sld [smem:$0x3FB0];
	_ =	sdelay $0x3  }
0x33: {  	p0 =	seq.s32 s10, $0x1;
	s10 =	sld [smem:$0x3FB2];
	_ =	sdelay $0x3  }
0x34: {  	[smem:$0x3FB2] =	sst s10  }
0x35: {  	s10 =	sld [smem:$0x3FB1];
	_ =	sdelay $0x3  }
0x36: {  	p1 =	seq.s32 s10, $0x1;
	s10 =	sld [smem:$0x3FB2];
	_ =	sdelay $0x3  }
0x37: {  	[smem:$0x3FB2] =	sst s10  }
0x38: {  	s10 =	sld [smem:$0x3FB3]  }
0x39: {  	_ = 	snop;
	(pc) =	sbr.ind lr, $3  }
0x3a: {  	_ = 	snop  }
0x3b: {  	_ = 	snop  }
0x3c: {  	p2 =	seq.s32 s10, $0x1;
	s10 =	sld [smem:$0x3FB2]  }
0x3d: {  	_ =	shalt  }
0x3e: {  	_ =	shalt  }
0x3f: {  	_ =	shalt  }
0x40: {  	_ =	shalt  }
0x41: {  	_ =	shalt  }
0x42: {  	_ =	shalt  }
0x43: {  	_ =	shalt  }
0x44: {  	_ =	shalt  }
0x45: {  	_ =	shalt  }
0x46: {  	_ =	shalt  }
0x47: {  	_ =	shalt  }
0x48: {  	_ =	shalt  }
0x49: {  	_ =	shalt  }
0x4a: {  	_ =	shalt  }
0x4b: {  	_ =	shalt  }
0x4c: {  	_ =	shalt  }
0x4d: {  	_ =	shalt  }
0x4e: {  	_ =	shalt  }
0x4f: {  	_ =	shalt  }
0x50: {  	_ =	shalt  }
0x51: {  	_ =	shalt  }
0x52: {  	_ =	shalt  }
0x53: {  	_ =	shalt  }
0x54: {  	_ =	shalt  }
0x55: {  	_ =	shalt  }
0x56: {  	_ =	shalt  }
0x57: {  	_ =	shalt  }
0x58: {  	_ =	shalt  }
0x59: {  	_ =	shalt  }
0x5a: {  	_ =	shalt  }
0x5b: {  	_ =	shalt  }
0x5c: {  	_ =	shalt  }
0x5d: {  	_ =	shalt  }
0x5e: {  	_ =	shalt  }
0x5f: {  	_ =	shalt  }
0x60: {  	_ =	shalt  }
0x61: {  	_ =	shalt  }
0x62: {  	_ =	shalt  }
0x63: {  	_ =	shalt  }
0x64: {  	_ =	shalt  }
0x65: {  	_ =	shalt  }
0x66: {  	_ =	shalt  }
0x67: {  	_ =	shalt  }
0x68: {  	_ =	shalt  }
0x69: {  	_ =	shalt  }
0x6a: {  	_ =	shalt  }
0x6b: {  	_ =	shalt  }
0x6c: {  	_ =	shalt  }
0x6d: {  	_ =	shalt  }
0x6e: {  	_ =	shalt  }
0x6f: {  	_ =	shalt  }
0x70: {  	_ =	shalt  }
0x71: {  	_ =	shalt  }
0x72: {  	_ =	shalt  }
0x73: {  	_ =	shalt  }
0x74: {  	_ =	shalt  }
0x75: {  	_ =	shalt  }
0x76: {  	_ =	shalt  }
0x77: {  	_ =	shalt  }
0x78: {  	_ =	shalt  }
0x79: {  	_ =	shalt  }
0x7a: {  	_ =	shalt  }
0x7b: {  	_ =	shalt  }
0x7c: {  	_ =	shalt  }
0x7d: {  	_ =	shalt  }
0x7e: {  	_ =	shalt  }
0x7f: {  	_ =	shalt  }
0x80: {  	_ =	shalt  }
0x81: {  	_ =	shalt  }
0x82: {  	_ =	shalt  }
0x83: {  	_ =	shalt  }
0x84: {  	_ =	shalt  }
0x85: {  	_ =	shalt  }
0x86: {  	_ =	shalt  }
0x87: {  	_ =	shalt  }
.Lfunc_end0:
.L_simem_size_0:
called_computation.1_lowered:
.L_overlay_start_0:
0x88: {  	s2 =	sld [smem:$0x3FD9]  }
0x89: {  	s3 =	sld [smem:$0x3FFE];
	_ =	sdelay $0x1  }
0x8a: {  	s1 =	srdreg.scid  }
0x8b: {  	s0 =	sand.u32 $0x1, s1  }
0x8c: {  	s17 =	sshll.u32 s0, $0xA;
	s2 =	sadd.s32 s3, s2  }
0x8d: {  	s2 =	sadd.s32 s2, s17  }
0x8e: {  	[smem:$0x3FBE] =	sst s2  }
0x8f: {  	_ = 	snop  }
0x90: {  	s2 =	sld [smem:$0x3FD0];
	(tm) =	ssettm $0x1  }
0x91: {  	s18 =	sld [smem:$0x3FFB];
	_ =	sdelay $0x3  }
0x92: {  	_ =	strace s18  }
0x93: {  	s3 =	sld [smem:$0x3FFC];
	_ =	sdelay $0x3  }
0x94: {  	_ =	strace s3  }
0x95: {  	s3 =	sld [smem:$0x3FFD];
	_ =	sdelay $0x3  }
0x96: {  	_ =	strace s3  }
0x97: {  	_ =	strace $0x8FFFFFFF  }
0x98: {  	s19 =	sld [smem:$0x3FDB];
	_ =	sdelay $0x1  }
0x99: {  	s4 =	simm.s32 $_scs_section_size  }
0x9a: {  	s5 =	simm.s32 $_size__tile_overlayer_lowered;
	s6 =	simm.s32 $_tile_overlayer_lowered  }
0x9b: {  	s22 =	simm.s32 $0x1BFF;
	s21 =	sshll.u32 s6, $0x1;
	s3 =	sadd.s32 s4, s19  }
0x9c: {  	s7 =	simm.s32 $0x0;
	s20 =	sshll.u32 s5, $0x1;
	s5 =	sadd.s32 s21, s3  }
0x9d: {  	[timem:s7], [sflag:s22] =	dma.local [hbm:s5], s20  }
0x9e: {  	_ =	swait.ge [sflag:s22], s20  }
0x9f: {  	s4 =	ssub.s32 $0x0, s20;
	[sflag:s22] =	ssyncset.done $0x0  }
0xa0: {  	[sflag:s22] =	ssyncadd.s32 s4;
	_ =	sdelay $0x1  }
0xa1: {  	s23 =	simm.s32 $0x1B8B  }
0xa2: {  	_ =	swait.ge [sflag:s23], $0x1  }
0xa3: {  	[sflag:s23] =	ssyncset.done $0x0  }
0xa4: {  	s25 =	simm.s32 $0x1B8E;
	s24 =	sld [smem:$0x3FFE];
	[sflag:s23] =	ssyncadd.s32 $0xFFFFFFFF  }
0xa5: {  	s26 =	simm.s32 $execute0_lowered;
	[smem:$0x3FD2] =	sst s25  }
0xa6: {  	s5 =	sshll.u32 s26, $0x1;
	_ =	strace $0x80000049;
	[dreg:$0x1] =	wrdreg $0xFFFFFFFF  }
0xa7: {  	s28 =	simm.s32 $_size_execute0_lowered;
	s3 =	sadd.s32 s3, s5;
	[dreg:$0x0] =	wrdreg $0x0  }
0xa8: {  	s5 =	sshll.u32 s28, $0x1;
	[dreg:$0x2] =	wrdreg s3  }
0xa9: {  	[dreg:$0x3] =	wrdreg s5  }
0xaa: {  	[dreg:$0x4] =	wrdreg $0xC0  }
0xab: {  	_ =	task [dreg:s7], $0x5FFFF  }
0xac: {  	[dreg:$0x1] =	wrdreg $0xFFFFFFFF  }
0xad: {  	[dreg:$0x0] =	wrdreg $0x60  }
0xae: {  	[dreg:$0x2] =	wrdreg s2  }
0xaf: {  	[dreg:$0x3] =	wrdreg s24  }
0xb0: {  	[dreg:$0x4] =	wrdreg $0xC4000  }
0xb1: {  	[dreg:$0x5] =	wrdreg $0x9  }
0xb2: {  	_ =	task.clear_ibuf [dreg:s7], $0x6FFFF;
	_ =	strace $0x90000049  }
0xb3: {  	s29 =	simm.s32 $0x9;
	_ =	strace $0x8000004B  }
0xb4: {  	_ =	swait.ge [sflag:s29], $0x1  }
0xb5: {  	[sflag:s29] =	ssyncadd.s32 $0xFFFFFFFF  }
0xb6: {  	_ =	strace $0x9000004B  }
0xb7: {  	_ =	sfence  }
0xb8: {  	s30 =	sld [smem:$0x0];
	_ =	sdelay $0x2  }
0xb9: {  	s31 =	sshll.u32 s1, $0xD;
	s1 =	sshrl.u32 s1, $0x2  }
0xba: {  	s3 =	sand.u32 $0x4000, s31;
	s1 =	sadd.s32 s1, s30  }
0xbb: {  	s0 =	sor.u32 s3, s0;
	s1 =	sshll.u32 s1, $0x11  }
0xbc: {  	s0 =	sor.u32 s1, s0  }
0xbd: {  	s0 =	sadd.s32 $0x8F2B, s0  }
0xbe: {  	[sflag:s0] =	ssyncadd.remote.s32 $0x1  }
0xbf: {  	_ =	sfence.sel $0xFFFF  }
0xc0: {  	[dreg:$0x0] =	wrdreg $0xFFFFFFFF;
	(pc) =	sbr.abs _section_cstart, $3  }
0xc1: {  	[dreg:$0x1] =	wrdreg $0xFFFFFFFF  }
0xc2: {  	_ =	task.clear_ibuf [dreg:s7], $0x2FFFF;
	_ =	strace $0x9FFFFFFF  }
0xc3: {  	(tm) =	ssettm $0x7FFFFFFF  }
tec
execute0_lowered:
.L_overlay_start_1:
0x0: {  	(tag) =	ssettag $0x1  }
0x1: {  	s0 =	rddreg [dreg:$0x0];
	s1 =	srdreg.scid  }
0x2: {  	s19 =	stileid.u32;
	s4 =	rddreg [dreg:$0x1]  }
0x3: {  	s2 =	rddreg [dreg:$0x2];
	s3 =	simm.s32 $0x0;
	s14 =	simm.s32 $0x2  }
0x4: {  	s15 =	simm.s32 $0x2C00;
	s16 =	simm.s32 $0x5800;
	s17 =	simm.s32 $0x8400  }
0x5: {  	s18 =	simm.s32 $0x80;
	s5 =	sand.u32 $0x1, s1;
	s1 =	rddreg [dreg:$0x3]  }
0x6: {  	s21 =	simm.s32 $0x0;
	s29 =	sshll.u32 s19, $0x1;
	[smem:$0x7FF] =	sst s3  }
0x7: {  	s8 =	smul.u32 $0x4E200, s19;
	p0 =	sne.s32 s19, $0x0;
	s19 =	simm.s32 $0x1  }
0x8: {  	s6 =	sor.u32 s5, s29;
	s7 =	smul.u32 $0x27100, s5;
	_ =	strace $0x8000004A  }
0x9: {  	s5 =	ssub.s32 $0x2, s5;
	s20 =	sshrl.u32 @!p0 s2, $0x3;
	s6 =	smul.u32 $0x580, s6  }
0xa: {  	s30 =	sshrl.u32 s5, $0x1;
	s31 =	sshrl.u32 s8, $0x2;
	s12 =	sadd.s32 s7, s4  }
0xb: {  	s13 =	ssub.s32 s5, s30;
	s7 =	sadd.s32 s31, s2;
	s6 =	sadd.s32 s6, s4  }
0xc: {  	s8 =	sadd.s32 $0x4000, s7;
	s9 =	sadd.s32 $0x8000, s7;
	s10 =	sadd.s32 $0xC000, s7  }
0xd: {  	s11 =	sadd.s32 $0x10000, s7;
	s12 =	sadd.s32 $0x25000, s12;
	s13 =	smax.u32 s13, $0x1  }
0xe: {  	v0 =	vimm.f32 $0.0e+00;
	s4 =	sadd.s32 $0x2600, s6;
	s5 =	sadd.s32 $0xD600, s6;
	s6 =	sadd.s32 $0x19600, s6  }
.LBB2_1:
0xf: {  	[tilespmem:s3], [sflag:$0x2] =	stream.linear.gather [hbm4b:s4+s3], $0x2880, $0x38;
	[tilespmem:$0x1FC80] =	vst v63  }
0x10: {  	_ =	swait.ge [sflag:s14], $0x2880  }
0x11: {  	[sflag:s14] =	ssyncset.done $0x0  }
0x12: {  	[sflag:s14] =	ssyncadd.s32 $0xFFFFD780  }
0x13: {  	[tilespmem:s15], [sflag:$0x2] =	stream.linear.gather [hbm4b:s5+s3], $0x2880, $0x38;
	[tilespmem:$0x1FC80] =	vst v63  }
0x14: {  	_ =	swait.ge [sflag:s14], $0x2880  }
0x15: {  	[sflag:s14] =	ssyncset.done $0x0  }
0x16: {  	[sflag:s14] =	ssyncadd.s32 $0xFFFFD780  }
0x17: {  	[tilespmem:s16], [sflag:$0x2] =	stream.linear.gather [hbm4b:s6+s3], $0x2880, $0x38;
	[tilespmem:$0x1FC80] =	vst v63  }
0x18: {  	_ =	swait.ge [sflag:s14], $0x2880  }
0x19: {  	[sflag:s14] =	ssyncset.done $0x0  }
0x1a: {  	s22 =	simm.s32 $0x0;
	s23 =	simm.s32 $0x200;
	[sflag:s14] =	ssyncadd.s32 $0xFFFFD780  }
.LBB2_2:
0x1b: {  	p1 =	sne.s32 s23, $0xFE00;
	[tilespmem:s22+$0x8470] =	vst v0  }
0x1c: {  	[tilespmem:s22+$0x8400] =	vst v0  }
0x1d: {  	[tilespmem:s22+$0x8410] =	vst v0  }
.Ltmp0:
0x1e: {  	[tilespmem:s22+$0x8420] =	vst v0;
	(pc) =	sbr.rel @p1 .LBB2_2-.Ltmp0, $4  }
0x1f: {  	[tilespmem:s22+$0x8430] =	vst v0  }
0x20: {  	[tilespmem:s22+$0x8440] =	vst v0  }
0x21: {  	[tilespmem:s22+$0x8450] =	vst v0  }
0x22: {  	[tilespmem:s22+$0x8460] =	vst v0;
	s22 =	sshra.s32 s23, $0x2;
	s23 =	sadd.s32 $0x200, s23  }
0x23: {  	[tilespmem:s22+$0x8470] =	vst v0  }
0x24: {  	[tilespmem:s22+$0x8400] =	vst v0  }
0x25: {  	[tilespmem:s22+$0x8410] =	vst v0  }
0x26: {  	[tilespmem:s22+$0x8420] =	vst v0  }
0x27: {  	[tilespmem:s22+$0x8430] =	vst v0  }
0x28: {  	[tilespmem:s22+$0x8440] =	vst v0  }
0x29: {  	[tilespmem:s22+$0x8450] =	vst v0  }
0x2a: {  	[tilespmem:s22+$0x8460] =	vst v0  }
0x2b: {  	[spmem:s7] =	stream.linear.scatter [tilespmem:s17], [sflag:$0x2], $0x4000, $0x38;
	[tilespmem:$0x1FC80] =	vst v63  }
0x2c: {  	_ =	swait.ge [sflag:s14], $0x4000  }
0x2d: {  	[sflag:s14] =	ssyncset.done $0x0  }
0x2e: {  	[sflag:s14] =	ssyncadd.s32 $0xFFFFC000  }
0x2f: {  	[spmem:s8] =	stream.linear.scatter [tilespmem:s17], [sflag:$0x2], $0x4000, $0x38;
	[tilespmem:$0x1FC80] =	vst v63  }
0x30: {  	_ =	swait.ge [sflag:s14], $0x4000  }
0x31: {  	[sflag:s14] =	ssyncset.done $0x0  }
0x32: {  	[sflag:s14] =	ssyncadd.s32 $0xFFFFC000  }
0x33: {  	[spmem:s9] =	stream.linear.scatter [tilespmem:s17], [sflag:$0x2], $0x4000, $0x38;
	[tilespmem:$0x1FC80] =	vst v63  }
0x34: {  	_ =	swait.ge [sflag:s14], $0x4000  }
0x35: {  	[sflag:s14] =	ssyncset.done $0x0  }
0x36: {  	[sflag:s14] =	ssyncadd.s32 $0xFFFFC000  }
0x37: {  	[spmem:s10] =	stream.linear.scatter [tilespmem:s17], [sflag:$0x2], $0x4000, $0x38;
	[tilespmem:$0x1FC80] =	vst v63  }
0x38: {  	_ =	swait.ge [sflag:s14], $0x4000  }
0x39: {  	[sflag:s14] =	ssyncset.done $0x0  }
0x3a: {  	[sflag:s14] =	ssyncadd.s32 $0xFFFFC000  }
0x3b: {  	[spmem:s11] =	stream.linear.scatter [tilespmem:s17], [sflag:$0x2], $0x3880, $0x38;
	[tilespmem:$0x1FC80] =	vst v63  }
0x3c: {  	_ =	swait.ge [sflag:s14], $0x3880  }
0x3d: {  	[sflag:s14] =	ssyncset.done $0x0  }
0x3e: {  	[sflag:s14] =	ssyncadd.s32 $0xFFFFC780  }
0x3f: {  	s22 =	simm.s32 $0x0;
	s23 =	simm.s32 $0x0;
	[bflag:$0x0] =	sbarrier.arrive $0xFFFF  }
.LBB2_4:
0x40: {  	s24 =	sshll.u32 s23, $0x7;
	v2 =	vmov s22  }
0x41: {  	v1 =	vmov s24;
	v2 =	vand.u32 $0x7F, v2  }
0x42: {  	[tilespmem:s17], [sflag:$0x1] =	stream.indirect.gather [hbm4b:s0+s18], $0x80, s24, s18, $0xb8;
	v2 =	vadd.s32 v1, v2;
	[tilespmem:$0x1FC80] =	vst v63  }
0x43: {  	_ =	swait.ge [sflag:s19], $0x4000;
	v2 =	vbroadcast v2, $0x0  }
0x44: {  	[sflag:s19] =	ssyncset.done $0x0  }
0x45: {  	s25 =	simm.s32 $0x8440;
	[sflag:s19] =	ssyncadd.s32 $0xFFFFC000  }
0x46: {  	v6 =	vld [tilespmem:s25+$0x30]  }
0x47: {  	v9 =	vld [tilespmem:s25+$0x10]  }
0x48: {  	v7 =	vld [tilespmem:s25+$0xFFFFFFC0]  }
0x49: {  	v3 =	vld.idx.msk [tilespmem:v2+s16+$0x0], $0xffff  }
0x4a: {  	v12 =	vld [tilespmem:s25+$0xFFFFFFE0]  }
0x4b: {  	v4 =	vld [tilespmem:s25+$0x20]  }
0x4c: {  	v5 =	vld [tilespmem:s25+$0xFFFFFFD0]  }
0x4d: {  	v2 =	vld [tilespmem:s25+$0xFFFFFFF0]  }
0x4e: {  	v10 =	vmul.f32 v6, v3;
	v6 =	vld [tilespmem:s25+$0x0]  }
0x4f: {  	s26 =	simm.s32 $0x1;
	v8 =	vmul.f32 v7, v3  }
0x50: {  	s28 =	simm.s32 $0x2;
	v11 =	vmov s26;
	s26 =	simm.s32 $0x8440;
	v7 =	vmul.f32 v12, v3;
	v9 =	vmul.f32 v9, v3  }
.LBB2_5:
0x51: {  	p1 =	sne.s32 s28, $0x7F  }
0x52: {  	v11 =	vand.u32 $0x7F, v11;
	v5 =	vmul.f32 v5, v3;
	v4 =	vmul.f32 v4, v3;
	[tilespmem:s25+$0x30] =	vst v10;
	s26 =	sadd.s32 $0x80, s26;
	s29 =	smov.u32 s28;
	s28 =	sadd.s32 $0x1, s28  }
0x53: {  	v10 =	vadd.s32 v1, v11;
	[tilespmem:s25+$0xFFFFFFC0] =	vst v8;
	v8 =	vmul.f32 v2, v3;
	v3 =	vmul.f32 v6, v3  }
0x54: {  	v6 =	vbroadcast v10, $0x0;
	[tilespmem:s25+$0x10] =	vst v9  }
0x55: {  	[tilespmem:s25+$0xFFFFFFE0] =	vst v7  }
0x56: {  	v2 =	vld [tilespmem:s26+$0xFFFFFFF0];
	[tilespmem:s25+$0xFFFFFFF0] =	vst v8  }
0x57: {  	v7 =	vld [tilespmem:s26+$0x30];
	[tilespmem:s25+$0x0] =	vst v3  }
0x58: {  	v9 =	vld [tilespmem:s26+$0x10];
	[tilespmem:s25+$0x20] =	vst v4  }
0x59: {  	v8 =	vld [tilespmem:s26+$0xFFFFFFC0];
	[tilespmem:s25+$0xFFFFFFD0] =	vst v5;
	s25 =	smov.u32 s26  }
0x5a: {  	v3 =	vld.idx.msk [tilespmem:v6+s16+$0x0], $0xffff  }
0x5b: {  	v12 =	vld [tilespmem:s26+$0xFFFFFFE0]  }
0x5c: {  	v4 =	vld [tilespmem:s26+$0x20]  }
.Ltmp1:
0x5d: {  	v5 =	vld [tilespmem:s26+$0xFFFFFFD0];
	(pc) =	sbr.rel @p1 .LBB2_5-.Ltmp1, $3  }
0x5e: {  	v6 =	vld [tilespmem:s26+$0x0];
	_ =	sdelay $0x1  }
0x5f: {  	v8 =	vmul.f32 v8, v3;
	v10 =	vmul.f32 v7, v3  }
0x60: {  	v11 =	vmov s29;
	v9 =	vmul.f32 v9, v3;
	v7 =	vmul.f32 v12, v3  }
0x61: {  	[tilespmem:s25+$0x30] =	vst v10;
	v58 =	vand.u32 $0x7F, v11  }
0x62: {  	[tilespmem:s25+$0xFFFFFFC0] =	vst v8;
	v1 =	vadd.s32 v1, v58  }
0x63: {  	v2 =	vmul.f32 v2, v3;
	[tilespmem:s25+$0x10] =	vst v9;
	v1 =	vbroadcast v1, $0x0  }
0x64: {  	s26 =	sadd.s32 $0x80, s26;
	[tilespmem:s25+$0xFFFFFFE0] =	vst v7;
	v6 =	vmul.f32 v6, v3  }
0x65: {  	v4 =	vmul.f32 v4, v3;
	v3 =	vmul.f32 v5, v3;
	v7 =	vld [tilespmem:s26+$0xFFFFFFF0];
	[tilespmem:s25+$0xFFFFFFF0] =	vst v2  }
0x66: {  	v2 =	vld [tilespmem:s26+$0x30];
	[tilespmem:s25+$0x0] =	vst v6  }
0x67: {  	v60 =	vld [tilespmem:s26+$0xFFFFFFC0];
	[tilespmem:s25+$0xFFFFFFD0] =	vst v3  }
0x68: {  	v59 =	vld [tilespmem:s26+$0x10];
	[tilespmem:s25+$0x20] =	vst v4  }
0x69: {  	v1 =	vld.idx.msk [tilespmem:v1+s16+$0x0], $0xffff;
	_ =	sdelay $0x2  }
0x6a: {  	v6 =	vld [tilespmem:s26+$0x0]  }
0x6b: {  	v3 =	vld [tilespmem:s26+$0xFFFFFFE0]  }
0x6c: {  	v2 =	vmul.f32 v2, v1  }
0x6d: {  	v61 =	vld [tilespmem:s26+$0x20];
	v4 =	vmul.f32 v60, v1  }
0x6e: {  	v62 =	vld [tilespmem:s26+$0xFFFFFFD0];
	v5 =	vmul.f32 v59, v1;
	[tilespmem:s26+$0x30] =	vst v2  }
0x6f: {  	v63 =	vmul.f32 v6, v1;
	[tilespmem:s26+$0xFFFFFFC0] =	vst v4  }
0x70: {  	v2 =	vmul.f32 v3, v1;
	[tilespmem:s26+$0x10] =	vst v5  }
0x71: {  	v3 =	vmul.f32 v7, v1;
	[tilespmem:s26+$0x0] =	vst v63  }
0x72: {  	[tilespmem:s26+$0xFFFFFFE0] =	vst v2;
	v2 =	vmul.f32 v61, v1  }
0x73: {  	s23 =	sadd.s32 $0x1, s23;
	[tilespmem:s26+$0xFFFFFFF0] =	vst v3;
	v1 =	vmul.f32 v62, v1  }
0x74: {  	p1 =	sne.s32 s23, $0x51;
	[tilespmem:s26+$0x20] =	vst v2  }
.Ltmp2:
0x75: {  	s24 =	sadd.s32 $0x2C00, s24;
	[tilespmem:s26+$0xFFFFFFD0] =	vst v1;
	(pc) =	sbr.rel @p1 .LBB2_4-.Ltmp2, $4  }
0x76: {  	[spmem:s2] =	stream.indirect.scatter.add.f32 [tilespmem:s17], [sflag:$0x2], $0x80, s24, s18, $0xb8;
	[tilespmem:$0x1FC80] =	vst v63  }
0x77: {  	_ =	swait.ge [sflag:s14], $0x4000  }
0x78: {  	[sflag:s14] =	ssyncset.done $0x0  }
0x79: {  	[sflag:s14] =	ssyncadd.s32 $0xFFFFC000  }
0x7a: {  	[bflag:$0x0] =	sbarrier.arrive $0xFFFF;
	s22 =	simm.s32 @!p0 $0x1C02;
	s21 =	sadd.s32 $0x1, s21  }
0x7b: {  	[hbm:s12], [sflag:s22] =	dma.local @!p0 [spmem:s20], $0x27100  }
0x7c: {  	p1 =	sne.s32 s21, s13  }
.Ltmp3:
0x7d: {  	_ = 	snop;
	(pc) =	sbr.rel @p1 .LBB2_1-.Ltmp3, $4  }
0x7e: {  	s22 =	simm.s32 @!p0 $0x2  }
0x7f: {  	_ =	swait.ge @!p0 [sflag:s22], $0x27100  }
0x80: {  	[sflag:s22] =	ssyncset.done @!p0 $0x0  }
0x81: {  	[sflag:s22] =	ssyncadd.s32 @!p0 $0xFFFD8F00  }
0x82: {  	_ =	sfence.sel $0x180000  }
0x83: {  	[bflag:$0x0] =	sbarrier.arrive $0xFFFF  }
0x84: {  	_ =	strace $0x9000004A  }
0x85: {  	s0 =	sadd.s32 @!p0 $0x100000, s1;
	[bflag:$0x2] =	sbarrier.arrive $0xFFFF  }
0x86: {  	[sflag:s0] =	ssyncadd.tile.s32 @!p0 $0x1;
	_ =	shalt  }
.Lfunc_end2:
_tile_overlayer_lowered:
.L_overlay_start_2:
0x87: {  	(tag) =	ssettag $0x2  }
0x88: {  	s0 =	rddreg [dreg:$0x0];
	s2 =	stileid.u32  }
0x89: {  	s1 =	rddreg [dreg:$0x1];
	p0 =	sne.s32 s2, $0x0  }
0x8a: {  	s3 =	rddreg [dreg:$0x2];
	[bflag:$0x3] =	sbarrier.arrive $0xFFFF;
	s2 =	simm.s32 @!p0 $0x1C02  }
0x8b: {  	[timem:s3], [sflag:s2] =	dma.local @!p0 [hbm:s0], s1  }
0x8c: {  	s0 =	simm.s32 @!p0 $0x2  }
0x8d: {  	_ =	swait.ge @!p0 [sflag:s0], s1  }
0x8e: {  	s1 =	ssub.s32 @!p0 $0x0, s1;
	[sflag:s0] =	ssyncset.done @!p0 $0x0  }
0x8f: {  	[sflag:s0] =	ssyncadd.s32 @!p0 s1  }
0x90: {  	[bflag:$0x3] =	sbarrier.arrive $0xFFFF  }
0x91: {  	_ =	shalt  }

// kernel: kernel.15.cloned.1.call-start
scs
__scs_entry_jumppad:
0x0: {  	(pc) =	sbr.rel $0x88, $3  }
0x1: {  	(tag) =	ssettag $0x0;
	lr =	simm.s32 $0x1  }
0x2: {  	[smem:$0x3F97] =	sst lr;
	_ =	strace $0xD0000000  }
0x3: {  	_ = 	snop  }
0x4: {  	_ = 	snop  }
0x5: {  	_ = 	snop  }
0x6: {  	_ = 	snop  }
0x7: {  	_ = 	snop  }
__scs_overlays_trampoline_lowered:
0x8: {  	[smem:$0x3FA6] =	sst s0  }
0x9: {  	[smem:$0x3FA7] =	sst s1  }
0xa: {  	[smem:$0x3FA8] =	sst s2  }
0xb: {  	[smem:$0x3FA9] =	sst s3  }
0xc: {  	[smem:$0x3FAA] =	sst s4  }
0xd: {  	[smem:$0x3FAB] =	sst s5  }
0xe: {  	[smem:$0x3FAC] =	sst s6  }
0xf: {  	[smem:$0x3FAD] =	sst s7  }
0x10: {  	[smem:$0x3FAE] =	sst s8  }
0x11: {  	[smem:$0x3FAF] =	sst s9;
	s0 =	simm.s32 @!p0 $0x0  }
0x12: {  	s1 =	sld [smem:$0x3F95];
	s0 =	simm.s32 @p0 $0x1  }
0x13: {  	[smem:$0x3FB0] =	sst s0;
	s0 =	simm.s32 @!p1 $0x0  }
0x14: {  	s2 =	sld [smem:$0x3F94];
	s0 =	simm.s32 @p1 $0x1  }
0x15: {  	[smem:$0x3FB1] =	sst s0;
	s0 =	simm.s32 @!p2 $0x0  }
0x16: {  	s3 =	sld [smem:$0x3FDB];
	s0 =	simm.s32 @p2 $0x1  }
0x17: {  	s4 =	simm.s32 $0x1BF5;
	[smem:$0x3FB3] =	sst s0  }
0x18: {  	s0 =	sld [smem:$0x3F96];
	_ =	swait.ge [sflag:s4], $0x0  }
0x19: {  	s7 =	sld [smem:$0x3F97]  }
0x1a: {  	s8 =	sadd.s32 $0xFFFFE003, lr  }
0x1b: {  	s9 =	sadd.s32 $0xFFFFFEF7, lr;
	s5 =	simm.s32 $0xFFFFFFFF;
	p2 =	slt.u32 s8, $0xFFFFF086  }
0x1c: {  	p1 =	slt.u32 s9, $0xF7A;
	s5 =	simm.s32 @!p2 $0x0  }
0x1d: {  	s5 =	simm.s32 @p1 $0x1;
	p0 =	seq.s32 s7, s2  }
0x1e: {  	s7 =	smul.u32 @!p0 $0xF7A, s2;
	p2 =	seq.s32 @!p0 s5, $0x0  }
0x1f: {  	s9 =	smul.u32 $0xF7A, s1;
	s8 =	simm.s32 @!p0 $0x1BF5;
	p2 =	por !p2, p0  }
0x20: {  	[sflag:s8] =	ssyncset.s32 @!p0 $0xFFFFF086;
	s6 =	sadd.s32 @!p0 s3, s7;
	s7 =	simm.s32 @!p0 $0x108  }
0x21: {  	s3 =	sadd.s32 s3, s9;
	s6 =	sadd.s32 @!p0 $0x88, s6;
	s7 =	simm.s32 @p2 $0x1082  }
0x22: {  	[simem:s7], [sflag:s8] =	dma.local @!p0 [hbm:s6], $0xF7A  }
0x23: {  	s9 =	sor.u32 $0xD0000000, s2;
	s6 =	simm.s32 $0x108;
	_ =	swait.ge @!p0 [sflag:s8], $0x0  }
0x24: {  	s3 =	sadd.s32 $0x88, s3;
	s6 =	simm.s32 @!p1 $0x1082;
	[sflag:s4] =	ssyncset.s32 $0xFFFFF086  }
0x25: {  	[simem:s6], [sflag:s4] =	dma.local [hbm:s3], $0xF7A  }
0x26: {  	[smem:$0x3F97] =	sst s1;
	(tag) =	ssettag s2;
	_ =	strace s9  }
0x27: {  	s1 =	sld [smem:$0x3FA7]  }
0x28: {  	s2 =	sld [smem:$0x3FA8]  }
0x29: {  	s4 =	sld [smem:$0x3FAA]  }
0x2a: {  	p0 =	seq.s32 s5, $0x0;
	s5 =	sld [smem:$0x3FAB]  }
0x2b: {  	s6 =	sld [smem:$0x3FAC]  }
0x2c: {  	s7 =	sld [smem:$0x3FAD]  }
0x2d: {  	s3 =	simm.s32 $0x108;
	s8 =	sld [smem:$0x3FAE]  }
0x2e: {  	s3 =	simm.s32 @!p0 $0x1082;
	s9 =	sld [smem:$0x3FAF]  }
0x2f: {  	lr =	sadd.s32 s0, s3;
	s0 =	sld [smem:$0x3FA6]  }
0x30: {  	s3 =	sld [smem:$0x3FA9]  }
0x31: {  	[smem:$0x3FB2] =	sst s10  }
0x32: {  	s10 =	sld [smem:$0x3FB0];
	_ =	sdelay $0x3  }
0x33: {  	p0 =	seq.s32 s10, $0x1;
	s10 =	sld [smem:$0x3FB2];
	_ =	sdelay $0x3  }
0x34: {  	[smem:$0x3FB2] =	sst s10  }
0x35: {  	s10 =	sld [smem:$0x3FB1];
	_ =	sdelay $0x3  }
0x36: {  	p1 =	seq.s32 s10, $0x1;
	s10 =	sld [smem:$0x3FB2];
	_ =	sdelay $0x3  }
0x37: {  	[smem:$0x3FB2] =	sst s10  }
0x38: {  	s10 =	sld [smem:$0x3FB3]  }
0x39: {  	_ = 	snop;
	(pc) =	sbr.ind lr, $3  }
0x3a: {  	_ = 	snop  }
0x3b: {  	_ = 	snop  }
0x3c: {  	p2 =	seq.s32 s10, $0x1;
	s10 =	sld [smem:$0x3FB2]  }
0x3d: {  	_ =	shalt  }
0x3e: {  	_ =	shalt  }
0x3f: {  	_ =	shalt  }
0x40: {  	_ =	shalt  }
0x41: {  	_ =	shalt  }
0x42: {  	_ =	shalt  }
0x43: {  	_ =	shalt  }
0x44: {  	_ =	shalt  }
0x45: {  	_ =	shalt  }
0x46: {  	_ =	shalt  }
0x47: {  	_ =	shalt  }
0x48: {  	_ =	shalt  }
0x49: {  	_ =	shalt  }
0x4a: {  	_ =	shalt  }
0x4b: {  	_ =	shalt  }
0x4c: {  	_ =	shalt  }
0x4d: {  	_ =	shalt  }
0x4e: {  	_ =	shalt  }
0x4f: {  	_ =	shalt  }
0x50: {  	_ =	shalt  }
0x51: {  	_ =	shalt  }
0x52: {  	_ =	shalt  }
0x53: {  	_ =	shalt  }
0x54: {  	_ =	shalt  }
0x55: {  	_ =	shalt  }
0x56: {  	_ =	shalt  }
0x57: {  	_ =	shalt  }
0x58: {  	_ =	shalt  }
0x59: {  	_ =	shalt  }
0x5a: {  	_ =	shalt  }
0x5b: {  	_ =	shalt  }
0x5c: {  	_ =	shalt  }
0x5d: {  	_ =	shalt  }
0x5e: {  	_ =	shalt  }
0x5f: {  	_ =	shalt  }
0x60: {  	_ =	shalt  }
0x61: {  	_ =	shalt  }
0x62: {  	_ =	shalt  }
0x63: {  	_ =	shalt  }
0x64: {  	_ =	shalt  }
0x65: {  	_ =	shalt  }
0x66: {  	_ =	shalt  }
0x67: {  	_ =	shalt  }
0x68: {  	_ =	shalt  }
0x69: {  	_ =	shalt  }
0x6a: {  	_ =	shalt  }
0x6b: {  	_ =	shalt  }
0x6c: {  	_ =	shalt  }
0x6d: {  	_ =	shalt  }
0x6e: {  	_ =	shalt  }
0x6f: {  	_ =	shalt  }
0x70: {  	_ =	shalt  }
0x71: {  	_ =	shalt  }
0x72: {  	_ =	shalt  }
0x73: {  	_ =	shalt  }
0x74: {  	_ =	shalt  }
0x75: {  	_ =	shalt  }
0x76: {  	_ =	shalt  }
0x77: {  	_ =	shalt  }
0x78: {  	_ =	shalt  }
0x79: {  	_ =	shalt  }
0x7a: {  	_ =	shalt  }
0x7b: {  	_ =	shalt  }
0x7c: {  	_ =	shalt  }
0x7d: {  	_ =	shalt  }
0x7e: {  	_ =	shalt  }
0x7f: {  	_ =	shalt  }
0x80: {  	_ =	shalt  }
0x81: {  	_ =	shalt  }
0x82: {  	_ =	shalt  }
0x83: {  	_ =	shalt  }
0x84: {  	_ =	shalt  }
0x85: {  	_ =	shalt  }
0x86: {  	_ =	shalt  }
0x87: {  	_ =	shalt  }
.Lfunc_end0:
.L_simem_size_0:
called_computation.2_lowered:
.L_overlay_start_0:
0x88: {  	s2 =	sld [smem:$0x3FD9]  }
0x89: {  	s3 =	sld [smem:$0x3FFE];
	_ =	sdelay $0x1  }
0x8a: {  	s1 =	srdreg.scid  }
0x8b: {  	s0 =	sand.u32 $0x1, s1  }
0x8c: {  	s16 =	sshll.u32 s0, $0xA;
	s2 =	sadd.s32 s3, s2  }
0x8d: {  	s2 =	sadd.s32 s2, s16  }
0x8e: {  	[smem:$0x3FBE] =	sst s2  }
0x8f: {  	_ = 	snop  }
0x90: {  	(tm) =	ssettm $0x1  }
0x91: {  	s17 =	sld [smem:$0x3FFB];
	_ =	sdelay $0x3  }
0x92: {  	_ =	strace s17  }
0x93: {  	s2 =	sld [smem:$0x3FFC];
	_ =	sdelay $0x3  }
0x94: {  	_ =	strace s2  }
0x95: {  	s2 =	sld [smem:$0x3FFD];
	_ =	sdelay $0x3  }
0x96: {  	_ =	strace s2  }
0x97: {  	_ =	strace $0x8FFFFFFF  }
0x98: {  	s18 =	sld [smem:$0x3FDB];
	_ =	sdelay $0x1  }
0x99: {  	s19 =	simm.s32 $_scs_section_size  }
0x9a: {  	s4 =	simm.s32 $_size__tile_overlayer_lowered;
	s5 =	simm.s32 $_tile_overlayer_lowered  }
0x9b: {  	s22 =	simm.s32 $0x1BFF;
	s21 =	sshll.u32 s5, $0x1;
	s2 =	sadd.s32 s19, s18  }
0x9c: {  	s6 =	simm.s32 $0x0;
	s20 =	sshll.u32 s4, $0x1;
	s4 =	sadd.s32 s21, s2  }
0x9d: {  	[timem:s6], [sflag:s22] =	dma.local [hbm:s4], s20  }
0x9e: {  	_ =	swait.ge [sflag:s22], s20  }
0x9f: {  	s3 =	ssub.s32 $0x0, s20;
	[sflag:s22] =	ssyncset.done $0x0  }
0xa0: {  	[sflag:s22] =	ssyncadd.s32 s3;
	_ =	sdelay $0x1  }
0xa1: {  	s23 =	simm.s32 $0x1B8B  }
0xa2: {  	_ =	swait.ge [sflag:s23], $0x1  }
0xa3: {  	[sflag:s23] =	ssyncset.done $0x0  }
0xa4: {  	s25 =	simm.s32 $0x1B8E;
	s24 =	sld [smem:$0x3FFE];
	[sflag:s23] =	ssyncadd.s32 $0xFFFFFFFF  }
0xa5: {  	s26 =	simm.s32 $execute0_lowered;
	[smem:$0x3FD2] =	sst s25  }
0xa6: {  	s4 =	sshll.u32 s26, $0x1;
	_ =	strace $0x8000004C;
	[dreg:$0x1] =	wrdreg $0xFFFFFFFF  }
0xa7: {  	s28 =	simm.s32 $_size_execute0_lowered;
	s2 =	sadd.s32 s2, s4;
	[dreg:$0x0] =	wrdreg $0x0  }
0xa8: {  	s4 =	sshll.u32 s28, $0x1;
	[dreg:$0x2] =	wrdreg s2  }
0xa9: {  	[dreg:$0x3] =	wrdreg s4  }
0xaa: {  	[dreg:$0x4] =	wrdreg $0xC0  }
0xab: {  	_ =	task [dreg:s6], $0x5FFFF  }
0xac: {  	[dreg:$0x1] =	wrdreg $0xFFFFFFFF  }
0xad: {  	[dreg:$0x0] =	wrdreg $0x60  }
0xae: {  	[dreg:$0x2] =	wrdreg s24  }
0xaf: {  	[dreg:$0x3] =	wrdreg $0xD6000  }
0xb0: {  	[dreg:$0x4] =	wrdreg $0x9  }
0xb1: {  	_ =	task.clear_ibuf [dreg:s6], $0x5FFFF;
	_ =	strace $0x9000004C  }
0xb2: {  	s29 =	simm.s32 $0x9;
	_ =	strace $0x8000004E  }
0xb3: {  	_ =	swait.ge [sflag:s29], $0x1  }
0xb4: {  	[sflag:s29] =	ssyncadd.s32 $0xFFFFFFFF  }
0xb5: {  	_ =	strace $0x9000004E  }
0xb6: {  	_ =	sfence  }
0xb7: {  	s30 =	sld [smem:$0x0];
	_ =	sdelay $0x2  }
0xb8: {  	s31 =	sshll.u32 s1, $0xD;
	s1 =	sshrl.u32 s1, $0x2  }
0xb9: {  	s3 =	sand.u32 $0x4000, s31;
	s1 =	sadd.s32 s1, s30  }
0xba: {  	s0 =	sor.u32 s3, s0;
	s1 =	sshll.u32 s1, $0x11  }
0xbb: {  	s0 =	sor.u32 s1, s0  }
0xbc: {  	s0 =	sadd.s32 $0x8F2B, s0  }
0xbd: {  	[sflag:s0] =	ssyncadd.remote.s32 $0x1  }
0xbe: {  	_ =	sfence.sel $0xFFFF  }
0xbf: {  	[dreg:$0x0] =	wrdreg $0xFFFFFFFF;
	(pc) =	sbr.abs _section_cstart, $3  }
0xc0: {  	[dreg:$0x1] =	wrdreg $0xFFFFFFFF  }
0xc1: {  	_ =	task.clear_ibuf [dreg:s6], $0x2FFFF;
	_ =	strace $0x9FFFFFFF  }
0xc2: {  	(tm) =	ssettm $0x7FFFFFFF  }
0xc3: {  	_ =	shalt  }
tec
execute0_lowered:
.L_overlay_start_1:
0x0: {  	(tag) =	ssettag $0x1  }
0x1: {  	s6 =	rddreg [dreg:$0x0]  }
0x2: {  	s1 =	rddreg [dreg:$0x1]  }
0x3: {  	s0 =	rddreg [dreg:$0x2]  }
0x4: {  	s3 =	srdreg.scid;
	s20 =	stileid.u32;
	s2 =	simm.s32 $0x0  }
0x5: {  	s15 =	simm.s32 $0x4F00;
	s16 =	simm.s32 $0x7B00;
	s17 =	simm.s32 $0xD580  }
0x6: {  	s18 =	simm.s32 $0xD300;
	s19 =	simm.s32 $0x80;
	s21 =	simm.s32 $0x0  }
0x7: {  	s8 =	sand.u32 $0x1, s3;
	s26 =	sshll.u32 s20, $0x1;
	[smem:$0x7FF] =	sst s2  }
0x8: {  	s4 =	sadd.s32 $0x18800, s6;
	s5 =	sadd.s32 $0x19400, s6;
	s12 =	smul.u32 $0xA00, s20  }
0x9: {  	s14 =	smul.u32 $0x5100, s20;
	p0 =	sne.s32 s20, $0x0;
	s20 =	simm.s32 $0xA700  }
0xa: {  	s3 =	sor.u32 s8, s26;
	_ =	strace $0x8000004D;
	s31 =	smul.u32 $0x2880, s8  }
0xb: {  	s28 =	sshll.u32 s8, $0x4;
	s10 =	ssub.s32 $0x2, s8;
	s7 =	smul.u32 $0x580, s3  }
0xc: {  	s3 =	sadd.s32 $0x18E00, s6;
	s29 =	sshrl.u32 s10, $0x1;
	s30 =	sshrl.u32 s12, $0x2  }
0xd: {  	s11 =	sadd.s32 s28, s6;
	s13 =	ssub.s32 s10, s29;
	s8 =	sadd.s32 s30, s1  }
0xe: {  	s10 =	sadd.s32 $0x24600, s11;
	s12 =	sadd.s32 s31, s14;
	s14 =	simm.s32 $0x2780  }
0xf: {  	s9 =	sadd.s32 s7, s6;
	s11 =	smax.u32 s13, $0x1;
	s13 =	simm.s32 $0x1  }
0x10: {  	v0 =	vimm.f32 $0.0e+00;
	s6 =	sadd.s32 $0x2600, s9;
	s7 =	sadd.s32 $0xD600, s9;
	s9 =	sadd.s32 $0x19600, s9  }
.LBB2_1:
0x11: {  	[tilespmem:s2], [sflag:$0x1] =	stream.linear.gather [hbm4b:s3+s2], $0x2780, $0x38;
	[tilespmem:$0xD880] =	vst v63  }
0x12: {  	_ =	swait.ge [sflag:s13], $0x2780  }
0x13: {  	[sflag:s13] =	ssyncset.done $0x0  }
0x14: {  	[sflag:s13] =	ssyncadd.s32 $0xFFFFD880  }
0x15: {  	[tilespmem:s14], [sflag:$0x1] =	stream.linear.gather [hbm4b:s4+s2], $0x2780, $0x38;
	[tilespmem:$0xD880] =	vst v63  }
0x16: {  	_ =	swait.ge [sflag:s13], $0x2780  }
0x17: {  	[sflag:s13] =	ssyncset.done $0x0  }
0x18: {  	[sflag:s13] =	ssyncadd.s32 $0xFFFFD880  }
0x19: {  	[tilespmem:s15], [sflag:$0x1] =	stream.linear.gather [hbm4b:s6+s2], $0x2880, $0x38;
	[tilespmem:$0xD880] =	vst v63  }
0x1a: {  	_ =	swait.ge [sflag:s13], $0x2880  }
0x1b: {  	[sflag:s13] =	ssyncset.done $0x0  }
0x1c: {  	[sflag:s13] =	ssyncadd.s32 $0xFFFFD780  }
0x1d: {  	[tilespmem:s16], [sflag:$0x1] =	stream.linear.gather [hbm4b:s7+s2], $0x2880, $0x38;
	[tilespmem:$0xD880] =	vst v63  }
0x1e: {  	_ =	swait.ge [sflag:s13], $0x2880  }
0x1f: {  	[sflag:s13] =	ssyncset.done $0x0  }
0x20: {  	[sflag:s13] =	ssyncadd.s32 $0xFFFFD780  }
0x21: {  	[tilespmem:s17], [sflag:$0x1] =	stream.linear.gather [hbm4b:s5+s2], $0x80, $0x38;
	[tilespmem:$0xD880] =	vst v63  }
0x22: {  	_ =	swait.ge [sflag:s13], $0x80  }
0x23: {  	[sflag:s13] =	ssyncset.done $0x0  }
0x24: {  	[sflag:s13] =	ssyncadd.s32 $0xFFFFFF80  }
0x25: {  	[tilespmem:$0xD300] =	vst v0  }
0x26: {  	[tilespmem:$0xD310] =	vst v0  }
0x27: {  	[tilespmem:$0xD320] =	vst v0  }
0x28: {  	[tilespmem:$0xD330] =	vst v0  }
0x29: {  	[tilespmem:$0xD340] =	vst v0  }
0x2a: {  	[tilespmem:$0xD350] =	vst v0  }
0x2b: {  	[tilespmem:$0xD360] =	vst v0  }
0x2c: {  	[tilespmem:$0xD370] =	vst v0  }
0x2d: {  	[tilespmem:$0xD380] =	vst v0  }
0x2e: {  	[tilespmem:$0xD390] =	vst v0  }
0x2f: {  	[tilespmem:$0xD3A0] =	vst v0  }
0x30: {  	[tilespmem:$0xD3B0] =	vst v0  }
0x31: {  	[tilespmem:$0xD3C0] =	vst v0  }
0x32: {  	[tilespmem:$0xD3D0] =	vst v0  }
0x33: {  	[tilespmem:$0xD3E0] =	vst v0  }
0x34: {  	[tilespmem:$0xD3F0] =	vst v0  }
0x35: {  	[tilespmem:$0xD400] =	vst v0  }
0x36: {  	[tilespmem:$0xD410] =	vst v0  }
0x37: {  	[tilespmem:$0xD420] =	vst v0  }
0x38: {  	[tilespmem:$0xD430] =	vst v0  }
0x39: {  	[tilespmem:$0xD440] =	vst v0  }
0x3a: {  	[tilespmem:$0xD450] =	vst v0  }
0x3b: {  	[tilespmem:$0xD460] =	vst v0  }
0x3c: {  	[tilespmem:$0xD470] =	vst v0  }
0x3d: {  	[tilespmem:$0xD480] =	vst v0  }
0x3e: {  	[tilespmem:$0xD490] =	vst v0  }
0x3f: {  	[tilespmem:$0xD4A0] =	vst v0  }
0x40: {  	[tilespmem:$0xD4B0] =	vst v0  }
0x41: {  	[tilespmem:$0xD4C0] =	vst v0  }
0x42: {  	[tilespmem:$0xD4D0] =	vst v0  }
0x43: {  	[tilespmem:$0xD4E0] =	vst v0  }
0x44: {  	[tilespmem:$0xD4F0] =	vst v0  }
0x45: {  	[tilespmem:$0xD500] =	vst v0  }
0x46: {  	[tilespmem:$0xD510] =	vst v0  }
0x47: {  	[tilespmem:$0xD520] =	vst v0  }
0x48: {  	[tilespmem:$0xD530] =	vst v0  }
0x49: {  	[tilespmem:$0xD540] =	vst v0  }
0x4a: {  	[tilespmem:$0xD550] =	vst v0  }
0x4b: {  	[tilespmem:$0xD560] =	vst v0  }
0x4c: {  	[tilespmem:$0xD570] =	vst v0  }
0x4d: {  	[spmem:s8] =	stream.linear.scatter [tilespmem:s18], [sflag:$0x1], $0x280, $0x38;
	[tilespmem:$0xD880] =	vst v63  }
0x4e: {  	_ =	swait.ge [sflag:s13], $0x280  }
0x4f: {  	[sflag:s13] =	ssyncset.done $0x0  }
0x50: {  	s22 =	simm.s32 $0xA740;
	[sflag:s13] =	ssyncadd.s32 $0xFFFFFD80  }
0x51: {  	s23 =	simm.s32 $0x4F40;
	s24 =	simm.s32 $0x7B40;
	s25 =	simm.s32 $0x0;
	v1 =	vld [tilespmem:$0xD580]  }
.LBB2_2:
0x52: {  	v2 =	vld [tilespmem:s23+$0xFFFFFFC0]  }
0x53: {  	v3 =	vld [tilespmem:s24+$0xFFFFFFC0];
	_ =	sdelay $0x6  }
0x54: {  	v2 =	vld.idx.msk [tilespmem:v2+s2+$0x0], $0xffff  }
0x55: {  	v3 =	vld.idx.msk [tilespmem:v3+s14+$0x0], $0xffff;
	_ =	sdelay $0x4  }
0x56: {  	v2 =	vadd.f32 v3, v2;
	_ =	sdelay $0x1  }
0x57: {  	v3 =	vmul.f32 $2.000000030e-01, v2  }
0x58: {  	vm0 =	vge.f32 v2, $0.0e+00  }
0x59: {  	v2 =	vsel vm0, v2, v3  }
0x5a: {  	v2 =	vsub.f32 v2, v1;
	_ =	sdelay $0x1  }
0x5b: {  	v2 =	vmul.f32 $1.442695020e+00, v2;
	_ =	sdelay $0x1  }
0x5c: {  	(erf) = vpow2.f32 v2;
	_ =	sdelay $0x7  }
0x5d: {  	s26 =	sadd.s32 s25, s12  }
0x5e: {  	p1 =	slt.u32 s26, $0x50910;
	v2 =	vpop (erf)  }
0x5f: {  	v2 =	vpsel !p1, $0x0, v2  }
0x60: {  	[tilespmem:s22+$0xFFFFFFC0] =	vst v2  }
0x61: {  	v2 =	vld [tilespmem:s23+$0xFFFFFFD0]  }
0x62: {  	v3 =	vld [tilespmem:s24+$0xFFFFFFD0];
	_ =	sdelay $0x6  }
0x63: {  	v2 =	vld.idx.msk [tilespmem:v2+s2+$0x0], $0xffff  }
0x64: {  	v3 =	vld.idx.msk [tilespmem:v3+s14+$0x0], $0xffff;
	_ =	sdelay $0x4  }
0x65: {  	v2 =	vadd.f32 v3, v2;
	_ =	sdelay $0x1  }
0x66: {  	v3 =	vmul.f32 $2.000000030e-01, v2  }
0x67: {  	vm9 =	vge.f32 v2, $0.0e+00  }
0x68: {  	v2 =	vsel vm9, v2, v3  }
0x69: {  	v2 =	vsub.f32 v2, v1;
	_ =	sdelay $0x1  }
0x6a: {  	v2 =	vmul.f32 $1.442695020e+00, v2;
	_ =	sdelay $0x1  }
0x6b: {  	(erf) = vpow2.f32 v2;
	_ =	sdelay $0x7  }
0x6c: {  	s28 =	sadd.s32 $0x10, s26  }
0x6d: {  	p5 =	slt.u32 s28, $0x50910;
	v2 =	vpop (erf)  }
0x6e: {  	v2 =	vpsel !p5, $0x0, v2  }
0x6f: {  	[tilespmem:s22+$0xFFFFFFD0] =	vst v2  }
0x70: {  	v2 =	vld [tilespmem:s23+$0xFFFFFFE0]  }
0x71: {  	v3 =	vld [tilespmem:s24+$0xFFFFFFE0];
	_ =	sdelay $0x6  }
0x72: {  	v2 =	vld.idx.msk [tilespmem:v2+s2+$0x0], $0xffff  }
0x73: {  	v3 =	vld.idx.msk [tilespmem:v3+s14+$0x0], $0xffff;
	_ =	sdelay $0x4  }
0x74: {  	v2 =	vadd.f32 v3, v2;
	_ =	sdelay $0x1  }
0x75: {  	v3 =	vmul.f32 $2.000000030e-01, v2  }
0x76: {  	vm10 =	vge.f32 v2, $0.0e+00  }
0x77: {  	v2 =	vsel vm10, v2, v3  }
0x78: {  	v2 =	vsub.f32 v2, v1;
	_ =	sdelay $0x1  }
0x79: {  	v2 =	vmul.f32 $1.442695020e+00, v2;
	_ =	sdelay $0x1  }
0x7a: {  	(erf) = vpow2.f32 v2;
	_ =	sdelay $0x7  }
0x7b: {  	s30 =	sadd.s32 $0x20, s26  }
0x7c: {  	p6 =	slt.u32 s30, $0x50910;
	v2 =	vpop (erf)  }
0x7d: {  	v2 =	vpsel !p6, $0x0, v2  }
0x7e: {  	[tilespmem:s22+$0xFFFFFFE0] =	vst v2  }
0x7f: {  	v2 =	vld [tilespmem:s23+$0xFFFFFFF0]  }
0x80: {  	v3 =	vld [tilespmem:s24+$0xFFFFFFF0];
	_ =	sdelay $0x6  }
0x81: {  	v2 =	vld.idx.msk [tilespmem:v2+s2+$0x0], $0xffff  }
0x82: {  	v3 =	vld.idx.msk [tilespmem:v3+s14+$0x0], $0xffff;
	_ =	sdelay $0x4  }
0x83: {  	v2 =	vadd.f32 v3, v2;
	_ =	sdelay $0x1  }
0x84: {  	v3 =	vmul.f32 $2.000000030e-01, v2  }
0x85: {  	vm11 =	vge.f32 v2, $0.0e+00  }
0x86: {  	v2 =	vsel vm11, v2, v3  }
0x87: {  	v2 =	vsub.f32 v2, v1;
	_ =	sdelay $0x1  }
0x88: {  	v2 =	vmul.f32 $1.442695020e+00, v2;
	_ =	sdelay $0x1  }
0x89: {  	(erf) = vpow2.f32 v2;
	_ =	sdelay $0x7  }
0x8a: {  	s31 =	sadd.s32 $0x30, s26  }
0x8b: {  	p2 =	slt.u32 s31, $0x50910;
	v2 =	vpop (erf)  }
0x8c: {  	v2 =	vpsel !p2, $0x0, v2  }
0x8d: {  	[tilespmem:s22+$0xFFFFFFF0] =	vst v2  }
0x8e: {  	v2 =	vld [tilespmem:s23+$0x0]  }
0x8f: {  	v3 =	vld [tilespmem:s24+$0x0];
	_ =	sdelay $0x6  }
0x90: {  	v2 =	vld.idx.msk [tilespmem:v2+s2+$0x0], $0xffff  }
0x91: {  	v3 =	vld.idx.msk [tilespmem:v3+s14+$0x0], $0xffff;
	_ =	sdelay $0x4  }
0x92: {  	v2 =	vadd.f32 v3, v2;
	_ =	sdelay $0x1  }
0x93: {  	v3 =	vmul.f32 $2.000000030e-01, v2  }
0x94: {  	vm12 =	vge.f32 v2, $0.0e+00  }
0x95: {  	v2 =	vsel vm12, v2, v3  }
0x96: {  	v2 =	vsub.f32 v2, v1;
	_ =	sdelay $0x1  }
0x97: {  	v2 =	vmul.f32 $1.442695020e+00, v2;
	_ =	sdelay $0x1  }
0x98: {  	(erf) = vpow2.f32 v2;
	_ =	sdelay $0x7  }
0x99: {  	s29 =	sadd.s32 $0x40, s26  }
0x9a: {  	p3 =	slt.u32 s29, $0x50910;
	v2 =	vpop (erf)  }
0x9b: {  	v2 =	vpsel !p3, $0x0, v2  }
0x9c: {  	[tilespmem:s22+$0x0] =	vst v2  }
0x9d: {  	v2 =	vld [tilespmem:s23+$0x10]  }
0x9e: {  	v3 =	vld [tilespmem:s24+$0x10];
	_ =	sdelay $0x6  }
0x9f: {  	v2 =	vld.idx.msk [tilespmem:v2+s2+$0x0], $0xffff  }
0xa0: {  	v3 =	vld.idx.msk [tilespmem:v3+s14+$0x0], $0xffff;
	_ =	sdelay $0x4  }
0xa1: {  	v2 =	vadd.f32 v3, v2;
	_ =	sdelay $0x1  }
0xa2: {  	v3 =	vmul.f32 $2.000000030e-01, v2  }
0xa3: {  	vm13 =	vge.f32 v2, $0.0e+00  }
0xa4: {  	v2 =	vsel vm13, v2, v3  }
0xa5: {  	v2 =	vsub.f32 v2, v1;
	_ =	sdelay $0x1  }
0xa6: {  	v2 =	vmul.f32 $1.442695020e+00, v2;
	_ =	sdelay $0x1  }
0xa7: {  	(erf) = vpow2.f32 v2;
	_ =	sdelay $0x7  }
0xa8: {  	s30 =	sadd.s32 $0x50, s26  }
0xa9: {  	p4 =	slt.u32 s30, $0x50910;
	v2 =	vpop (erf)  }
0xaa: {  	v2 =	vpsel !p4, $0x0, v2  }
0xab: {  	[tilespmem:s22+$0x10] =	vst v2  }
0xac: {  	v2 =	vld [tilespmem:s23+$0x20]  }
0xad: {  	v3 =	vld [tilespmem:s24+$0x20];
	_ =	sdelay $0x6  }
0xae: {  	v2 =	vld.idx.msk [tilespmem:v2+s2+$0x0], $0xffff  }
0xaf: {  	v3 =	vld.idx.msk [tilespmem:v3+s14+$0x0], $0xffff;
	_ =	sdelay $0x4  }
0xb0: {  	v2 =	vadd.f32 v3, v2;
	_ =	sdelay $0x1  }
0xb1: {  	v3 =	vmul.f32 $2.000000030e-01, v2  }
0xb2: {  	vm14 =	vge.f32 v2, $0.0e+00  }
0xb3: {  	v2 =	vsel vm14, v2, v3  }
0xb4: {  	v2 =	vsub.f32 v2, v1;
	_ =	sdelay $0x1  }
0xb5: {  	v2 =	vmul.f32 $1.442695020e+00, v2;
	_ =	sdelay $0x1  }
0xb6: {  	(erf) = vpow2.f32 v2;
	_ =	sdelay $0x7  }
0xb7: {  	s31 =	sadd.s32 $0x60, s26  }
0xb8: {  	p5 =	slt.u32 s31, $0x50910;
	v2 =	vpop (erf)  }
0xb9: {  	v2 =	vpsel !p5, $0x0, v2  }
0xba: {  	[tilespmem:s22+$0x20] =	vst v2  }
0xbb: {  	v2 =	vld [tilespmem:s23+$0x30]  }
0xbc: {  	v3 =	vld [tilespmem:s24+$0x30];
	_ =	sdelay $0x6  }
0xbd: {  	v2 =	vld.idx.msk [tilespmem:v2+s2+$0x0], $0xffff  }
0xbe: {  	v3 =	vld.idx.msk [tilespmem:v3+s14+$0x0], $0xffff;
	_ =	sdelay $0x4  }
0xbf: {  	v2 =	vadd.f32 v3, v2;
	_ =	sdelay $0x1  }
0xc0: {  	v3 =	vmul.f32 $2.000000030e-01, v2  }
0xc1: {  	vm15 =	vge.f32 v2, $0.0e+00  }
0xc2: {  	v2 =	vsel vm15, v2, v3  }
0xc3: {  	v2 =	vsub.f32 v2, v1;
	_ =	sdelay $0x1  }
0xc4: {  	v2 =	vmul.f32 $1.442695020e+00, v2;
	_ =	sdelay $0x1  }
0xc5: {  	(erf) = vpow2.f32 v2;
	_ =	sdelay $0x5  }
0xc6: {  	p1 =	sne.s32 s25, $0x2800  }
.Ltmp0:
0xc7: {  	_ = 	snop;
	(pc) =	sbr.rel @p1 .LBB2_2-.Ltmp0, $4  }
0xc8: {  	s26 =	sadd.s32 $0x70, s26  }
0xc9: {  	p6 =	slt.u32 s26, $0x50910;
	v2 =	vpop (erf)  }
0xca: {  	s25 =	sadd.s32 $0x80, s25;
	v2 =	vpsel !p6, $0x0, v2  }
0xcb: {  	s23 =	sadd.s32 $0x80, s23;
	s24 =	sadd.s32 $0x80, s24;
	[tilespmem:s22+$0x30] =	vst v2;
	s22 =	sadd.s32 $0x80, s22  }
0xcc: {  	[bflag:$0x0] =	sbarrier.arrive $0xFFFF;
	s22 =	simm.s32 $0xA700;
	s23 =	simm.s32 $0x7B00  }
0xcd: {  	[spmem:s1] =	stream.indirect.scatter.add.f32 [tilespmem:s22], [sflag:$0x1], $0x1, s23, s19, $0xb8;
	[tilespmem:$0xD880] =	vst v63  }
0xce: {  	s22 =	simm.s32 $0x200;
	_ =	swait.ge [sflag:s13], $0x80  }
.LBB2_4:
0xcf: {  	s23 =	sshra.s32 s22, $0x2  }
0xd0: {  	[sflag:s13] =	ssyncset.done $0x0;
	p1 =	sne.s32 s22, $0xA000;
	s24 =	sadd.s32 $0xA700, s23  }
.Ltmp1:
0xd1: {  	s23 =	sadd.s32 $0x7B00, s23;
	[sflag:s13] =	ssyncadd.s32 $0xFFFFFF80;
	(pc) =	sbr.rel @p1 .LBB2_4-.Ltmp1, $3  }
0xd2: {  	[spmem:s1] =	stream.indirect.scatter.add.f32 [tilespmem:s24], [sflag:$0x1], $0x1, s23, s19, $0xb8;
	[tilespmem:$0xD880] =	vst v63  }
0xd3: {  	s22 =	sadd.s32 $0x200, s22;
	_ =	sdelay $0x1  }
0xd4: {  	_ =	swait.ge [sflag:s13], $0x80  }
0xd5: {  	[sflag:s13] =	ssyncset.done $0x0  }
0xd6: {  	[sflag:s13] =	ssyncadd.s32 $0xFFFFFF80  }
0xd7: {  	s22 =	sshrl.u32 @!p0 s1, $0x3;
	s23 =	simm.s32 @!p0 $0x1;
	[bflag:$0x0] =	sbarrier.arrive $0xFFFF  }
0xd8: {  	[hbm4b:s9+s2] =	stream.linear.scatter [tilespmem:s20], [sflag:$0x1], $0x2880, $0x38;
	[tilespmem:$0xD880] =	vst v63  }
0xd9: {  	s24 =	simm.s32 @!p0 $0x20;
	s21 =	sadd.s32 $0x1, s21;
	_ =	swait.ge [sflag:s13], $0x2880  }
0xda: {  	s25 =	simm.s32 @!p0 $0x10;
	p1 =	sne.s32 s21, s11;
	[sflag:s13] =	ssyncset.done $0x0  }
.Ltmp2:
0xdb: {  	s26 =	simm.s32 @!p0 $0x1C01;
	[sflag:s13] =	ssyncadd.s32 $0xFFFFD780;
	(pc) =	sbr.rel @p1 .LBB2_1-.Ltmp2, $4  }
0xdc: {  	[hbm:s10@s24], [sflag:s26] =	dma.strided @!p0 [spmem:s22@s25], $0x500, s23, $0x10   }
0xdd: {  	_ =	swait.ge @!p0 [sflag:s23], $0x500  }
0xde: {  	[sflag:s23] =	ssyncset.done @!p0 $0x0  }
0xdf: {  	[sflag:s23] =	ssyncadd.s32 @!p0 $0xFFFFFB00  }
0xe0: {  	_ =	sfence.sel $0x180000  }
0xe1: {  	[bflag:$0x0] =	sbarrier.arrive $0xFFFF  }
0xe2: {  	_ =	strace $0x9000004D  }
0xe3: {  	s0 =	sadd.s32 @!p0 $0x100000, s0;
	[bflag:$0x2] =	sbarrier.arrive $0xFFFF  }
0xe4: {  	[sflag:s0] =	ssyncadd.tile.s32 @!p0 $0x1;
	_ =	shalt  }
.Lfunc_end2:
_tile_overlayer_lowered:
.L_overlay_start_2:
0xe5: {  	(tag) =	ssettag $0x2  }
0xe6: {  	s0 =	rddreg [dreg:$0x0];
	s2 =	stileid.u32  }
0xe7: {  	s1 =	rddreg [dreg:$0x1];
	p0 =	sne.s32 s2, $0x0  }
0xe8: {  	s3 =	rddreg [dreg:$0x2];
	[bflag:$0x3] =	sbarrier.arrive $0xFFFF;
	s2 =	simm.s32 @!p0 $0x1C01  }
0xe9: {  	[timem:s3], [sflag:s2] =	dma.local @!p0 [hbm:s0], s1  }
0xea: {  	s0 =	simm.s32 @!p0 $0x1  }
0xeb: {  	_ =	swait.ge @!p0 [sflag:s0], s1  }
0xec: {  	s1 =	ssub.s32 @!p0 $0x0, s1;
	[sflag:s0] =	ssyncset.done @!p0 $0x0  }
0xed: {  	[sflag:s0] =	ssyncadd.s32 @!p0 s1  }
0xee: {  	[bflag:$0x3] =	sbarrier.arrive $0xFFFF  }
0xef: {  	_ =	shalt  }

// kernel: kernel.18.cloned.1.call-start
scs
__scs_entry_jumppad:
0x0: {  	(pc) =	sbr.rel $0x88, $3  }
0x1: {  	(tag) =	ssettag $0x0;
	lr =	simm.s32 $0x1  }
0x2: {  	[smem:$0x3F97] =	sst lr;
	_ =	strace $0xD0000000  }
0x3: {  	_ = 	snop  }
0x4: {  	_ = 	snop  }
0x5: {  	_ = 	snop  }
0x6: {  	_ = 	snop  }
0x7: {  	_ = 	snop  }
__scs_overlays_trampoline_lowered:
0x8: {  	[smem:$0x3FA6] =	sst s0  }
0x9: {  	[smem:$0x3FA7] =	sst s1  }
0xa: {  	[smem:$0x3FA8] =	sst s2  }
0xb: {  	[smem:$0x3FA9] =	sst s3  }
0xc: {  	[smem:$0x3FAA] =	sst s4  }
0xd: {  	[smem:$0x3FAB] =	sst s5  }
0xe: {  	[smem:$0x3FAC] =	sst s6  }
0xf: {  	[smem:$0x3FAD] =	sst s7  }
0x10: {  	[smem:$0x3FAE] =	sst s8  }
0x11: {  	[smem:$0x3FAF] =	sst s9;
	s0 =	simm.s32 @!p0 $0x0  }
0x12: {  	s1 =	sld [smem:$0x3F95];
	s0 =	simm.s32 @p0 $0x1  }
0x13: {  	[smem:$0x3FB0] =	sst s0;
	s0 =	simm.s32 @!p1 $0x0  }
0x14: {  	s2 =	sld [smem:$0x3F94];
	s0 =	simm.s32 @p1 $0x1  }
0x15: {  	[smem:$0x3FB1] =	sst s0;
	s0 =	simm.s32 @!p2 $0x0  }
0x16: {  	s3 =	sld [smem:$0x3FDB];
	s0 =	simm.s32 @p2 $0x1  }
0x17: {  	s4 =	simm.s32 $0x1BF5;
	[smem:$0x3FB3] =	sst s0  }
0x18: {  	s0 =	sld [smem:$0x3F96];
	_ =	swait.ge [sflag:s4], $0x0  }
0x19: {  	s7 =	sld [smem:$0x3F97]  }
0x1a: {  	s8 =	sadd.s32 $0xFFFFE003, lr  }
0x1b: {  	s9 =	sadd.s32 $0xFFFFFEF7, lr;
	s5 =	simm.s32 $0xFFFFFFFF;
	p2 =	slt.u32 s8, $0xFFFFF086  }
0x1c: {  	p1 =	slt.u32 s9, $0xF7A;
	s5 =	simm.s32 @!p2 $0x0  }
0x1d: {  	s5 =	simm.s32 @p1 $0x1;
	p0 =	seq.s32 s7, s2  }
0x1e: {  	s7 =	smul.u32 @!p0 $0xF7A, s2;
	p2 =	seq.s32 @!p0 s5, $0x0  }
0x1f: {  	s9 =	smul.u32 $0xF7A, s1;
	s8 =	simm.s32 @!p0 $0x1BF5;
	p2 =	por !p2, p0  }
0x20: {  	[sflag:s8] =	ssyncset.s32 @!p0 $0xFFFFF086;
	s6 =	sadd.s32 @!p0 s3, s7;
	s7 =	simm.s32 @!p0 $0x108  }
0x21: {  	s3 =	sadd.s32 s3, s9;
	s6 =	sadd.s32 @!p0 $0x88, s6;
	s7 =	simm.s32 @p2 $0x1082  }
0x22: {  	[simem:s7], [sflag:s8] =	dma.local @!p0 [hbm:s6], $0xF7A  }
0x23: {  	s9 =	sor.u32 $0xD0000000, s2;
	s6 =	simm.s32 $0x108;
	_ =	swait.ge @!p0 [sflag:s8], $0x0  }
0x24: {  	s3 =	sadd.s32 $0x88, s3;
	s6 =	simm.s32 @!p1 $0x1082;
	[sflag:s4] =	ssyncset.s32 $0xFFFFF086  }
0x25: {  	[simem:s6], [sflag:s4] =	dma.local [hbm:s3], $0xF7A  }
0x26: {  	[smem:$0x3F97] =	sst s1;
	(tag) =	ssettag s2;
	_ =	strace s9  }
0x27: {  	s1 =	sld [smem:$0x3FA7]  }
0x28: {  	s2 =	sld [smem:$0x3FA8]  }
0x29: {  	s4 =	sld [smem:$0x3FAA]  }
0x2a: {  	p0 =	seq.s32 s5, $0x0;
	s5 =	sld [smem:$0x3FAB]  }
0x2b: {  	s6 =	sld [smem:$0x3FAC]  }
0x2c: {  	s7 =	sld [smem:$0x3FAD]  }
0x2d: {  	s3 =	simm.s32 $0x108;
	s8 =	sld [smem:$0x3FAE]  }
0x2e: {  	s3 =	simm.s32 @!p0 $0x1082;
	s9 =	sld [smem:$0x3FAF]  }
0x2f: {  	lr =	sadd.s32 s0, s3;
	s0 =	sld [smem:$0x3FA6]  }
0x30: {  	s3 =	sld [smem:$0x3FA9]  }
0x31: {  	[smem:$0x3FB2] =	sst s10  }
0x32: {  	s10 =	sld [smem:$0x3FB0];
	_ =	sdelay $0x3  }
0x33: {  	p0 =	seq.s32 s10, $0x1;
	s10 =	sld [smem:$0x3FB2];
	_ =	sdelay $0x3  }
0x34: {  	[smem:$0x3FB2] =	sst s10  }
0x35: {  	s10 =	sld [smem:$0x3FB1];
	_ =	sdelay $0x3  }
0x36: {  	p1 =	seq.s32 s10, $0x1;
	s10 =	sld [smem:$0x3FB2];
	_ =	sdelay $0x3  }
0x37: {  	[smem:$0x3FB2] =	sst s10  }
0x38: {  	s10 =	sld [smem:$0x3FB3]  }
0x39: {  	_ = 	snop;
	(pc) =	sbr.ind lr, $3  }
0x3a: {  	_ = 	snop  }
0x3b: {  	_ = 	snop  }
0x3c: {  	p2 =	seq.s32 s10, $0x1;
	s10 =	sld [smem:$0x3FB2]  }
0x3d: {  	_ =	shalt  }
0x3e: {  	_ =	shalt  }
0x3f: {  	_ =	shalt  }
0x40: {  	_ =	shalt  }
0x41: {  	_ =	shalt  }
0x42: {  	_ =	shalt  }
0x43: {  	_ =	shalt  }
0x44: {  	_ =	shalt  }
0x45: {  	_ =	shalt  }
0x46: {  	_ =	shalt  }
0x47: {  	_ =	shalt  }
0x48: {  	_ =	shalt  }
0x49: {  	_ =	shalt  }
0x4a: {  	_ =	shalt  }
0x4b: {  	_ =	shalt  }
0x4c: {  	_ =	shalt  }
0x4d: {  	_ =	shalt  }
0x4e: {  	_ =	shalt  }
0x4f: {  	_ =	shalt  }
0x50: {  	_ =	shalt  }
0x51: {  	_ =	shalt  }
0x52: {  	_ =	shalt  }
0x53: {  	_ =	shalt  }
0x54: {  	_ =	shalt  }
0x55: {  	_ =	shalt  }
0x56: {  	_ =	shalt  }
0x57: {  	_ =	shalt  }
0x58: {  	_ =	shalt  }
0x59: {  	_ =	shalt  }
0x5a: {  	_ =	shalt  }
0x5b: {  	_ =	shalt  }
0x5c: {  	_ =	shalt  }
0x5d: {  	_ =	shalt  }
0x5e: {  	_ =	shalt  }
0x5f: {  	_ =	shalt  }
0x60: {  	_ =	shalt  }
0x61: {  	_ =	shalt  }
0x62: {  	_ =	shalt  }
0x63: {  	_ =	shalt  }
0x64: {  	_ =	shalt  }
0x65: {  	_ =	shalt  }
0x66: {  	_ =	shalt  }
0x67: {  	_ =	shalt  }
0x68: {  	_ =	shalt  }
0x69: {  	_ =	shalt  }
0x6a: {  	_ =	shalt  }
0x6b: {  	_ =	shalt  }
0x6c: {  	_ =	shalt  }
0x6d: {  	_ =	shalt  }
0x6e: {  	_ =	shalt  }
0x6f: {  	_ =	shalt  }
0x70: {  	_ =	shalt  }
0x71: {  	_ =	shalt  }
0x72: {  	_ =	shalt  }
0x73: {  	_ =	shalt  }
0x74: {  	_ =	shalt  }
0x75: {  	_ =	shalt  }
0x76: {  	_ =	shalt  }
0x77: {  	_ =	shalt  }
0x78: {  	_ =	shalt  }
0x79: {  	_ =	shalt  }
0x7a: {  	_ =	shalt  }
0x7b: {  	_ =	shalt  }
0x7c: {  	_ =	shalt  }
0x7d: {  	_ =	shalt  }
0x7e: {  	_ =	shalt  }
0x7f: {  	_ =	shalt  }
0x80: {  	_ =	shalt  }
0x81: {  	_ =	shalt  }
0x82: {  	_ =	shalt  }
0x83: {  	_ =	shalt  }
0x84: {  	_ =	shalt  }
0x85: {  	_ =	shalt  }
0x86: {  	_ =	shalt  }
0x87: {  	_ =	shalt  }
.Lfunc_end0:
.L_simem_size_0:
called_computation.3_lowered:
.L_overlay_start_0:
0x88: {  	s2 =	sld [smem:$0x3FD9]  }
0x89: {  	s3 =	sld [smem:$0x3FFE];
	_ =	sdelay $0x1  }
0x8a: {  	s1 =	srdreg.scid  }
0x8b: {  	s0 =	sand.u32 $0x1, s1  }
0x8c: {  	s17 =	sshll.u32 s0, $0xA;
	s2 =	sadd.s32 s3, s2  }
0x8d: {  	s2 =	sadd.s32 s2, s17  }
0x8e: {  	[smem:$0x3FBE] =	sst s2  }
0x8f: {  	_ = 	snop  }
0x90: {  	s2 =	sld [smem:$0x3FD0];
	(tm) =	ssettm $0x1  }
0x91: {  	s18 =	sld [smem:$0x3FFB];
	_ =	sdelay $0x3  }
0x92: {  	_ =	strace s18  }
0x93: {  	s3 =	sld [smem:$0x3FFC];
	_ =	sdelay $0x3  }
0x94: {  	_ =	strace s3  }
0x95: {  	s3 =	sld [smem:$0x3FFD];
	_ =	sdelay $0x3  }
0x96: {  	_ =	strace s3  }
0x97: {  	_ =	strace $0x8FFFFFFF  }
0x98: {  	s19 =	sld [smem:$0x3FDB];
	_ =	sdelay $0x1  }
0x99: {  	s4 =	simm.s32 $_scs_section_size  }
0x9a: {  	s5 =	simm.s32 $_size__tile_overlayer_lowered;
	s6 =	simm.s32 $_tile_overlayer_lowered  }
0x9b: {  	s22 =	simm.s32 $0x1BFF;
	s21 =	sshll.u32 s6, $0x1;
	s3 =	sadd.s32 s4, s19  }
0x9c: {  	s7 =	simm.s32 $0x0;
	s20 =	sshll.u32 s5, $0x1;
	s5 =	sadd.s32 s21, s3  }
0x9d: {  	[timem:s7], [sflag:s22] =	dma.local [hbm:s5], s20  }
0x9e: {  	_ =	swait.ge [sflag:s22], s20  }
0x9f: {  	s4 =	ssub.s32 $0x0, s20;
	[sflag:s22] =	ssyncset.done $0x0  }
0xa0: {  	[sflag:s22] =	ssyncadd.s32 s4;
	_ =	sdelay $0x1  }
0xa1: {  	s23 =	simm.s32 $0x1B8B  }
0xa2: {  	_ =	swait.ge [sflag:s23], $0x1  }
0xa3: {  	[sflag:s23] =	ssyncset.done $0x0  }
0xa4: {  	s25 =	simm.s32 $0x1B8E;
	s24 =	sld [smem:$0x3FFE];
	[sflag:s23] =	ssyncadd.s32 $0xFFFFFFFF  }
0xa5: {  	s26 =	simm.s32 $execute0_lowered;
	[smem:$0x3FD2] =	sst s25  }
0xa6: {  	s5 =	sshll.u32 s26, $0x1;
	_ =	strace $0x8000004F;
	[dreg:$0x1] =	wrdreg $0xFFFFFFFF  }
0xa7: {  	s28 =	simm.s32 $_size_execute0_lowered;
	s3 =	sadd.s32 s3, s5;
	[dreg:$0x0] =	wrdreg $0x0  }
0xa8: {  	s5 =	sshll.u32 s28, $0x1;
	[dreg:$0x2] =	wrdreg s3  }
0xa9: {  	[dreg:$0x3] =	wrdreg s5  }
0xaa: {  	[dreg:$0x4] =	wrdreg $0xC0  }
0xab: {  	_ =	task [dreg:s7], $0x5FFFF  }
0xac: {  	[dreg:$0x1] =	wrdreg $0xFFFFFFFF  }
0xad: {  	[dreg:$0x0] =	wrdreg $0x60  }
0xae: {  	[dreg:$0x2] =	wrdreg s2  }
0xaf: {  	[dreg:$0x3] =	wrdreg s24  }
0xb0: {  	[dreg:$0x4] =	wrdreg $0xC4000  }
0xb1: {  	[dreg:$0x5] =	wrdreg $0x9  }
0xb2: {  	_ =	task.clear_ibuf [dreg:s7], $0x6FFFF;
	_ =	strace $0x9000004F  }
0xb3: {  	s29 =	simm.s32 $0x9;
	_ =	strace $0x80000051  }
0xb4: {  	_ =	swait.ge [sflag:s29], $0x1  }
0xb5: {  	[sflag:s29] =	ssyncadd.s32 $0xFFFFFFFF  }
0xb6: {  	_ =	strace $0x90000051  }
0xb7: {  	_ =	sfence  }
0xb8: {  	s30 =	sld [smem:$0x0];
	_ =	sdelay $0x2  }
0xb9: {  	s31 =	sshll.u32 s1, $0xD;
	s1 =	sshrl.u32 s1, $0x2  }
0xba: {  	s3 =	sand.u32 $0x4000, s31;
	s1 =	sadd.s32 s1, s30  }
0xbb: {  	s0 =	sor.u32 s3, s0;
	s1 =	sshll.u32 s1, $0x11  }
0xbc: {  	s0 =	sor.u32 s1, s0  }
0xbd: {  	s0 =	sadd.s32 $0x8F2B, s0  }
0xbe: {  	[sflag:s0] =	ssyncadd.remote.s32 $0x1  }
0xbf: {  	_ =	sfence.sel $0xFFFF  }
0xc0: {  	[dreg:$0x0] =	wrdreg $0xFFFFFFFF;
	(pc) =	sbr.abs _section_cstart, $3  }
0xc1: {  	[dreg:$0x1] =	wrdreg $0xFFFFFFFF  }
0xc2: {  	_ =	task.clear_ibuf [dreg:s7], $0x2FFFF;
	_ =	strace $0x9FFFFFFF  }
0xc3: {  	(tm) =	ssettm $0x7FFFFFFF  }
tec
execute0_lowered:
.L_overlay_start_1:
0x0: {  	(tag) =	ssettag $0x1  }
0x1: {  	s0 =	rddreg [dreg:$0x0];
	s1 =	srdreg.scid  }
0x2: {  	s19 =	stileid.u32;
	s4 =	rddreg [dreg:$0x1]  }
0x3: {  	s2 =	rddreg [dreg:$0x2];
	s3 =	simm.s32 $0x0;
	s14 =	simm.s32 $0x2  }
0x4: {  	s15 =	simm.s32 $0x2C00;
	s16 =	simm.s32 $0x5800;
	s17 =	simm.s32 $0x8400  }
0x5: {  	s18 =	simm.s32 $0x80;
	s5 =	sand.u32 $0x1, s1;
	s1 =	rddreg [dreg:$0x3]  }
0x6: {  	s21 =	simm.s32 $0x0;
	s29 =	sshll.u32 s19, $0x1;
	[smem:$0x7FF] =	sst s3  }
0x7: {  	s8 =	smul.u32 $0x4E200, s19;
	p0 =	sne.s32 s19, $0x0;
	s19 =	simm.s32 $0x1  }
0x8: {  	s6 =	sor.u32 s5, s29;
	s7 =	smul.u32 $0x27100, s5;
	_ =	strace $0x80000050  }
0x9: {  	s5 =	ssub.s32 $0x2, s5;
	s20 =	sshrl.u32 @!p0 s2, $0x3;
	s6 =	smul.u32 $0x580, s6  }
0xa: {  	s30 =	sshrl.u32 s5, $0x1;
	s31 =	sshrl.u32 s8, $0x2;
	s12 =	sadd.s32 s7, s4  }
0xb: {  	s13 =	ssub.s32 s5, s30;
	s7 =	sadd.s32 s31, s2;
	s6 =	sadd.s32 s6, s4  }
0xc: {  	s8 =	sadd.s32 $0x4000, s7;
	s9 =	sadd.s32 $0x8000, s7;
	s10 =	sadd.s32 $0xC000, s7  }
0xd: {  	s11 =	sadd.s32 $0x10000, s7;
	s12 =	sadd.s32 $0x25000, s12;
	s13 =	smax.u32 s13, $0x1  }
0xe: {  	v0 =	vimm.f32 $0.0e+00;
	s4 =	sadd.s32 $0x2600, s6;
	s5 =	sadd.s32 $0xD600, s6;
	s6 =	sadd.s32 $0x19600, s6  }
.LBB2_1:
0xf: {  	[tilespmem:s3], [sflag:$0x2] =	stream.linear.gather [hbm4b:s4+s3], $0x2880, $0x38;
	[tilespmem:$0x1FC80] =	vst v63  }
0x10: {  	_ =	swait.ge [sflag:s14], $0x2880  }
0x11: {  	[sflag:s14] =	ssyncset.done $0x0  }
0x12: {  	[sflag:s14] =	ssyncadd.s32 $0xFFFFD780  }
0x13: {  	[tilespmem:s15], [sflag:$0x2] =	stream.linear.gather [hbm4b:s5+s3], $0x2880, $0x38;
	[tilespmem:$0x1FC80] =	vst v63  }
0x14: {  	_ =	swait.ge [sflag:s14], $0x2880  }
0x15: {  	[sflag:s14] =	ssyncset.done $0x0  }
0x16: {  	[sflag:s14] =	ssyncadd.s32 $0xFFFFD780  }
0x17: {  	[tilespmem:s16], [sflag:$0x2] =	stream.linear.gather [hbm4b:s6+s3], $0x2880, $0x38;
	[tilespmem:$0x1FC80] =	vst v63  }
0x18: {  	_ =	swait.ge [sflag:s14], $0x2880  }
0x19: {  	[sflag:s14] =	ssyncset.done $0x0  }
0x1a: {  	s22 =	simm.s32 $0x0;
	s23 =	simm.s32 $0x200;
	[sflag:s14] =	ssyncadd.s32 $0xFFFFD780  }
.LBB2_2:
0x1b: {  	p1 =	sne.s32 s23, $0xFE00;
	[tilespmem:s22+$0x8470] =	vst v0  }
0x1c: {  	[tilespmem:s22+$0x8400] =	vst v0  }
0x1d: {  	[tilespmem:s22+$0x8410] =	vst v0  }
.Ltmp0:
0x1e: {  	[tilespmem:s22+$0x8420] =	vst v0;
	(pc) =	sbr.rel @p1 .LBB2_2-.Ltmp0, $4  }
0x1f: {  	[tilespmem:s22+$0x8430] =	vst v0  }
0x20: {  	[tilespmem:s22+$0x8440] =	vst v0  }
0x21: {  	[tilespmem:s22+$0x8450] =	vst v0  }
0x22: {  	[tilespmem:s22+$0x8460] =	vst v0;
	s22 =	sshra.s32 s23, $0x2;
	s23 =	sadd.s32 $0x200, s23  }
0x23: {  	[tilespmem:s22+$0x8470] =	vst v0  }
0x24: {  	[tilespmem:s22+$0x8400] =	vst v0  }
0x25: {  	[tilespmem:s22+$0x8410] =	vst v0  }
0x26: {  	[tilespmem:s22+$0x8420] =	vst v0  }
0x27: {  	[tilespmem:s22+$0x8430] =	vst v0  }
0x28: {  	[tilespmem:s22+$0x8440] =	vst v0  }
0x29: {  	[tilespmem:s22+$0x8450] =	vst v0  }
0x2a: {  	[tilespmem:s22+$0x8460] =	vst v0  }
0x2b: {  	[spmem:s7] =	stream.linear.scatter [tilespmem:s17], [sflag:$0x2], $0x4000, $0x38;
	[tilespmem:$0x1FC80] =	vst v63  }
0x2c: {  	_ =	swait.ge [sflag:s14], $0x4000  }
0x2d: {  	[sflag:s14] =	ssyncset.done $0x0  }
0x2e: {  	[sflag:s14] =	ssyncadd.s32 $0xFFFFC000  }
0x2f: {  	[spmem:s8] =	stream.linear.scatter [tilespmem:s17], [sflag:$0x2], $0x4000, $0x38;
	[tilespmem:$0x1FC80] =	vst v63  }
0x30: {  	_ =	swait.ge [sflag:s14], $0x4000  }
0x31: {  	[sflag:s14] =	ssyncset.done $0x0  }
0x32: {  	[sflag:s14] =	ssyncadd.s32 $0xFFFFC000  }
0x33: {  	[spmem:s9] =	stream.linear.scatter [tilespmem:s17], [sflag:$0x2], $0x4000, $0x38;
	[tilespmem:$0x1FC80] =	vst v63  }
0x34: {  	_ =	swait.ge [sflag:s14], $0x4000  }
0x35: {  	[sflag:s14] =	ssyncset.done $0x0  }
0x36: {  	[sflag:s14] =	ssyncadd.s32 $0xFFFFC000  }
0x37: {  	[spmem:s10] =	stream.linear.scatter [tilespmem:s17], [sflag:$0x2], $0x4000, $0x38;
	[tilespmem:$0x1FC80] =	vst v63  }
0x38: {  	_ =	swait.ge [sflag:s14], $0x4000  }
0x39: {  	[sflag:s14] =	ssyncset.done $0x0  }
0x3a: {  	[sflag:s14] =	ssyncadd.s32 $0xFFFFC000  }
0x3b: {  	[spmem:s11] =	stream.linear.scatter [tilespmem:s17], [sflag:$0x2], $0x3880, $0x38;
	[tilespmem:$0x1FC80] =	vst v63  }
0x3c: {  	_ =	swait.ge [sflag:s14], $0x3880  }
0x3d: {  	[sflag:s14] =	ssyncset.done $0x0  }
0x3e: {  	[sflag:s14] =	ssyncadd.s32 $0xFFFFC780  }
0x3f: {  	s22 =	simm.s32 $0x0;
	s23 =	simm.s32 $0x0;
	[bflag:$0x0] =	sbarrier.arrive $0xFFFF  }
.LBB2_4:
0x40: {  	s24 =	sshll.u32 s23, $0x7;
	v2 =	vmov s22  }
0x41: {  	v1 =	vmov s24;
	v2 =	vand.u32 $0x7F, v2  }
0x42: {  	[tilespmem:s17], [sflag:$0x1] =	stream.indirect.gather [hbm4b:s0+s18], $0x80, s24, s18, $0xb8;
	v2 =	vadd.s32 v1, v2;
	[tilespmem:$0x1FC80] =	vst v63  }
0x43: {  	_ =	swait.ge [sflag:s19], $0x4000;
	v2 =	vbroadcast v2, $0x0  }
0x44: {  	[sflag:s19] =	ssyncset.done $0x0  }
0x45: {  	s25 =	simm.s32 $0x8440;
	[sflag:s19] =	ssyncadd.s32 $0xFFFFC000  }
0x46: {  	v6 =	vld [tilespmem:s25+$0x30]  }
0x47: {  	v9 =	vld [tilespmem:s25+$0x10]  }
0x48: {  	v7 =	vld [tilespmem:s25+$0xFFFFFFC0]  }
0x49: {  	v3 =	vld.idx.msk [tilespmem:v2+s16+$0x0], $0xffff  }
0x4a: {  	v12 =	vld [tilespmem:s25+$0xFFFFFFE0]  }
0x4b: {  	v4 =	vld [tilespmem:s25+$0x20]  }
0x4c: {  	v5 =	vld [tilespmem:s25+$0xFFFFFFD0]  }
0x4d: {  	v2 =	vld [tilespmem:s25+$0xFFFFFFF0]  }
0x4e: {  	v10 =	vmul.f32 v6, v3;
	v6 =	vld [tilespmem:s25+$0x0]  }
0x4f: {  	s26 =	simm.s32 $0x1;
	v8 =	vmul.f32 v7, v3  }
0x50: {  	s28 =	simm.s32 $0x2;
	v11 =	vmov s26;
	s26 =	simm.s32 $0x8440;
	v7 =	vmul.f32 v12, v3;
	v9 =	vmul.f32 v9, v3  }
.LBB2_5:
0x51: {  	p1 =	sne.s32 s28, $0x7F  }
0x52: {  	v11 =	vand.u32 $0x7F, v11;
	v5 =	vmul.f32 v5, v3;
	v4 =	vmul.f32 v4, v3;
	[tilespmem:s25+$0x30] =	vst v10;
	s26 =	sadd.s32 $0x80, s26;
	s29 =	smov.u32 s28;
	s28 =	sadd.s32 $0x1, s28  }
0x53: {  	v10 =	vadd.s32 v1, v11;
	[tilespmem:s25+$0xFFFFFFC0] =	vst v8;
	v8 =	vmul.f32 v2, v3;
	v3 =	vmul.f32 v6, v3  }
0x54: {  	v6 =	vbroadcast v10, $0x0;
	[tilespmem:s25+$0x10] =	vst v9  }
0x55: {  	[tilespmem:s25+$0xFFFFFFE0] =	vst v7  }
0x56: {  	v2 =	vld [tilespmem:s26+$0xFFFFFFF0];
	[tilespmem:s25+$0xFFFFFFF0] =	vst v8  }
0x57: {  	v7 =	vld [tilespmem:s26+$0x30];
	[tilespmem:s25+$0x0] =	vst v3  }
0x58: {  	v9 =	vld [tilespmem:s26+$0x10];
	[tilespmem:s25+$0x20] =	vst v4  }
0x59: {  	v8 =	vld [tilespmem:s26+$0xFFFFFFC0];
	[tilespmem:s25+$0xFFFFFFD0] =	vst v5;
	s25 =	smov.u32 s26  }
0x5a: {  	v3 =	vld.idx.msk [tilespmem:v6+s16+$0x0], $0xffff  }
0x5b: {  	v12 =	vld [tilespmem:s26+$0xFFFFFFE0]  }
0x5c: {  	v4 =	vld [tilespmem:s26+$0x20]  }
.Ltmp1:
0x5d: {  	v5 =	vld [tilespmem:s26+$0xFFFFFFD0];
	(pc) =	sbr.rel @p1 .LBB2_5-.Ltmp1, $3  }
0x5e: {  	v6 =	vld [tilespmem:s26+$0x0];
	_ =	sdelay $0x1  }
0x5f: {  	v8 =	vmul.f32 v8, v3;
	v10 =	vmul.f32 v7, v3  }
0x60: {  	v11 =	vmov s29;
	v9 =	vmul.f32 v9, v3;
	v7 =	vmul.f32 v12, v3  }
0x61: {  	[tilespmem:s25+$0x30] =	vst v10;
	v58 =	vand.u32 $0x7F, v11  }
0x62: {  	[tilespmem:s25+$0xFFFFFFC0] =	vst v8;
	v1 =	vadd.s32 v1, v58  }
0x63: {  	v2 =	vmul.f32 v2, v3;
	[tilespmem:s25+$0x10] =	vst v9;
	v1 =	vbroadcast v1, $0x0  }
0x64: {  	s26 =	sadd.s32 $0x80, s26;
	[tilespmem:s25+$0xFFFFFFE0] =	vst v7;
	v6 =	vmul.f32 v6, v3  }
0x65: {  	v4 =	vmul.f32 v4, v3;
	v3 =	vmul.f32 v5, v3;
	v7 =	vld [tilespmem:s26+$0xFFFFFFF0];
	[tilespmem:s25+$0xFFFFFFF0] =	vst v2  }
0x66: {  	v2 =	vld [tilespmem:s26+$0x30];
	[tilespmem:s25+$0x0] =	vst v6  }
0x67: {  	v60 =	vld [tilespmem:s26+$0xFFFFFFC0];
	[tilespmem:s25+$0xFFFFFFD0] =	vst v3  }
0x68: {  	v59 =	vld [tilespmem:s26+$0x10];
	[tilespmem:s25+$0x20] =	vst v4  }
0x69: {  	v1 =	vld.idx.msk [tilespmem:v1+s16+$0x0], $0xffff;
	_ =	sdelay $0x2  }
0x6a: {  	v6 =	vld [tilespmem:s26+$0x0]  }
0x6b: {  	v3 =	vld [tilespmem:s26+$0xFFFFFFE0]  }
0x6c: {  	v2 =	vmul.f32 v2, v1  }
0x6d: {  	v61 =	vld [tilespmem:s26+$0x20];
	v4 =	vmul.f32 v60, v1  }
0x6e: {  	v62 =	vld [tilespmem:s26+$0xFFFFFFD0];
	v5 =	vmul.f32 v59, v1;
	[tilespmem:s26+$0x30] =	vst v2  }
0x6f: {  	v63 =	vmul.f32 v6, v1;
	[tilespmem:s26+$0xFFFFFFC0] =	vst v4  }
0x70: {  	v2 =	vmul.f32 v3, v1;
	[tilespmem:s26+$0x10] =	vst v5  }
0x71: {  	v3 =	vmul.f32 v7, v1;
	[tilespmem:s26+$0x0] =	vst v63  }
0x72: {  	[tilespmem:s26+$0xFFFFFFE0] =	vst v2;
	v2 =	vmul.f32 v61, v1  }
0x73: {  	s23 =	sadd.s32 $0x1, s23;
	[tilespmem:s26+$0xFFFFFFF0] =	vst v3;
	v1 =	vmul.f32 v62, v1  }
0x74: {  	p1 =	sne.s32 s23, $0x51;
	[tilespmem:s26+$0x20] =	vst v2  }
.Ltmp2:
0x75: {  	s24 =	sadd.s32 $0x2C00, s24;
	[tilespmem:s26+$0xFFFFFFD0] =	vst v1;
	(pc) =	sbr.rel @p1 .LBB2_4-.Ltmp2, $4  }
0x76: {  	[spmem:s2] =	stream.indirect.scatter.add.f32 [tilespmem:s17], [sflag:$0x2], $0x80, s24, s18, $0xb8;
	[tilespmem:$0x1FC80] =	vst v63  }
0x77: {  	_ =	swait.ge [sflag:s14], $0x4000  }
0x78: {  	[sflag:s14] =	ssyncset.done $0x0  }
0x79: {  	[sflag:s14] =	ssyncadd.s32 $0xFFFFC000  }
0x7a: {  	[bflag:$0x0] =	sbarrier.arrive $0xFFFF;
	s22 =	simm.s32 @!p0 $0x1C02;
	s21 =	sadd.s32 $0x1, s21  }
0x7b: {  	[hbm:s12], [sflag:s22] =	dma.local @!p0 [spmem:s20], $0x27100  }
0x7c: {  	p1 =	sne.s32 s21, s13  }
.Ltmp3:
0x7d: {  	_ = 	snop;
	(pc) =	sbr.rel @p1 .LBB2_1-.Ltmp3, $4  }
0x7e: {  	s22 =	simm.s32 @!p0 $0x2  }
0x7f: {  	_ =	swait.ge @!p0 [sflag:s22], $0x27100  }
0x80: {  	[sflag:s22] =	ssyncset.done @!p0 $0x0  }
0x81: {  	[sflag:s22] =	ssyncadd.s32 @!p0 $0xFFFD8F00  }
0x82: {  	_ =	sfence.sel $0x180000  }
0x83: {  	[bflag:$0x0] =	sbarrier.arrive $0xFFFF  }
0x84: {  	_ =	strace $0x90000050  }
0x85: {  	s0 =	sadd.s32 @!p0 $0x100000, s1;
	[bflag:$0x2] =	sbarrier.arrive $0xFFFF  }
0x86: {  	[sflag:s0] =	ssyncadd.tile.s32 @!p0 $0x1;
	_ =	shalt  }
.Lfunc_end2:
_tile_overlayer_lowered:
.L_overlay_start_2:
0x87: {  	(tag) =	ssettag $0x2  }
0x88: {  	s0 =	rddreg [dreg:$0x0];
	s2 =	stileid.u32  }
0x89: {  	s1 =	rddreg [dreg:$0x1];
	p0 =	sne.s32 s2, $0x0  }
0x8a: {  	s3 =	rddreg [dreg:$0x2];
	[bflag:$0x3] =	sbarrier.arrive $0xFFFF;
	s2 =	simm.s32 @!p0 $0x1C02  }
0x8b: {  	[timem:s3], [sflag:s2] =	dma.local @!p0 [hbm:s0], s1  }
0x8c: {  	s0 =	simm.s32 @!p0 $0x2  }
0x8d: {  	_ =	swait.ge @!p0 [sflag:s0], s1  }
0x8e: {  	s1 =	ssub.s32 @!p0 $0x0, s1;
	[sflag:s0] =	ssyncset.done @!p0 $0x0  }
0x8f: {  	[sflag:s0] =	ssyncadd.s32 @!p0 s1  }
0x90: {  	[bflag:$0x3] =	sbarrier.arrive $0xFFFF  }
0x91: {  	_ =	shalt  }

// kernel: kernel.9.cloned.1.call-start
scs
__scs_entry_jumppad:
0x0: {  	(pc) =	sbr.rel $0x88, $3  }
0x1: {  	(tag) =	ssettag $0x0;
	lr =	simm.s32 $0x1  }
0x2: {  	[smem:$0x3F97] =	sst lr;
	_ =	strace $0xD0000000  }
0x3: {  	_ = 	snop  }
0x4: {  	_ = 	snop  }
0x5: {  	_ = 	snop  }
0x6: {  	_ = 	snop  }
0x7: {  	_ = 	snop  }
__scs_overlays_trampoline_lowered:
0x8: {  	[smem:$0x3FA6] =	sst s0  }
0x9: {  	[smem:$0x3FA7] =	sst s1  }
0xa: {  	[smem:$0x3FA8] =	sst s2  }
0xb: {  	[smem:$0x3FA9] =	sst s3  }
0xc: {  	[smem:$0x3FAA] =	sst s4  }
0xd: {  	[smem:$0x3FAB] =	sst s5  }
0xe: {  	[smem:$0x3FAC] =	sst s6  }
0xf: {  	[smem:$0x3FAD] =	sst s7  }
0x10: {  	[smem:$0x3FAE] =	sst s8  }
0x11: {  	[smem:$0x3FAF] =	sst s9;
	s0 =	simm.s32 @!p0 $0x0  }
0x12: {  	s1 =	sld [smem:$0x3F95];
	s0 =	simm.s32 @p0 $0x1  }
0x13: {  	[smem:$0x3FB0] =	sst s0;
	s0 =	simm.s32 @!p1 $0x0  }
0x14: {  	s2 =	sld [smem:$0x3F94];
	s0 =	simm.s32 @p1 $0x1  }
0x15: {  	[smem:$0x3FB1] =	sst s0;
	s0 =	simm.s32 @!p2 $0x0  }
0x16: {  	s3 =	sld [smem:$0x3FDB];
	s0 =	simm.s32 @p2 $0x1  }
0x17: {  	s4 =	simm.s32 $0x1BF5;
	[smem:$0x3FB3] =	sst s0  }
0x18: {  	s0 =	sld [smem:$0x3F96];
	_ =	swait.ge [sflag:s4], $0x0  }
0x19: {  	s7 =	sld [smem:$0x3F97]  }
0x1a: {  	s8 =	sadd.s32 $0xFFFFE003, lr  }
0x1b: {  	s9 =	sadd.s32 $0xFFFFFEF7, lr;
	s5 =	simm.s32 $0xFFFFFFFF;
	p2 =	slt.u32 s8, $0xFFFFF086  }
0x1c: {  	p1 =	slt.u32 s9, $0xF7A;
	s5 =	simm.s32 @!p2 $0x0  }
0x1d: {  	s5 =	simm.s32 @p1 $0x1;
	p0 =	seq.s32 s7, s2  }
0x1e: {  	s7 =	smul.u32 @!p0 $0xF7A, s2;
	p2 =	seq.s32 @!p0 s5, $0x0  }
0x1f: {  	s9 =	smul.u32 $0xF7A, s1;
	s8 =	simm.s32 @!p0 $0x1BF5;
	p2 =	por !p2, p0  }
0x20: {  	[sflag:s8] =	ssyncset.s32 @!p0 $0xFFFFF086;
	s6 =	sadd.s32 @!p0 s3, s7;
	s7 =	simm.s32 @!p0 $0x108  }
0x21: {  	s3 =	sadd.s32 s3, s9;
	s6 =	sadd.s32 @!p0 $0x88, s6;
	s7 =	simm.s32 @p2 $0x1082  }
0x22: {  	[simem:s7], [sflag:s8] =	dma.local @!p0 [hbm:s6], $0xF7A  }
0x23: {  	s9 =	sor.u32 $0xD0000000, s2;
	s6 =	simm.s32 $0x108;
	_ =	swait.ge @!p0 [sflag:s8], $0x0  }
0x24: {  	s3 =	sadd.s32 $0x88, s3;
	s6 =	simm.s32 @!p1 $0x1082;
	[sflag:s4] =	ssyncset.s32 $0xFFFFF086  }
0x25: {  	[simem:s6], [sflag:s4] =	dma.local [hbm:s3], $0xF7A  }
0x26: {  	[smem:$0x3F97] =	sst s1;
	(tag) =	ssettag s2;
	_ =	strace s9  }
0x27: {  	s1 =	sld [smem:$0x3FA7]  }
0x28: {  	s2 =	sld [smem:$0x3FA8]  }
0x29: {  	s4 =	sld [smem:$0x3FAA]  }
0x2a: {  	p0 =	seq.s32 s5, $0x0;
	s5 =	sld [smem:$0x3FAB]  }
0x2b: {  	s6 =	sld [smem:$0x3FAC]  }
0x2c: {  	s7 =	sld [smem:$0x3FAD]  }
0x2d: {  	s3 =	simm.s32 $0x108;
	s8 =	sld [smem:$0x3FAE]  }
0x2e: {  	s3 =	simm.s32 @!p0 $0x1082;
	s9 =	sld [smem:$0x3FAF]  }
0x2f: {  	lr =	sadd.s32 s0, s3;
	s0 =	sld [smem:$0x3FA6]  }
0x30: {  	s3 =	sld [smem:$0x3FA9]  }
0x31: {  	[smem:$0x3FB2] =	sst s10  }
0x32: {  	s10 =	sld [smem:$0x3FB0];
	_ =	sdelay $0x3  }
0x33: {  	p0 =	seq.s32 s10, $0x1;
	s10 =	sld [smem:$0x3FB2];
	_ =	sdelay $0x3  }
0x34: {  	[smem:$0x3FB2] =	sst s10  }
0x35: {  	s10 =	sld [smem:$0x3FB1];
	_ =	sdelay $0x3  }
0x36: {  	p1 =	seq.s32 s10, $0x1;
	s10 =	sld [smem:$0x3FB2];
	_ =	sdelay $0x3  }
0x37: {  	[smem:$0x3FB2] =	sst s10  }
0x38: {  	s10 =	sld [smem:$0x3FB3]  }
0x39: {  	_ = 	snop;
	(pc) =	sbr.ind lr, $3  }
0x3a: {  	_ = 	snop  }
0x3b: {  	_ = 	snop  }
0x3c: {  	p2 =	seq.s32 s10, $0x1;
	s10 =	sld [smem:$0x3FB2]  }
0x3d: {  	_ =	shalt  }
0x3e: {  	_ =	shalt  }
0x3f: {  	_ =	shalt  }
0x40: {  	_ =	shalt  }
0x41: {  	_ =	shalt  }
0x42: {  	_ =	shalt  }
0x43: {  	_ =	shalt  }
0x44: {  	_ =	shalt  }
0x45: {  	_ =	shalt  }
0x46: {  	_ =	shalt  }
0x47: {  	_ =	shalt  }
0x48: {  	_ =	shalt  }
0x49: {  	_ =	shalt  }
0x4a: {  	_ =	shalt  }
0x4b: {  	_ =	shalt  }
0x4c: {  	_ =	shalt  }
0x4d: {  	_ =	shalt  }
0x4e: {  	_ =	shalt  }
0x4f: {  	_ =	shalt  }
0x50: {  	_ =	shalt  }
0x51: {  	_ =	shalt  }
0x52: {  	_ =	shalt  }
0x53: {  	_ =	shalt  }
0x54: {  	_ =	shalt  }
0x55: {  	_ =	shalt  }
0x56: {  	_ =	shalt  }
0x57: {  	_ =	shalt  }
0x58: {  	_ =	shalt  }
0x59: {  	_ =	shalt  }
0x5a: {  	_ =	shalt  }
0x5b: {  	_ =	shalt  }
0x5c: {  	_ =	shalt  }
0x5d: {  	_ =	shalt  }
0x5e: {  	_ =	shalt  }
0x5f: {  	_ =	shalt  }
0x60: {  	_ =	shalt  }
0x61: {  	_ =	shalt  }
0x62: {  	_ =	shalt  }
0x63: {  	_ =	shalt  }
0x64: {  	_ =	shalt  }
0x65: {  	_ =	shalt  }
0x66: {  	_ =	shalt  }
0x67: {  	_ =	shalt  }
0x68: {  	_ =	shalt  }
0x69: {  	_ =	shalt  }
0x6a: {  	_ =	shalt  }
0x6b: {  	_ =	shalt  }
0x6c: {  	_ =	shalt  }
0x6d: {  	_ =	shalt  }
0x6e: {  	_ =	shalt  }
0x6f: {  	_ =	shalt  }
0x70: {  	_ =	shalt  }
0x71: {  	_ =	shalt  }
0x72: {  	_ =	shalt  }
0x73: {  	_ =	shalt  }
0x74: {  	_ =	shalt  }
0x75: {  	_ =	shalt  }
0x76: {  	_ =	shalt  }
0x77: {  	_ =	shalt  }
0x78: {  	_ =	shalt  }
0x79: {  	_ =	shalt  }
0x7a: {  	_ =	shalt  }
0x7b: {  	_ =	shalt  }
0x7c: {  	_ =	shalt  }
0x7d: {  	_ =	shalt  }
0x7e: {  	_ =	shalt  }
0x7f: {  	_ =	shalt  }
0x80: {  	_ =	shalt  }
0x81: {  	_ =	shalt  }
0x82: {  	_ =	shalt  }
0x83: {  	_ =	shalt  }
0x84: {  	_ =	shalt  }
0x85: {  	_ =	shalt  }
0x86: {  	_ =	shalt  }
0x87: {  	_ =	shalt  }
.Lfunc_end0:
.L_simem_size_0:
called_computation_lowered:
.L_overlay_start_0:
0x88: {  	s2 =	sld [smem:$0x3FD9]  }
0x89: {  	s3 =	sld [smem:$0x3FFE];
	_ =	sdelay $0x1  }
0x8a: {  	s1 =	srdreg.scid  }
0x8b: {  	s0 =	sand.u32 $0x1, s1  }
0x8c: {  	s16 =	sshll.u32 s0, $0xA;
	s2 =	sadd.s32 s3, s2  }
0x8d: {  	s2 =	sadd.s32 s2, s16  }
0x8e: {  	[smem:$0x3FBE] =	sst s2  }
0x8f: {  	_ = 	snop  }
0x90: {  	(tm) =	ssettm $0x1  }
0x91: {  	s17 =	sld [smem:$0x3FFB];
	_ =	sdelay $0x3  }
0x92: {  	_ =	strace s17  }
0x93: {  	s2 =	sld [smem:$0x3FFC];
	_ =	sdelay $0x3  }
0x94: {  	_ =	strace s2  }
0x95: {  	s2 =	sld [smem:$0x3FFD];
	_ =	sdelay $0x3  }
0x96: {  	_ =	strace s2  }
0x97: {  	_ =	strace $0x8FFFFFFF  }
0x98: {  	s18 =	sld [smem:$0x3FDB];
	_ =	sdelay $0x1  }
0x99: {  	s19 =	simm.s32 $_scs_section_size  }
0x9a: {  	s4 =	simm.s32 $_size__tile_overlayer_lowered;
	s5 =	simm.s32 $_tile_overlayer_lowered  }
0x9b: {  	s22 =	simm.s32 $0x1BFF;
	s21 =	sshll.u32 s5, $0x1;
	s2 =	sadd.s32 s19, s18  }
0x9c: {  	s6 =	simm.s32 $0x0;
	s20 =	sshll.u32 s4, $0x1;
	s4 =	sadd.s32 s21, s2  }
0x9d: {  	[timem:s6], [sflag:s22] =	dma.local [hbm:s4], s20  }
0x9e: {  	_ =	swait.ge [sflag:s22], s20  }
0x9f: {  	s3 =	ssub.s32 $0x0, s20;
	[sflag:s22] =	ssyncset.done $0x0  }
0xa0: {  	[sflag:s22] =	ssyncadd.s32 s3;
	_ =	sdelay $0x1  }
0xa1: {  	s23 =	simm.s32 $0x1B8B  }
0xa2: {  	_ =	swait.ge [sflag:s23], $0x1  }
0xa3: {  	[sflag:s23] =	ssyncset.done $0x0  }
0xa4: {  	s25 =	simm.s32 $0x1B8E;
	s24 =	sld [smem:$0x3FFE];
	[sflag:s23] =	ssyncadd.s32 $0xFFFFFFFF  }
0xa5: {  	s26 =	simm.s32 $execute0_lowered;
	[smem:$0x3FD2] =	sst s25  }
0xa6: {  	s4 =	sshll.u32 s26, $0x1;
	_ =	strace $0x80000046;
	[dreg:$0x1] =	wrdreg $0xFFFFFFFF  }
0xa7: {  	s28 =	simm.s32 $_size_execute0_lowered;
	s2 =	sadd.s32 s2, s4;
	[dreg:$0x0] =	wrdreg $0x0  }
0xa8: {  	s4 =	sshll.u32 s28, $0x1;
	[dreg:$0x2] =	wrdreg s2  }
0xa9: {  	[dreg:$0x3] =	wrdreg s4  }
0xaa: {  	[dreg:$0x4] =	wrdreg $0xC0  }
0xab: {  	_ =	task [dreg:s6], $0x5FFFF  }
0xac: {  	[dreg:$0x1] =	wrdreg $0xFFFFFFFF  }
0xad: {  	[dreg:$0x0] =	wrdreg $0x60  }
0xae: {  	[dreg:$0x2] =	wrdreg s24  }
0xaf: {  	[dreg:$0x3] =	wrdreg $0xD6000  }
0xb0: {  	[dreg:$0x4] =	wrdreg $0x9  }
0xb1: {  	_ =	task.clear_ibuf [dreg:s6], $0x5FFFF;
	_ =	strace $0x90000046  }
0xb2: {  	s29 =	simm.s32 $0x9;
	_ =	strace $0x80000048  }
0xb3: {  	_ =	swait.ge [sflag:s29], $0x1  }
0xb4: {  	[sflag:s29] =	ssyncadd.s32 $0xFFFFFFFF  }
0xb5: {  	_ =	strace $0x90000048  }
0xb6: {  	_ =	sfence  }
0xb7: {  	s30 =	sld [smem:$0x0];
	_ =	sdelay $0x2  }
0xb8: {  	s31 =	sshll.u32 s1, $0xD;
	s1 =	sshrl.u32 s1, $0x2  }
0xb9: {  	s3 =	sand.u32 $0x4000, s31;
	s1 =	sadd.s32 s1, s30  }
0xba: {  	s0 =	sor.u32 s3, s0;
	s1 =	sshll.u32 s1, $0x11  }
0xbb: {  	s0 =	sor.u32 s1, s0  }
0xbc: {  	s0 =	sadd.s32 $0x8F2B, s0  }
0xbd: {  	[sflag:s0] =	ssyncadd.remote.s32 $0x1  }
0xbe: {  	_ =	sfence.sel $0xFFFF  }
0xbf: {  	[dreg:$0x0] =	wrdreg $0xFFFFFFFF;
	(pc) =	sbr.abs _section_cstart, $3  }
0xc0: {  	[dreg:$0x1] =	wrdreg $0xFFFFFFFF  }
0xc1: {  	_ =	task.clear_ibuf [dreg:s6], $0x2FFFF;
	_ =	strace $0x9FFFFFFF  }
0xc2: {  	(tm) =	ssettm $0x7FFFFFFF  }
0xc3: {  	_ =	shalt  }
tec
execute0_lowered:
.L_overlay_start_1:
0x0: {  	(tag) =	ssettag $0x1  }
0x1: {  	s6 =	rddreg [dreg:$0x0]  }
0x2: {  	s1 =	rddreg [dreg:$0x1]  }
0x3: {  	s0 =	rddreg [dreg:$0x2]  }
0x4: {  	s3 =	srdreg.scid;
	s20 =	stileid.u32;
	s2 =	simm.s32 $0x0  }
0x5: {  	s15 =	simm.s32 $0x4F00;
	s16 =	simm.s32 $0x7B00;
	s17 =	simm.s32 $0xD580  }
0x6: {  	s18 =	simm.s32 $0xD300;
	s19 =	simm.s32 $0x80;
	s21 =	simm.s32 $0x0  }
0x7: {  	s8 =	sand.u32 $0x1, s3;
	s26 =	sshll.u32 s20, $0x1;
	[smem:$0x7FF] =	sst s2  }
0x8: {  	s4 =	sadd.s32 $0x18800, s6;
	s5 =	sadd.s32 $0x19400, s6;
	s12 =	smul.u32 $0xA00, s20  }
0x9: {  	s14 =	smul.u32 $0x5100, s20;
	p0 =	sne.s32 s20, $0x0;
	s20 =	simm.s32 $0xA700  }
0xa: {  	s3 =	sor.u32 s8, s26;
	_ =	strace $0x80000047;
	s31 =	smul.u32 $0x2880, s8  }
0xb: {  	s28 =	sshll.u32 s8, $0x4;
	s10 =	ssub.s32 $0x2, s8;
	s7 =	smul.u32 $0x580, s3  }
0xc: {  	s3 =	sadd.s32 $0x18E00, s6;
	s29 =	sshrl.u32 s10, $0x1;
	s30 =	sshrl.u32 s12, $0x2  }
0xd: {  	s11 =	sadd.s32 s28, s6;
	s13 =	ssub.s32 s10, s29;
	s8 =	sadd.s32 s30, s1  }
0xe: {  	s10 =	sadd.s32 $0x24600, s11;
	s12 =	sadd.s32 s31, s14;
	s14 =	simm.s32 $0x2780  }
0xf: {  	s9 =	sadd.s32 s7, s6;
	s11 =	smax.u32 s13, $0x1;
	s13 =	simm.s32 $0x1  }
0x10: {  	v0 =	vimm.f32 $0.0e+00;
	s6 =	sadd.s32 $0x2600, s9;
	s7 =	sadd.s32 $0xD600, s9;
	s9 =	sadd.s32 $0x19600, s9  }
.LBB2_1:
0x11: {  	[tilespmem:s2], [sflag:$0x1] =	stream.linear.gather [hbm4b:s3+s2], $0x2780, $0x38;
	[tilespmem:$0xD880] =	vst v63  }
0x12: {  	_ =	swait.ge [sflag:s13], $0x2780  }
0x13: {  	[sflag:s13] =	ssyncset.done $0x0  }
0x14: {  	[sflag:s13] =	ssyncadd.s32 $0xFFFFD880  }
0x15: {  	[tilespmem:s14], [sflag:$0x1] =	stream.linear.gather [hbm4b:s4+s2], $0x2780, $0x38;
	[tilespmem:$0xD880] =	vst v63  }
0x16: {  	_ =	swait.ge [sflag:s13], $0x2780  }
0x17: {  	[sflag:s13] =	ssyncset.done $0x0  }
0x18: {  	[sflag:s13] =	ssyncadd.s32 $0xFFFFD880  }
0x19: {  	[tilespmem:s15], [sflag:$0x1] =	stream.linear.gather [hbm4b:s6+s2], $0x2880, $0x38;
	[tilespmem:$0xD880] =	vst v63  }
0x1a: {  	_ =	swait.ge [sflag:s13], $0x2880  }
0x1b: {  	[sflag:s13] =	ssyncset.done $0x0  }
0x1c: {  	[sflag:s13] =	ssyncadd.s32 $0xFFFFD780  }
0x1d: {  	[tilespmem:s16], [sflag:$0x1] =	stream.linear.gather [hbm4b:s7+s2], $0x2880, $0x38;
	[tilespmem:$0xD880] =	vst v63  }
0x1e: {  	_ =	swait.ge [sflag:s13], $0x2880  }
0x1f: {  	[sflag:s13] =	ssyncset.done $0x0  }
0x20: {  	[sflag:s13] =	ssyncadd.s32 $0xFFFFD780  }
0x21: {  	[tilespmem:s17], [sflag:$0x1] =	stream.linear.gather [hbm4b:s5+s2], $0x80, $0x38;
	[tilespmem:$0xD880] =	vst v63  }
0x22: {  	_ =	swait.ge [sflag:s13], $0x80  }
0x23: {  	[sflag:s13] =	ssyncset.done $0x0  }
0x24: {  	[sflag:s13] =	ssyncadd.s32 $0xFFFFFF80  }
0x25: {  	[tilespmem:$0xD300] =	vst v0  }
0x26: {  	[tilespmem:$0xD310] =	vst v0  }
0x27: {  	[tilespmem:$0xD320] =	vst v0  }
0x28: {  	[tilespmem:$0xD330] =	vst v0  }
0x29: {  	[tilespmem:$0xD340] =	vst v0  }
0x2a: {  	[tilespmem:$0xD350] =	vst v0  }
0x2b: {  	[tilespmem:$0xD360] =	vst v0  }
0x2c: {  	[tilespmem:$0xD370] =	vst v0  }
0x2d: {  	[tilespmem:$0xD380] =	vst v0  }
0x2e: {  	[tilespmem:$0xD390] =	vst v0  }
0x2f: {  	[tilespmem:$0xD3A0] =	vst v0  }
0x30: {  	[tilespmem:$0xD3B0] =	vst v0  }
0x31: {  	[tilespmem:$0xD3C0] =	vst v0  }
0x32: {  	[tilespmem:$0xD3D0] =	vst v0  }
0x33: {  	[tilespmem:$0xD3E0] =	vst v0  }
0x34: {  	[tilespmem:$0xD3F0] =	vst v0  }
0x35: {  	[tilespmem:$0xD400] =	vst v0  }
0x36: {  	[tilespmem:$0xD410] =	vst v0  }
0x37: {  	[tilespmem:$0xD420] =	vst v0  }
0x38: {  	[tilespmem:$0xD430] =	vst v0  }
0x39: {  	[tilespmem:$0xD440] =	vst v0  }
0x3a: {  	[tilespmem:$0xD450] =	vst v0  }
0x3b: {  	[tilespmem:$0xD460] =	vst v0  }
0x3c: {  	[tilespmem:$0xD470] =	vst v0  }
0x3d: {  	[tilespmem:$0xD480] =	vst v0  }
0x3e: {  	[tilespmem:$0xD490] =	vst v0  }
0x3f: {  	[tilespmem:$0xD4A0] =	vst v0  }
0x40: {  	[tilespmem:$0xD4B0] =	vst v0  }
0x41: {  	[tilespmem:$0xD4C0] =	vst v0  }
0x42: {  	[tilespmem:$0xD4D0] =	vst v0  }
0x43: {  	[tilespmem:$0xD4E0] =	vst v0  }
0x44: {  	[tilespmem:$0xD4F0] =	vst v0  }
0x45: {  	[tilespmem:$0xD500] =	vst v0  }
0x46: {  	[tilespmem:$0xD510] =	vst v0  }
0x47: {  	[tilespmem:$0xD520] =	vst v0  }
0x48: {  	[tilespmem:$0xD530] =	vst v0  }
0x49: {  	[tilespmem:$0xD540] =	vst v0  }
0x4a: {  	[tilespmem:$0xD550] =	vst v0  }
0x4b: {  	[tilespmem:$0xD560] =	vst v0  }
0x4c: {  	[tilespmem:$0xD570] =	vst v0  }
0x4d: {  	[spmem:s8] =	stream.linear.scatter [tilespmem:s18], [sflag:$0x1], $0x280, $0x38;
	[tilespmem:$0xD880] =	vst v63  }
0x4e: {  	_ =	swait.ge [sflag:s13], $0x280  }
0x4f: {  	[sflag:s13] =	ssyncset.done $0x0  }
0x50: {  	s22 =	simm.s32 $0xA740;
	[sflag:s13] =	ssyncadd.s32 $0xFFFFFD80  }
0x51: {  	s23 =	simm.s32 $0x4F40;
	s24 =	simm.s32 $0x7B40;
	s25 =	simm.s32 $0x0;
	v1 =	vld [tilespmem:$0xD580]  }
.LBB2_2:
0x52: {  	v2 =	vld [tilespmem:s23+$0xFFFFFFC0]  }
0x53: {  	v3 =	vld [tilespmem:s24+$0xFFFFFFC0];
	_ =	sdelay $0x6  }
0x54: {  	v2 =	vld.idx.msk [tilespmem:v2+s2+$0x0], $0xffff  }
0x55: {  	v3 =	vld.idx.msk [tilespmem:v3+s14+$0x0], $0xffff;
	_ =	sdelay $0x4  }
0x56: {  	v2 =	vadd.f32 v3, v2;
	_ =	sdelay $0x1  }
0x57: {  	v3 =	vmul.f32 $2.000000030e-01, v2  }
0x58: {  	vm0 =	vge.f32 v2, $0.0e+00  }
0x59: {  	v2 =	vsel vm0, v2, v3  }
0x5a: {  	v2 =	vsub.f32 v2, v1;
	_ =	sdelay $0x1  }
0x5b: {  	v2 =	vmul.f32 $1.442695020e+00, v2;
	_ =	sdelay $0x1  }
0x5c: {  	(erf) = vpow2.f32 v2;
	_ =	sdelay $0x7  }
0x5d: {  	s26 =	sadd.s32 s25, s12  }
0x5e: {  	p1 =	slt.u32 s26, $0x50910;
	v2 =	vpop (erf)  }
0x5f: {  	v2 =	vpsel !p1, $0x0, v2  }
0x60: {  	[tilespmem:s22+$0xFFFFFFC0] =	vst v2  }
0x61: {  	v2 =	vld [tilespmem:s23+$0xFFFFFFD0]  }
0x62: {  	v3 =	vld [tilespmem:s24+$0xFFFFFFD0];
	_ =	sdelay $0x6  }
0x63: {  	v2 =	vld.idx.msk [tilespmem:v2+s2+$0x0], $0xffff  }
0x64: {  	v3 =	vld.idx.msk [tilespmem:v3+s14+$0x0], $0xffff;
	_ =	sdelay $0x4  }
0x65: {  	v2 =	vadd.f32 v3, v2;
	_ =	sdelay $0x1  }
0x66: {  	v3 =	vmul.f32 $2.000000030e-01, v2  }
0x67: {  	vm9 =	vge.f32 v2, $0.0e+00  }
0x68: {  	v2 =	vsel vm9, v2, v3  }
0x69: {  	v2 =	vsub.f32 v2, v1;
	_ =	sdelay $0x1  }
0x6a: {  	v2 =	vmul.f32 $1.442695020e+00, v2;
	_ =	sdelay $0x1  }
0x6b: {  	(erf) = vpow2.f32 v2;
	_ =	sdelay $0x7  }
0x6c: {  	s28 =	sadd.s32 $0x10, s26  }
0x6d: {  	p5 =	slt.u32 s28, $0x50910;
	v2 =	vpop (erf)  }
0x6e: {  	v2 =	vpsel !p5, $0x0, v2  }
0x6f: {  	[tilespmem:s22+$0xFFFFFFD0] =	vst v2  }
0x70: {  	v2 =	vld [tilespmem:s23+$0xFFFFFFE0]  }
0x71: {  	v3 =	vld [tilespmem:s24+$0xFFFFFFE0];
	_ =	sdelay $0x6  }
0x72: {  	v2 =	vld.idx.msk [tilespmem:v2+s2+$0x0], $0xffff  }
0x73: {  	v3 =	vld.idx.msk [tilespmem:v3+s14+$0x0], $0xffff;
	_ =	sdelay $0x4  }
0x74: {  	v2 =	vadd.f32 v3, v2;
	_ =	sdelay $0x1  }
0x75: {  	v3 =	vmul.f32 $2.000000030e-01, v2  }
0x76: {  	vm10 =	vge.f32 v2, $0.0e+00  }
0x77: {  	v2 =	vsel vm10, v2, v3  }
0x78: {  	v2 =	vsub.f32 v2, v1;
	_ =	sdelay $0x1  }
0x79: {  	v2 =	vmul.f32 $1.442695020e+00, v2;
	_ =	sdelay $0x1  }
0x7a: {  	(erf) = vpow2.f32 v2;
	_ =	sdelay $0x7  }
0x7b: {  	s30 =	sadd.s32 $0x20, s26  }
0x7c: {  	p6 =	slt.u32 s30, $0x50910;
	v2 =	vpop (erf)  }
0x7d: {  	v2 =	vpsel !p6, $0x0, v2  }
0x7e: {  	[tilespmem:s22+$0xFFFFFFE0] =	vst v2  }
0x7f: {  	v2 =	vld [tilespmem:s23+$0xFFFFFFF0]  }
0x80: {  	v3 =	vld [tilespmem:s24+$0xFFFFFFF0];
	_ =	sdelay $0x6  }
0x81: {  	v2 =	vld.idx.msk [tilespmem:v2+s2+$0x0], $0xffff  }
0x82: {  	v3 =	vld.idx.msk [tilespmem:v3+s14+$0x0], $0xffff;
	_ =	sdelay $0x4  }
0x83: {  	v2 =	vadd.f32 v3, v2;
	_ =	sdelay $0x1  }
0x84: {  	v3 =	vmul.f32 $2.000000030e-01, v2  }
0x85: {  	vm11 =	vge.f32 v2, $0.0e+00  }
0x86: {  	v2 =	vsel vm11, v2, v3  }
0x87: {  	v2 =	vsub.f32 v2, v1;
	_ =	sdelay $0x1  }
0x88: {  	v2 =	vmul.f32 $1.442695020e+00, v2;
	_ =	sdelay $0x1  }
0x89: {  	(erf) = vpow2.f32 v2;
	_ =	sdelay $0x7  }
0x8a: {  	s31 =	sadd.s32 $0x30, s26  }
0x8b: {  	p2 =	slt.u32 s31, $0x50910;
	v2 =	vpop (erf)  }
0x8c: {  	v2 =	vpsel !p2, $0x0, v2  }
0x8d: {  	[tilespmem:s22+$0xFFFFFFF0] =	vst v2  }
0x8e: {  	v2 =	vld [tilespmem:s23+$0x0]  }
0x8f: {  	v3 =	vld [tilespmem:s24+$0x0];
	_ =	sdelay $0x6  }
0x90: {  	v2 =	vld.idx.msk [tilespmem:v2+s2+$0x0], $0xffff  }
0x91: {  	v3 =	vld.idx.msk [tilespmem:v3+s14+$0x0], $0xffff;
	_ =	sdelay $0x4  }
0x92: {  	v2 =	vadd.f32 v3, v2;
	_ =	sdelay $0x1  }
0x93: {  	v3 =	vmul.f32 $2.000000030e-01, v2  }
0x94: {  	vm12 =	vge.f32 v2, $0.0e+00  }
0x95: {  	v2 =	vsel vm12, v2, v3  }
0x96: {  	v2 =	vsub.f32 v2, v1;
	_ =	sdelay $0x1  }
0x97: {  	v2 =	vmul.f32 $1.442695020e+00, v2;
	_ =	sdelay $0x1  }
0x98: {  	(erf) = vpow2.f32 v2;
	_ =	sdelay $0x7  }
0x99: {  	s29 =	sadd.s32 $0x40, s26  }
0x9a: {  	p3 =	slt.u32 s29, $0x50910;
	v2 =	vpop (erf)  }
0x9b: {  	v2 =	vpsel !p3, $0x0, v2  }
0x9c: {  	[tilespmem:s22+$0x0] =	vst v2  }
0x9d: {  	v2 =	vld [tilespmem:s23+$0x10]  }
0x9e: {  	v3 =	vld [tilespmem:s24+$0x10];
	_ =	sdelay $0x6  }
0x9f: {  	v2 =	vld.idx.msk [tilespmem:v2+s2+$0x0], $0xffff  }
0xa0: {  	v3 =	vld.idx.msk [tilespmem:v3+s14+$0x0], $0xffff;
	_ =	sdelay $0x4  }
0xa1: {  	v2 =	vadd.f32 v3, v2;
	_ =	sdelay $0x1  }
0xa2: {  	v3 =	vmul.f32 $2.000000030e-01, v2  }
0xa3: {  	vm13 =	vge.f32 v2, $0.0e+00  }
0xa4: {  	v2 =	vsel vm13, v2, v3  }
0xa5: {  	v2 =	vsub.f32 v2, v1;
	_ =	sdelay $0x1  }
0xa6: {  	v2 =	vmul.f32 $1.442695020e+00, v2;
	_ =	sdelay $0x1  }
0xa7: {  	(erf) = vpow2.f32 v2;
	_ =	sdelay $0x7  }
0xa8: {  	s30 =	sadd.s32 $0x50, s26  }
0xa9: {  	p4 =	slt.u32 s30, $0x50910;
	v2 =	vpop (erf)  }
0xaa: {  	v2 =	vpsel !p4, $0x0, v2  }
0xab: {  	[tilespmem:s22+$0x10] =	vst v2  }
0xac: {  	v2 =	vld [tilespmem:s23+$0x20]  }
0xad: {  	v3 =	vld [tilespmem:s24+$0x20];
	_ =	sdelay $0x6  }
0xae: {  	v2 =	vld.idx.msk [tilespmem:v2+s2+$0x0], $0xffff  }
0xaf: {  	v3 =	vld.idx.msk [tilespmem:v3+s14+$0x0], $0xffff;
	_ =	sdelay $0x4  }
0xb0: {  	v2 =	vadd.f32 v3, v2;
	_ =	sdelay $0x1  }
0xb1: {  	v3 =	vmul.f32 $2.000000030e-01, v2  }
0xb2: {  	vm14 =	vge.f32 v2, $0.0e+00  }
0xb3: {  	v2 =	vsel vm14, v2, v3  }
0xb4: {  	v2 =	vsub.f32 v2, v1;
	_ =	sdelay $0x1  }
0xb5: {  	v2 =	vmul.f32 $1.442695020e+00, v2;
	_ =	sdelay $0x1  }
0xb6: {  	(erf) = vpow2.f32 v2;
	_ =	sdelay $0x7  }
0xb7: {  	s31 =	sadd.s32 $0x60, s26  }
0xb8: {  	p5 =	slt.u32 s31, $0x50910;
	v2 =	vpop (erf)  }
0xb9: {  	v2 =	vpsel !p5, $0x0, v2  }
0xba: {  	[tilespmem:s22+$0x20] =	vst v2  }
0xbb: {  	v2 =	vld [tilespmem:s23+$0x30]  }
0xbc: {  	v3 =	vld [tilespmem:s24+$0x30];
	_ =	sdelay $0x6  }
0xbd: {  	v2 =	vld.idx.msk [tilespmem:v2+s2+$0x0], $0xffff  }
0xbe: {  	v3 =	vld.idx.msk [tilespmem:v3+s14+$0x0], $0xffff;
	_ =	sdelay $0x4  }
0xbf: {  	v2 =	vadd.f32 v3, v2;
	_ =	sdelay $0x1  }
0xc0: {  	v3 =	vmul.f32 $2.000000030e-01, v2  }
0xc1: {  	vm15 =	vge.f32 v2, $0.0e+00  }
0xc2: {  	v2 =	vsel vm15, v2, v3  }
0xc3: {  	v2 =	vsub.f32 v2, v1;
	_ =	sdelay $0x1  }
0xc4: {  	v2 =	vmul.f32 $1.442695020e+00, v2;
	_ =	sdelay $0x1  }
0xc5: {  	(erf) = vpow2.f32 v2;
	_ =	sdelay $0x5  }
0xc6: {  	p1 =	sne.s32 s25, $0x2800  }
.Ltmp0:
0xc7: {  	_ = 	snop;
	(pc) =	sbr.rel @p1 .LBB2_2-.Ltmp0, $4  }
0xc8: {  	s26 =	sadd.s32 $0x70, s26  }
0xc9: {  	p6 =	slt.u32 s26, $0x50910;
	v2 =	vpop (erf)  }
0xca: {  	s25 =	sadd.s32 $0x80, s25;
	v2 =	vpsel !p6, $0x0, v2  }
0xcb: {  	s23 =	sadd.s32 $0x80, s23;
	s24 =	sadd.s32 $0x80, s24;
	[tilespmem:s22+$0x30] =	vst v2;
	s22 =	sadd.s32 $0x80, s22  }
0xcc: {  	[bflag:$0x0] =	sbarrier.arrive $0xFFFF;
	s22 =	simm.s32 $0xA700;
	s23 =	simm.s32 $0x7B00  }
0xcd: {  	[spmem:s1] =	stream.indirect.scatter.add.f32 [tilespmem:s22], [sflag:$0x1], $0x1, s23, s19, $0xb8;
	[tilespmem:$0xD880] =	vst v63  }
0xce: {  	s22 =	simm.s32 $0x200;
	_ =	swait.ge [sflag:s13], $0x80  }
.LBB2_4:
0xcf: {  	s23 =	sshra.s32 s22, $0x2  }
0xd0: {  	[sflag:s13] =	ssyncset.done $0x0;
	p1 =	sne.s32 s22, $0xA000;
	s24 =	sadd.s32 $0xA700, s23  }
.Ltmp1:
0xd1: {  	s23 =	sadd.s32 $0x7B00, s23;
	[sflag:s13] =	ssyncadd.s32 $0xFFFFFF80;
	(pc) =	sbr.rel @p1 .LBB2_4-.Ltmp1, $3  }
0xd2: {  	[spmem:s1] =	stream.indirect.scatter.add.f32 [tilespmem:s24], [sflag:$0x1], $0x1, s23, s19, $0xb8;
	[tilespmem:$0xD880] =	vst v63  }
0xd3: {  	s22 =	sadd.s32 $0x200, s22;
	_ =	sdelay $0x1  }
0xd4: {  	_ =	swait.ge [sflag:s13], $0x80  }
0xd5: {  	[sflag:s13] =	ssyncset.done $0x0  }
0xd6: {  	[sflag:s13] =	ssyncadd.s32 $0xFFFFFF80  }
0xd7: {  	s22 =	sshrl.u32 @!p0 s1, $0x3;
	s23 =	simm.s32 @!p0 $0x1;
	[bflag:$0x0] =	sbarrier.arrive $0xFFFF  }
0xd8: {  	[hbm4b:s9+s2] =	stream.linear.scatter [tilespmem:s20], [sflag:$0x1], $0x2880, $0x38;
	[tilespmem:$0xD880] =	vst v63  }
0xd9: {  	s24 =	simm.s32 @!p0 $0x20;
	s21 =	sadd.s32 $0x1, s21;
	_ =	swait.ge [sflag:s13], $0x2880  }
0xda: {  	s25 =	simm.s32 @!p0 $0x10;
	p1 =	sne.s32 s21, s11;
	[sflag:s13] =	ssyncset.done $0x0  }
.Ltmp2:
0xdb: {  	s26 =	simm.s32 @!p0 $0x1C01;
	[sflag:s13] =	ssyncadd.s32 $0xFFFFD780;
	(pc) =	sbr.rel @p1 .LBB2_1-.Ltmp2, $4  }
0xdc: {  	[hbm:s10@s24], [sflag:s26] =	dma.strided @!p0 [spmem:s22@s25], $0x500, s23, $0x10   }
0xdd: {  	_ =	swait.ge @!p0 [sflag:s23], $0x500  }
0xde: {  	[sflag:s23] =	ssyncset.done @!p0 $0x0  }
0xdf: {  	[sflag:s23] =	ssyncadd.s32 @!p0 $0xFFFFFB00  }
0xe0: {  	_ =	sfence.sel $0x180000  }
0xe1: {  	[bflag:$0x0] =	sbarrier.arrive $0xFFFF  }
0xe2: {  	_ =	strace $0x90000047  }
0xe3: {  	s0 =	sadd.s32 @!p0 $0x100000, s0;
	[bflag:$0x2] =	sbarrier.arrive $0xFFFF  }
0xe4: {  	[sflag:s0] =	ssyncadd.tile.s32 @!p0 $0x1;
	_ =	shalt  }
.Lfunc_end2:
_tile_overlayer_lowered:
.L_overlay_start_2:
0xe5: {  	(tag) =	ssettag $0x2  }
0xe6: {  	s0 =	rddreg [dreg:$0x0];
	s2 =	stileid.u32  }
0xe7: {  	s1 =	rddreg [dreg:$0x1];
	p0 =	sne.s32 s2, $0x0  }
0xe8: {  	s3 =	rddreg [dreg:$0x2];
	[bflag:$0x3] =	sbarrier.arrive $0xFFFF;
	s2 =	simm.s32 @!p0 $0x1C01  }
0xe9: {  	[timem:s3], [sflag:s2] =	dma.local @!p0 [hbm:s0], s1  }
0xea: {  	s0 =	simm.s32 @!p0 $0x1  }
0xeb: {  	_ =	swait.ge @!p0 [sflag:s0], s1  }
0xec: {  	s1 =	ssub.s32 @!p0 $0x0, s1;
	[sflag:s0] =	ssyncset.done @!p0 $0x0  }
0xed: {  	[sflag:s0] =	ssyncadd.s32 @!p0 s1  }
0xee: {  	[bflag:$0x3] =	sbarrier.arrive $0xFFFF  }
0xef: {  	_ =	shalt  }

</sc_bundles>
